<compile_context>
chip_gen: v7x
topology: tpu7x:2x2x1
jax: 0.10.2.dev20260603
libtpu: 0.0.44.dev20260713+nightly
codegen_flags: <defaults>
</compile_context>

<pallas_src>
import functools

import jax
import jax.numpy as jnp
from jax import lax
from jax.experimental import pallas as pl
from jax.experimental.pallas import tpu as pltpu
from jax.experimental.pallas import tpu_sc as plsc

_NCORE = 2
_NSUB = 16
_NW = _NCORE * _NSUB
_LANE = 16

_CH = 128
_NPAD = 10240
_EPAD = 327680

_MM = dict(preferred_element_type=jnp.float32)



def _sc_degree(dst, zeros, ones):
    nchunk = dst.shape[1]
    npad, h = zeros.shape
    rps = npad // _NSUB

    mesh = plsc.VectorSubcoreMesh(
        core_axis_name="c", subcore_axis_name="s",
        num_cores=_NCORE, num_subcores=_NSUB)

    @functools.partial(
        pl.kernel,
        out_type=jax.ShapeDtypeStruct((_NCORE, npad, h), jnp.float32),
        mesh=mesh,
        scratch_types=[
            pltpu.VMEM_SHARED((npad, h), jnp.float32),
            pltpu.VMEM((_CH,), jnp.int32),
            pltpu.VMEM((_CH,), jnp.int32),
            pltpu.VMEM((_CH, h), jnp.float32),
            pltpu.SemaphoreType.DMA,
            pltpu.SemaphoreType.DMA,
            pltpu.SemaphoreType.DMA,
            pltpu.SemaphoreType.DMA,
        ],
    )
    def kern(dst_h, zeros_h, ones_h, out_h, acc, dstb0, dstb1, onesv,
             sd0, sd1, ssc0, ssc1):
        c = lax.axis_index("c")
        s = lax.axis_index("s")
        wid = c * _NSUB + s
        pltpu.sync_copy(zeros_h.at[pl.ds(s * rps, rps)],
                        acc.at[pl.ds(s * rps, rps)])
        pltpu.sync_copy(ones_h, onesv)
        plsc.subcore_barrier()

        dstb = (dstb0, dstb1)
        sd = (sd0, sd1)

        sc = (ssc0, ssc1)

        def dst_load(i, p, wait):
            cp = pltpu.make_async_copy(dst_h.at[wid, i], dstb[p], sd[p])
            cp.wait() if wait else cp.start()

        def scatter(p, wait):
            if wait:
                pltpu.make_async_copy(onesv, acc.at[dstb[p]], sc[p]).wait()
            else:
                pltpu.async_copy(onesv, acc.at[dstb[p]], sc[p], add=True)

        dst_load(0, 0, False)

        def step(i, p, scwait):
            if scwait:
                scatter(1 - p, True)
            dst_load(i + 1, 1 - p, False)
            dst_load(i, p, True)
            scatter(p, False)

        def pair(g, carry):
            step(2 * g + 1, 1, True)
            step(2 * g + 2, 0, True)
            return carry

        step(0, 0, False)
        lax.fori_loop(0, (nchunk - 2) // 2, pair, 0)
        dst_load(nchunk - 1, 1, True)
        scatter(1, False)
        scatter(0, True)
        scatter(1, True)

        plsc.subcore_barrier()
        pltpu.sync_copy(acc.at[pl.ds(s * rps, rps)],
                        out_h.at[c, pl.ds(s * rps, rps)])

    return kern(dst, zeros, ones)


def _sc_propagate(table, src, dst, zeros):
    _, h = table.shape
    npad = zeros.shape[0]
    nchunk = src.shape[1]
    rps = npad // _NSUB

    mesh = plsc.VectorSubcoreMesh(
        core_axis_name="c", subcore_axis_name="s",
        num_cores=_NCORE, num_subcores=_NSUB)

    @functools.partial(
        pl.kernel,
        out_type=jax.ShapeDtypeStruct((_NCORE, npad, h), jnp.float32),
        mesh=mesh,
        scratch_types=[
            pltpu.VMEM_SHARED((npad, h), jnp.float32),
            pltpu.VMEM((_CH,), jnp.int32),
            pltpu.VMEM((_CH,), jnp.int32),
            pltpu.VMEM((_CH,), jnp.int32),
            pltpu.VMEM((_CH,), jnp.int32),
            pltpu.VMEM((_CH, h), jnp.float32),
            pltpu.VMEM((_CH, h), jnp.float32),
            pltpu.SemaphoreType.DMA,
            pltpu.SemaphoreType.DMA,
            pltpu.SemaphoreType.DMA,
            pltpu.SemaphoreType.DMA,
            pltpu.SemaphoreType.DMA,
            pltpu.SemaphoreType.DMA,
            pltpu.SemaphoreType.DMA,
            pltpu.SemaphoreType.DMA,
        ],
    )
    def kern(table_h, src_h, dst_h, zeros_h, out_h, acc, srcb0, srcb1,
             dstb0, dstb1, rows0, rows1, ss0, ss1, sd0, sd1, sg0, sg1,
             ssc0, ssc1):
        c = lax.axis_index("c")
        s = lax.axis_index("s")
        wid = c * _NSUB + s
        pltpu.sync_copy(zeros_h.at[pl.ds(s * rps, rps)],
                        acc.at[pl.ds(s * rps, rps)])
        plsc.subcore_barrier()

        srcb = (srcb0, srcb1)
        dstb = (dstb0, dstb1)
        rows = (rows0, rows1)
        ss = (ss0, ss1)
        sd = (sd0, sd1)
        sg = (sg0, sg1)
        sc = (ssc0, ssc1)

        def src_load(i, p, wait):
            cp = pltpu.make_async_copy(src_h.at[wid, i], srcb[p], ss[p])
            cp.wait() if wait else cp.start()

        def dst_load(i, p, wait):
            cp = pltpu.make_async_copy(dst_h.at[wid, i], dstb[p], sd[p])
            cp.wait() if wait else cp.start()

        def gather(i, p, wait):
            cp = pltpu.make_async_copy(table_h.at[srcb[p]], rows[p], sg[p])
            cp.wait() if wait else cp.start()

        def scatter(p, wait):
            if wait:
                pltpu.make_async_copy(rows[p], acc.at[dstb[p]], sc[p]).wait()
            else:
                pltpu.async_copy(rows[p], acc.at[dstb[p]], sc[p], add=True)

        src_load(0, 0, False)
        src_load(0, 0, True)
        gather(0, 0, False)
        src_load(1, 1, False)
        dst_load(0, 0, False)

        def step(i, p, srcload2, scwait):
            src_load(i + 1, 1 - p, True)
            if scwait:
                scatter(1 - p, True)
            gather(i + 1, 1 - p, False)
            dst_load(i + 1, 1 - p, False)
            gather(i, p, True)
            if srcload2:
                src_load(i + 2, p, False)
            dst_load(i, p, True)
            scatter(p, False)

        def pair(g, carry):
            step(2 * g + 1, 1, True, True)
            step(2 * g + 2, 0, True, True)
            return carry

        step(0, 0, True, False)
        lax.fori_loop(0, (nchunk - 4) // 2, pair, 0)
        step(nchunk - 3, 1, True, True)
        step(nchunk - 2, 0, False, True)
        gather(nchunk - 1, 1, True)
        dst_load(nchunk - 1, 1, True)
        scatter(1, False)
        scatter(0, True)
        scatter(1, True)

        plsc.subcore_barrier()
        pltpu.sync_copy(acc.at[pl.ds(s * rps, rps)],
                        out_h.at[c, pl.ds(s * rps, rps)])

    return kern(table, src, dst, zeros)



_BN = 2000


def _tc_ab_body(x_ref, w1_ref, b1_ref, w0_ref, b0_ref, degp_ref, out0_ref,
                hp_ref, dinvb_ref):
    hv = jnp.maximum(jnp.dot(x_ref[...], w1_ref[...], **_MM) + b1_ref[...],
                     0.0)
    out0_ref[...] = jnp.dot(hv, w0_ref[...], **_MM) + b0_ref[...]
    deg = degp_ref[0] + degp_ref[1]
    dtot = jnp.max(deg, axis=-1, keepdims=True) + 1.0
    dinv = lax.rsqrt(dtot)
    hp_ref[...] = hv * dinv
    dinvb_ref[...] = jnp.broadcast_to(dinv, dinvb_ref.shape)


def _tc_c_body(sp_ref, hp_ref, dinvb_ref, w_ref, b_ref, out_ref, hnextp_ref):
    ssum = sp_ref[0] + sp_ref[1] + hp_ref[...]
    dinv = dinvb_ref[...]
    h1 = dinv * ssum
    out_ref[...] = jnp.dot(h1, w_ref[...], **_MM) + b_ref[...]
    hnextp_ref[...] = dinv * h1


def _tc_d_body(sp_ref, h1p_ref, dinvb_ref, w2_ref, b2_ref, out0_ref,
               out1_ref, v0_ref, v1_ref, v2_ref, bl2_ref, logp_ref):
    h2 = dinvb_ref[...] * (sp_ref[0] + sp_ref[1] + h1p_ref[...])
    out2 = jnp.dot(h2, w2_ref[...], **_MM) + b2_ref[...]
    z = (jnp.dot(jnp.maximum(out0_ref[...], 0.0), v0_ref[...], **_MM)
         + jnp.dot(jnp.maximum(out1_ref[...], 0.0), v1_ref[...], **_MM)
         + jnp.dot(jnp.maximum(out2, 0.0), v2_ref[...], **_MM)
         + bl2_ref[...])
    m = jnp.max(z, axis=-1, keepdims=True)
    zs = z - m
    logp_ref[...] = zs - jnp.log(jnp.sum(jnp.exp(zs), axis=-1, keepdims=True))


def _row_spec(width):
    return pl.BlockSpec((_BN, width), lambda i: (i, 0))


def _full_spec(shape):
    nd = len(shape)
    return pl.BlockSpec(shape, lambda i: (0,) * nd)


def _part_spec(width):
    return pl.BlockSpec((_NCORE, _BN, width), lambda i: (0, i, 0))



def kernel(x, edge_index, W_lin1, b_lin1, W0, b0, W1, b1, W2, b2, W_lin2,
           b_lin2):
    n, f = x.shape
    hdim = W_lin1.shape[1]
    cdim = W_lin2.shape[1]
    grid = (n // _BN,)

    e = edge_index.shape[1]
    epw_real = e // _NW
    ppw = (_EPAD - e) // _NW
    npadrows = _NPAD - n
    pad_src = jnp.broadcast_to(
        jnp.arange(ppw, dtype=jnp.int32) % n, (_NW, ppw))
    pad_dst = jnp.broadcast_to(
        n + (jnp.arange(ppw, dtype=jnp.int32) % npadrows), (_NW, ppw))
    nchunk = (_EPAD // _NW) // _CH
    src3 = jnp.concatenate(
        [edge_index[0].reshape(_NW, epw_real), pad_src],
        axis=1).reshape(_NW, nchunk, _CH)
    dst3 = jnp.concatenate(
        [edge_index[1].reshape(_NW, epw_real), pad_dst],
        axis=1).reshape(_NW, nchunk, _CH)
    zerosh = jnp.zeros((_NPAD, hdim), jnp.float32)
    onesh = jnp.ones((_CH, hdim), jnp.float32)
    b1r = b_lin1.reshape(1, hdim)
    b0r = b0.reshape(1, hdim)
    b1wr = b1.reshape(1, hdim)
    b2r = b2.reshape(1, hdim)
    bl2r = b_lin2.reshape(1, cdim)
    v0, v1, v2 = (W_lin2[0:hdim], W_lin2[hdim:2 * hdim],
                  W_lin2[2 * hdim:3 * hdim])

    degp = _sc_degree(dst3, zerosh, onesh)

    out0, hp, dinvb = pl.pallas_call(
        _tc_ab_body,
        grid=grid,
        in_specs=[_row_spec(f), _full_spec((f, hdim)), _full_spec((1, hdim)),
                  _full_spec((hdim, hdim)), _full_spec((1, hdim)),
                  _part_spec(hdim)],
        out_specs=[_row_spec(hdim), _row_spec(hdim), _row_spec(hdim)],
        out_shape=[jax.ShapeDtypeStruct((n, hdim), jnp.float32)] * 3,
    )(x, W_lin1, b1r, W0, b0r, degp)

    s1p = _sc_propagate(hp, src3, dst3, zerosh)

    out1, h1p = pl.pallas_call(
        _tc_c_body,
        grid=grid,
        in_specs=[_part_spec(hdim), _row_spec(hdim), _row_spec(hdim),
                  _full_spec((hdim, hdim)), _full_spec((1, hdim))],
        out_specs=[_row_spec(hdim), _row_spec(hdim)],
        out_shape=[jax.ShapeDtypeStruct((n, hdim), jnp.float32)] * 2,
    )(s1p, hp, dinvb, W1, b1wr)

    s2p = _sc_propagate(h1p, src3, dst3, zerosh)

    logp = pl.pallas_call(
        _tc_d_body,
        grid=grid,
        in_specs=[_part_spec(hdim), _row_spec(hdim), _row_spec(hdim),
                  _full_spec((hdim, hdim)), _full_spec((1, hdim)),
                  _row_spec(hdim), _row_spec(hdim),
                  _full_spec((hdim, cdim)), _full_spec((hdim, cdim)),
                  _full_spec((hdim, cdim)), _full_spec((1, cdim))],
        out_specs=_row_spec(cdim),
        out_shape=jax.ShapeDtypeStruct((n, cdim), jnp.float32),
    )(s2p, h1p, dinvb, W2, b2r, out0, out1, v0, v1, v2, bl2r)

    return logp

# --- scband reference (transcript-rebuilt; emitter-appended) ---
"""Pipeline reference for scband-mixhop-net-26439818674272 (READ-ONLY COPY).

The authoritative reference and input builder live on the scoring server;
editing this copy changes nothing except your own understanding.
"""

import jax, jax.numpy as jnp
import numpy as np

N = 10000
E = 320000
F_IN = 128
H = 128
C = 40


def setup_inputs(seed: int = 0) -> dict:
    key = jax.random.key(seed)
    ks = jax.random.split(key, 12)
    x = jax.random.normal(ks[0], (N, F_IN), dtype=jnp.float32)
    edge_index = jax.random.randint(ks[1], (2, E), 0, N, dtype=jnp.int32)
    s1 = 1.0 / np.sqrt(F_IN)
    s2 = 1.0 / np.sqrt(H)
    s3 = 1.0 / np.sqrt(3 * H)
    W_lin1 = jax.random.normal(ks[2], (F_IN, H), dtype=jnp.float32) * s1
    b_lin1 = jnp.zeros((H,), dtype=jnp.float32)
    W0 = jax.random.normal(ks[3], (H, H), dtype=jnp.float32) * s2
    b0 = jnp.zeros((H,), dtype=jnp.float32)
    W1 = jax.random.normal(ks[4], (H, H), dtype=jnp.float32) * s2
    b1 = jnp.zeros((H,), dtype=jnp.float32)
    W2 = jax.random.normal(ks[5], (H, H), dtype=jnp.float32) * s2
    b2 = jnp.zeros((H,), dtype=jnp.float32)
    W_lin2 = jax.random.normal(ks[6], (3 * H, C), dtype=jnp.float32) * s3
    b_lin2 = jnp.zeros((C,), dtype=jnp.float32)
    return {"x": x, "edge_index": edge_index, "W_lin1": W_lin1, "b_lin1": b_lin1,
            "W0": W0, "b0": b0, "W1": W1, "b1": b1, "W2": W2, "b2": b2,
            "W_lin2": W_lin2, "b_lin2": b_lin2}


def _gcn_norm(edge_index, num_nodes):
    loop = jnp.arange(num_nodes, dtype=edge_index.dtype)
    src = jnp.concatenate([edge_index[0], loop])
    dst = jnp.concatenate([edge_index[1], loop])
    ew = jnp.ones(src.shape[0], dtype=jnp.float32)
    deg = jnp.zeros((num_nodes,), dtype=jnp.float32).at[dst].add(ew)
    dinv = 1.0 / jnp.sqrt(deg)
    dinv = jnp.where(jnp.isinf(dinv), 0.0, dinv)
    w = dinv[src] * ew * dinv[dst]
    return src, dst, w


def _propagate(h, src, dst, w, num_nodes):
    msg = w[:, None] * jnp.take(h, src, axis=0)
    return jnp.zeros_like(h).at[dst].add(msg)


def reference(x, edge_index, W_lin1, b_lin1, W0, b0, W1, b1, W2, b2, W_lin2, b_lin2):
    n = x.shape[0]
    h = jax.nn.relu(x @ W_lin1 + b_lin1)
    # dropout is identity in eval mode
    src, dst, w = _gcn_norm(edge_index, n)
    out0 = h @ W0 + b0
    h1 = _propagate(h, src, dst, w, n)
    out1 = h1 @ W1 + b1
    h2 = _propagate(h1, src, dst, w, n)
    out2 = h2 @ W2 + b2
    out = jnp.concatenate([out0, out1, out2], axis=-1)
    out = jax.nn.relu(out)
    logits = out @ W_lin2 + b_lin2
    return jax.nn.log_softmax(logits, axis=1)

if __name__ == "__main__":
    import jax
    _d = setup_inputs()
    print(jax.jit(kernel)(*tuple(_d.values())))

</pallas_src>

<mosaic_0001>
#map = affine_map<(d0, d1) -> (0, 0, 0)>
#map1 = affine_map<(d0, d1) -> (0, 0)>
module attributes {stable_mosaic.version = 14 : i64} {
  func.func @kern(%arg0: i32, %arg1: i32, %arg2: memref<32x80x128xi32, #tpu.memory_space<hbm>>, %arg3: memref<10240x128xf32, #tpu.memory_space<hbm>>, %arg4: memref<128x128xf32, #tpu.memory_space<hbm>>, %arg5: memref<2x10240x128xf32, #tpu.memory_space<hbm>>, %arg6: memref<10240x128xf32, #tpu.memory_space<vmem_shared>>, %arg7: memref<128xi32, #tpu.memory_space<vmem>>, %arg8: memref<128xi32, #tpu.memory_space<vmem>>, %arg9: memref<128x128xf32, #tpu.memory_space<vmem>>, %arg10: memref<!tpu.dma_semaphore, #tpu.memory_space<semaphore_mem>>, %arg11: memref<!tpu.dma_semaphore, #tpu.memory_space<semaphore_mem>>, %arg12: memref<!tpu.dma_semaphore, #tpu.memory_space<semaphore_mem>>, %arg13: memref<!tpu.dma_semaphore, #tpu.memory_space<semaphore_mem>>) attributes {dimension_semantics = [#tpu.dimension_semantics<core_parallel>, #tpu.dimension_semantics<subcore_parallel>], iteration_bounds = array<i64: 2, 16>, scalar_prefetch = 0 : i64, scratch_operands = 8 : i64, tpu.core_type = #tpu.core_type<sc_vector_subcore>, window_params = [{transform_indices = #map}, {transform_indices = #map1}, {transform_indices = #map1}, {transform_indices = #map}]} {
    %mul3A = arith.constant 16 : i32
    %mul3A_0 = arith.muli %arg0, %mul3A : i32
    %add3A = arith.addi %mul3A_0, %arg1 : i32
    %mul3A_1 = arith.constant 640 : i32
    %mul3A_2 = arith.muli %arg1, %mul3A_1 : i32
    %mul3A_3 = arith.constant 640 : i32
    %mul3A_4 = arith.muli %arg1, %mul3A_3 : i32
    "tpu.region"() ({
      %run_scoped3A = tpu.sem_alloc : memref<!tpu.dma_semaphore, #tpu.memory_space<semaphore_mem>>
      %dma_start3A_53 = arith.constant 0 : i32
      %dma_start3A_54 = tpu.memref_slice %arg6[%mul3A_4, %dma_start3A_53] : memref<10240x128xf32, #tpu.memory_space<vmem_shared>> -> memref<640x128xf32, #tpu.memory_space<vmem_shared>>
      %dma_start3A_55 = arith.constant 0 : i32
      %dma_start3A_56 = tpu.memref_slice %arg3[%mul3A_2, %dma_start3A_55] : memref<10240x128xf32, #tpu.memory_space<hbm>> -> memref<640x128xf32, #tpu.memory_space<hbm>>
      tpu.enqueue_dma source(%dma_start3A_56 : memref<640x128xf32, #tpu.memory_space<hbm>>) target(%dma_start3A_54 : memref<640x128xf32, #tpu.memory_space<vmem_shared>>) target_semaphore(%run_scoped3A : memref<!tpu.dma_semaphore, #tpu.memory_space<semaphore_mem>>)
      %dma_wait3A_57 = arith.constant 0 : i32
      %dma_wait3A_58 = tpu.memref_slice %arg6[%mul3A_4, %dma_wait3A_57] : memref<10240x128xf32, #tpu.memory_space<vmem_shared>> -> memref<640x128xf32, #tpu.memory_space<vmem_shared>>
      %dma_wait3A_59 = arith.constant 0 : i32
      %dma_wait3A_60 = tpu.memref_slice %arg3[%mul3A_2, %dma_wait3A_59] : memref<10240x128xf32, #tpu.memory_space<hbm>> -> memref<640x128xf32, #tpu.memory_space<hbm>>
      tpu.wait_dma2 semaphore(%run_scoped3A : memref<!tpu.dma_semaphore, #tpu.memory_space<semaphore_mem>>) src(%dma_wait3A_60 : memref<640x128xf32, #tpu.memory_space<hbm>>) dst(%dma_wait3A_58 : memref<640x128xf32, #tpu.memory_space<vmem_shared>>)
      tpu.yield
    }) : () -> ()
    "tpu.region"() ({
      %run_scoped3A = tpu.sem_alloc : memref<!tpu.dma_semaphore, #tpu.memory_space<semaphore_mem>>
      tpu.enqueue_dma source(%arg4 : memref<128x128xf32, #tpu.memory_space<hbm>>) target(%arg9 : memref<128x128xf32, #tpu.memory_space<vmem>>) target_semaphore(%run_scoped3A : memref<!tpu.dma_semaphore, #tpu.memory_space<semaphore_mem>>)
      tpu.wait_dma2 semaphore(%run_scoped3A : memref<!tpu.dma_semaphore, #tpu.memory_space<semaphore_mem>>) src(%arg4 : memref<128x128xf32, #tpu.memory_space<hbm>>) dst(%arg9 : memref<128x128xf32, #tpu.memory_space<vmem>>)
      tpu.yield
    }) : () -> ()
    %barrier3A = arith.constant 0 : index
    tpu.barrier barrier_id(%barrier3A)
    %dma_start3A = arith.constant 0 : i32
    %dma_start3A_5 = arith.constant 0 : i32
    %dma_start3A_6 = tpu.memref_slice %arg2[%add3A, %dma_start3A, %dma_start3A_5] : memref<32x80x128xi32, #tpu.memory_space<hbm>> -> memref<1x1x128xi32, #tpu.memory_space<hbm>>
    %dma_start3A_7 = tpu.memref_squeeze %dma_start3A_6 : memref<1x1x128xi32, #tpu.memory_space<hbm>> -> memref<128xi32, #tpu.memory_space<hbm>>
    %dma_start3A_8 = arith.constant 0 : i32
    %dma_start3A_9 = tpu.memref_slice %arg2[%add3A, %dma_start3A, %dma_start3A_8] : memref<32x80x128xi32, #tpu.memory_space<hbm>> -> memref<1x1x128xi32, #tpu.memory_space<hbm>>
    %dma_start3A_10 = tpu.memref_squeeze %dma_start3A_9 : memref<1x1x128xi32, #tpu.memory_space<hbm>> -> memref<128xi32, #tpu.memory_space<hbm>>
    tpu.enqueue_dma source(%dma_start3A_10 : memref<128xi32, #tpu.memory_space<hbm>>) target(%arg7 : memref<128xi32, #tpu.memory_space<vmem>>) target_semaphore(%arg10 : memref<!tpu.dma_semaphore, #tpu.memory_space<semaphore_mem>>)
    %dma_start3A_11 = arith.constant 1 : i32
    %dma_start3A_12 = arith.constant 0 : i32
    %dma_start3A_13 = tpu.memref_slice %arg2[%add3A, %dma_start3A_11, %dma_start3A_12] : memref<32x80x128xi32, #tpu.memory_space<hbm>> -> memref<1x1x128xi32, #tpu.memory_space<hbm>>
    %dma_start3A_14 = tpu.memref_squeeze %dma_start3A_13 : memref<1x1x128xi32, #tpu.memory_space<hbm>> -> memref<128xi32, #tpu.memory_space<hbm>>
    %dma_start3A_15 = arith.constant 0 : i32
    %dma_start3A_16 = tpu.memref_slice %arg2[%add3A, %dma_start3A_11, %dma_start3A_15] : memref<32x80x128xi32, #tpu.memory_space<hbm>> -> memref<1x1x128xi32, #tpu.memory_space<hbm>>
    %dma_start3A_17 = tpu.memref_squeeze %dma_start3A_16 : memref<1x1x128xi32, #tpu.memory_space<hbm>> -> memref<128xi32, #tpu.memory_space<hbm>>
    tpu.enqueue_dma source(%dma_start3A_17 : memref<128xi32, #tpu.memory_space<hbm>>) target(%arg8 : memref<128xi32, #tpu.memory_space<vmem>>) target_semaphore(%arg11 : memref<!tpu.dma_semaphore, #tpu.memory_space<semaphore_mem>>)
    %dma_wait3A = arith.constant 0 : i32
    %dma_wait3A_18 = arith.constant 0 : i32
    %dma_wait3A_19 = tpu.memref_slice %arg2[%add3A, %dma_wait3A, %dma_wait3A_18] : memref<32x80x128xi32, #tpu.memory_space<hbm>> -> memref<1x1x128xi32, #tpu.memory_space<hbm>>
    %dma_wait3A_20 = tpu.memref_squeeze %dma_wait3A_19 : memref<1x1x128xi32, #tpu.memory_space<hbm>> -> memref<128xi32, #tpu.memory_space<hbm>>
    %dma_wait3A_21 = arith.constant 0 : i32
    %dma_wait3A_22 = tpu.memref_slice %arg2[%add3A, %dma_wait3A, %dma_wait3A_21] : memref<32x80x128xi32, #tpu.memory_space<hbm>> -> memref<1x1x128xi32, #tpu.memory_space<hbm>>
    %dma_wait3A_23 = tpu.memref_squeeze %dma_wait3A_22 : memref<1x1x128xi32, #tpu.memory_space<hbm>> -> memref<128xi32, #tpu.memory_space<hbm>>
    tpu.wait_dma2 semaphore(%arg10 : memref<!tpu.dma_semaphore, #tpu.memory_space<semaphore_mem>>) src(%dma_wait3A_23 : memref<128xi32, #tpu.memory_space<hbm>>) dst(%arg7 : memref<128xi32, #tpu.memory_space<vmem>>)
    %dma_start3A_24 = arith.constant 0 : i32
    %dma_start3A_25 = arith.constant 0 : i32
    %dma_start3A_26 = tpu.memref_slice %arg6[%dma_start3A_24, %dma_start3A_25] : memref<10240x128xf32, #tpu.memory_space<vmem_shared>> -> memref<10240x128xf32, #tpu.memory_space<vmem_shared>>
    tpu.enqueue_indirect_dma source(%arg9 : memref<128x128xf32, #tpu.memory_space<vmem>>) target(%dma_start3A_26 : memref<10240x128xf32, #tpu.memory_space<vmem_shared>>) offsets(%arg7 : memref<128xi32, #tpu.memory_space<vmem>>) semaphore(%arg12 : memref<!tpu.dma_semaphore, #tpu.memory_space<semaphore_mem>>) {add = true}
    %scan3A = arith.constant 0 : i32
    %scan3A_27 = arith.constant 0 : i32
    %scan3A_28 = arith.constant 39 : i32
    %scan3A_29 = arith.addi %scan3A_27, %scan3A_28 : i32
    %scan3A_30 = arith.constant 1 : i32
    scf.for %scan3A_53 = %scan3A_27 to %scan3A_29 step %scan3A_30  : i32 {
      %mul3A_54 = arith.constant 2 : i32
      %mul3A_55 = arith.muli %mul3A_54, %scan3A_53 : i32
      %add3A_56 = arith.constant 1 : i32
      %add3A_57 = arith.addi %mul3A_55, %add3A_56 : i32
      %dma_wait3A_58 = arith.constant 0 : i32
      %dma_wait3A_59 = arith.constant 0 : i32
      %dma_wait3A_60 = tpu.memref_slice %arg6[%dma_wait3A_58, %dma_wait3A_59] : memref<10240x128xf32, #tpu.memory_space<vmem_shared>> -> memref<10240x128xf32, #tpu.memory_space<vmem_shared>>
      tpu.wait_indirect_dma semaphore(%arg12 : memref<!tpu.dma_semaphore, #tpu.memory_space<semaphore_mem>>) src(%arg9 : memref<128x128xf32, #tpu.memory_space<vmem>>) dst(%dma_wait3A_60 : memref<10240x128xf32, #tpu.memory_space<vmem_shared>>)
      %add3A_61 = arith.constant 1 : i32
      %add3A_62 = arith.addi %add3A_57, %add3A_61 : i32
      %dma_start3A_63 = arith.constant 0 : i32
      %dma_start3A_64 = tpu.memref_slice %arg2[%add3A, %add3A_62, %dma_start3A_63] : memref<32x80x128xi32, #tpu.memory_space<hbm>> -> memref<1x1x128xi32, #tpu.memory_space<hbm>>
      %dma_start3A_65 = tpu.memref_squeeze %dma_start3A_64 : memref<1x1x128xi32, #tpu.memory_space<hbm>> -> memref<128xi32, #tpu.memory_space<hbm>>
      %dma_start3A_66 = arith.constant 0 : i32
      %dma_start3A_67 = tpu.memref_slice %arg2[%add3A, %add3A_62, %dma_start3A_66] : memref<32x80x128xi32, #tpu.memory_space<hbm>> -> memref<1x1x128xi32, #tpu.memory_space<hbm>>
      %dma_start3A_68 = tpu.memref_squeeze %dma_start3A_67 : memref<1x1x128xi32, #tpu.memory_space<hbm>> -> memref<128xi32, #tpu.memory_space<hbm>>
      tpu.enqueue_dma source(%dma_start3A_68 : memref<128xi32, #tpu.memory_space<hbm>>) target(%arg7 : memref<128xi32, #tpu.memory_space<vmem>>) target_semaphore(%arg10 : memref<!tpu.dma_semaphore, #tpu.memory_space<semaphore_mem>>)
      %dma_wait3A_69 = arith.constant 0 : i32
      %dma_wait3A_70 = tpu.memref_slice %arg2[%add3A, %add3A_57, %dma_wait3A_69] : memref<32x80x128xi32, #tpu.memory_space<hbm>> -> memref<1x1x128xi32, #tpu.memory_space<hbm>>
      %dma_wait3A_71 = tpu.memref_squeeze %dma_wait3A_70 : memref<1x1x128xi32, #tpu.memory_space<hbm>> -> memref<128xi32, #tpu.memory_space<hbm>>
      %dma_wait3A_72 = arith.constant 0 : i32
      %dma_wait3A_73 = tpu.memref_slice %arg2[%add3A, %add3A_57, %dma_wait3A_72] : memref<32x80x128xi32, #tpu.memory_space<hbm>> -> memref<1x1x128xi32, #tpu.memory_space<hbm>>
      %dma_wait3A_74 = tpu.memref_squeeze %dma_wait3A_73 : memref<1x1x128xi32, #tpu.memory_space<hbm>> -> memref<128xi32, #tpu.memory_space<hbm>>
      tpu.wait_dma2 semaphore(%arg11 : memref<!tpu.dma_semaphore, #tpu.memory_space<semaphore_mem>>) src(%dma_wait3A_74 : memref<128xi32, #tpu.memory_space<hbm>>) dst(%arg8 : memref<128xi32, #tpu.memory_space<vmem>>)
      %dma_start3A_75 = arith.constant 0 : i32
      %dma_start3A_76 = arith.constant 0 : i32
      %dma_start3A_77 = tpu.memref_slice %arg6[%dma_start3A_75, %dma_start3A_76] : memref<10240x128xf32, #tpu.memory_space<vmem_shared>> -> memref<10240x128xf32, #tpu.memory_space<vmem_shared>>
      tpu.enqueue_indirect_dma source(%arg9 : memref<128x128xf32, #tpu.memory_space<vmem>>) target(%dma_start3A_77 : memref<10240x128xf32, #tpu.memory_space<vmem_shared>>) offsets(%arg8 : memref<128xi32, #tpu.memory_space<vmem>>) semaphore(%arg13 : memref<!tpu.dma_semaphore, #tpu.memory_space<semaphore_mem>>) {add = true}
      %mul3A_78 = arith.constant 2 : i32
      %mul3A_79 = arith.muli %mul3A_78, %scan3A_53 : i32
      %add3A_80 = arith.constant 2 : i32
      %add3A_81 = arith.addi %mul3A_79, %add3A_80 : i32
      %dma_wait3A_82 = arith.constant 0 : i32
      %dma_wait3A_83 = arith.constant 0 : i32
      %dma_wait3A_84 = tpu.memref_slice %arg6[%dma_wait3A_82, %dma_wait3A_83] : memref<10240x128xf32, #tpu.memory_space<vmem_shared>> -> memref<10240x128xf32, #tpu.memory_space<vmem_shared>>
      tpu.wait_indirect_dma semaphore(%arg13 : memref<!tpu.dma_semaphore, #tpu.memory_space<semaphore_mem>>) src(%arg9 : memref<128x128xf32, #tpu.memory_space<vmem>>) dst(%dma_wait3A_84 : memref<10240x128xf32, #tpu.memory_space<vmem_shared>>)
      %add3A_85 = arith.constant 1 : i32
      %add3A_86 = arith.addi %add3A_81, %add3A_85 : i32
      %dma_start3A_87 = arith.constant 0 : i32
      %dma_start3A_88 = tpu.memref_slice %arg2[%add3A, %add3A_86, %dma_start3A_87] : memref<32x80x128xi32, #tpu.memory_space<hbm>> -> memref<1x1x128xi32, #tpu.memory_space<hbm>>
      %dma_start3A_89 = tpu.memref_squeeze %dma_start3A_88 : memref<1x1x128xi32, #tpu.memory_space<hbm>> -> memref<128xi32, #tpu.memory_space<hbm>>
      %dma_start3A_90 = arith.constant 0 : i32
      %dma_start3A_91 = tpu.memref_slice %arg2[%add3A, %add3A_86, %dma_start3A_90] : memref<32x80x128xi32, #tpu.memory_space<hbm>> -> memref<1x1x128xi32, #tpu.memory_space<hbm>>
      %dma_start3A_92 = tpu.memref_squeeze %dma_start3A_91 : memref<1x1x128xi32, #tpu.memory_space<hbm>> -> memref<128xi32, #tpu.memory_space<hbm>>
      tpu.enqueue_dma source(%dma_start3A_92 : memref<128xi32, #tpu.memory_space<hbm>>) target(%arg8 : memref<128xi32, #tpu.memory_space<vmem>>) target_semaphore(%arg11 : memref<!tpu.dma_semaphore, #tpu.memory_space<semaphore_mem>>)
      %dma_wait3A_93 = arith.constant 0 : i32
      %dma_wait3A_94 = tpu.memref_slice %arg2[%add3A, %add3A_81, %dma_wait3A_93] : memref<32x80x128xi32, #tpu.memory_space<hbm>> -> memref<1x1x128xi32, #tpu.memory_space<hbm>>
      %dma_wait3A_95 = tpu.memref_squeeze %dma_wait3A_94 : memref<1x1x128xi32, #tpu.memory_space<hbm>> -> memref<128xi32, #tpu.memory_space<hbm>>
      %dma_wait3A_96 = arith.constant 0 : i32
      %dma_wait3A_97 = tpu.memref_slice %arg2[%add3A, %add3A_81, %dma_wait3A_96] : memref<32x80x128xi32, #tpu.memory_space<hbm>> -> memref<1x1x128xi32, #tpu.memory_space<hbm>>
      %dma_wait3A_98 = tpu.memref_squeeze %dma_wait3A_97 : memref<1x1x128xi32, #tpu.memory_space<hbm>> -> memref<128xi32, #tpu.memory_space<hbm>>
      tpu.wait_dma2 semaphore(%arg10 : memref<!tpu.dma_semaphore, #tpu.memory_space<semaphore_mem>>) src(%dma_wait3A_98 : memref<128xi32, #tpu.memory_space<hbm>>) dst(%arg7 : memref<128xi32, #tpu.memory_space<vmem>>)
      %dma_start3A_99 = arith.constant 0 : i32
      %dma_start3A_100 = arith.constant 0 : i32
      %dma_start3A_101 = tpu.memref_slice %arg6[%dma_start3A_99, %dma_start3A_100] : memref<10240x128xf32, #tpu.memory_space<vmem_shared>> -> memref<10240x128xf32, #tpu.memory_space<vmem_shared>>
      tpu.enqueue_indirect_dma source(%arg9 : memref<128x128xf32, #tpu.memory_space<vmem>>) target(%dma_start3A_101 : memref<10240x128xf32, #tpu.memory_space<vmem_shared>>) offsets(%arg7 : memref<128xi32, #tpu.memory_space<vmem>>) semaphore(%arg12 : memref<!tpu.dma_semaphore, #tpu.memory_space<semaphore_mem>>) {add = true}
    }
    %scan3A_31 = arith.constant 39 : i32
    %dma_wait3A_32 = arith.constant 79 : i32
    %dma_wait3A_33 = arith.constant 0 : i32
    %dma_wait3A_34 = tpu.memref_slice %arg2[%add3A, %dma_wait3A_32, %dma_wait3A_33] : memref<32x80x128xi32, #tpu.memory_space<hbm>> -> memref<1x1x128xi32, #tpu.memory_space<hbm>>
    %dma_wait3A_35 = tpu.memref_squeeze %dma_wait3A_34 : memref<1x1x128xi32, #tpu.memory_space<hbm>> -> memref<128xi32, #tpu.memory_space<hbm>>
    %dma_wait3A_36 = arith.constant 0 : i32
    %dma_wait3A_37 = tpu.memref_slice %arg2[%add3A, %dma_wait3A_32, %dma_wait3A_36] : memref<32x80x128xi32, #tpu.memory_space<hbm>> -> memref<1x1x128xi32, #tpu.memory_space<hbm>>
    %dma_wait3A_38 = tpu.memref_squeeze %dma_wait3A_37 : memref<1x1x128xi32, #tpu.memory_space<hbm>> -> memref<128xi32, #tpu.memory_space<hbm>>
    tpu.wait_dma2 semaphore(%arg11 : memref<!tpu.dma_semaphore, #tpu.memory_space<semaphore_mem>>) src(%dma_wait3A_38 : memref<128xi32, #tpu.memory_space<hbm>>) dst(%arg8 : memref<128xi32, #tpu.memory_space<vmem>>)
    %dma_start3A_39 = arith.constant 0 : i32
    %dma_start3A_40 = arith.constant 0 : i32
    %dma_start3A_41 = tpu.memref_slice %arg6[%dma_start3A_39, %dma_start3A_40] : memref<10240x128xf32, #tpu.memory_space<vmem_shared>> -> memref<10240x128xf32, #tpu.memory_space<vmem_shared>>
    tpu.enqueue_indirect_dma source(%arg9 : memref<128x128xf32, #tpu.memory_space<vmem>>) target(%dma_start3A_41 : memref<10240x128xf32, #tpu.memory_space<vmem_shared>>) offsets(%arg8 : memref<128xi32, #tpu.memory_space<vmem>>) semaphore(%arg13 : memref<!tpu.dma_semaphore, #tpu.memory_space<semaphore_mem>>) {add = true}
    %dma_wait3A_42 = arith.constant 0 : i32
    %dma_wait3A_43 = arith.constant 0 : i32
    %dma_wait3A_44 = tpu.memref_slice %arg6[%dma_wait3A_42, %dma_wait3A_43] : memref<10240x128xf32, #tpu.memory_space<vmem_shared>> -> memref<10240x128xf32, #tpu.memory_space<vmem_shared>>
    tpu.wait_indirect_dma semaphore(%arg12 : memref<!tpu.dma_semaphore, #tpu.memory_space<semaphore_mem>>) src(%arg9 : memref<128x128xf32, #tpu.memory_space<vmem>>) dst(%dma_wait3A_44 : memref<10240x128xf32, #tpu.memory_space<vmem_shared>>)
    %dma_wait3A_45 = arith.constant 0 : i32
    %dma_wait3A_46 = arith.constant 0 : i32
    %dma_wait3A_47 = tpu.memref_slice %arg6[%dma_wait3A_45, %dma_wait3A_46] : memref<10240x128xf32, #tpu.memory_space<vmem_shared>> -> memref<10240x128xf32, #tpu.memory_space<vmem_shared>>
    tpu.wait_indirect_dma semaphore(%arg13 : memref<!tpu.dma_semaphore, #tpu.memory_space<semaphore_mem>>) src(%arg9 : memref<128x128xf32, #tpu.memory_space<vmem>>) dst(%dma_wait3A_47 : memref<10240x128xf32, #tpu.memory_space<vmem_shared>>)
    %barrier3A_48 = arith.constant 0 : index
    tpu.barrier barrier_id(%barrier3A_48)
    %mul3A_49 = arith.constant 640 : i32
    %mul3A_50 = arith.muli %arg1, %mul3A_49 : i32
    %mul3A_51 = arith.constant 640 : i32
    %mul3A_52 = arith.muli %arg1, %mul3A_51 : i32
    "tpu.region"() ({
      %run_scoped3A = tpu.sem_alloc : memref<!tpu.dma_semaphore, #tpu.memory_space<semaphore_mem>>
      %dma_start3A_53 = arith.constant 0 : i32
      %dma_start3A_54 = tpu.memref_slice %arg5[%arg0, %mul3A_52, %dma_start3A_53] : memref<2x10240x128xf32, #tpu.memory_space<hbm>> -> memref<1x640x128xf32, #tpu.memory_space<hbm>>
      %dma_start3A_55 = tpu.memref_squeeze %dma_start3A_54 : memref<1x640x128xf32, #tpu.memory_space<hbm>> -> memref<640x128xf32, #tpu.memory_space<hbm>>
      %dma_start3A_56 = arith.constant 0 : i32
      %dma_start3A_57 = tpu.memref_slice %arg6[%mul3A_50, %dma_start3A_56] : memref<10240x128xf32, #tpu.memory_space<vmem_shared>> -> memref<640x128xf32, #tpu.memory_space<vmem_shared>>
      tpu.enqueue_dma source(%dma_start3A_57 : memref<640x128xf32, #tpu.memory_space<vmem_shared>>) target(%dma_start3A_55 : memref<640x128xf32, #tpu.memory_space<hbm>>) target_semaphore(%run_scoped3A : memref<!tpu.dma_semaphore, #tpu.memory_space<semaphore_mem>>)
      %dma_wait3A_58 = arith.constant 0 : i32
      %dma_wait3A_59 = tpu.memref_slice %arg5[%arg0, %mul3A_52, %dma_wait3A_58] : memref<2x10240x128xf32, #tpu.memory_space<hbm>> -> memref<1x640x128xf32, #tpu.memory_space<hbm>>
      %dma_wait3A_60 = tpu.memref_squeeze %dma_wait3A_59 : memref<1x640x128xf32, #tpu.memory_space<hbm>> -> memref<640x128xf32, #tpu.memory_space<hbm>>
      %dma_wait3A_61 = arith.constant 0 : i32
      %dma_wait3A_62 = tpu.memref_slice %arg6[%mul3A_50, %dma_wait3A_61] : memref<10240x128xf32, #tpu.memory_space<vmem_shared>> -> memref<640x128xf32, #tpu.memory_space<vmem_shared>>
      tpu.wait_dma2 semaphore(%run_scoped3A : memref<!tpu.dma_semaphore, #tpu.memory_space<semaphore_mem>>) src(%dma_wait3A_62 : memref<640x128xf32, #tpu.memory_space<vmem_shared>>) dst(%dma_wait3A_60 : memref<640x128xf32, #tpu.memory_space<hbm>>)
      tpu.yield
    }) : () -> ()
    return
  }
}

#map = affine_map<(d0, d1) -> (0, 0)>
#map1 = affine_map<(d0, d1) -> (0, 0, 0)>
module attributes {stable_mosaic.version = 14 : i64} {
  func.func @kern(%arg0: i32, %arg1: i32, %arg2: memref<10000x128xf32, #tpu.memory_space<hbm>>, %arg3: memref<32x80x128xi32, #tpu.memory_space<hbm>>, %arg4: memref<32x80x128xi32, #tpu.memory_space<hbm>>, %arg5: memref<10240x128xf32, #tpu.memory_space<hbm>>, %arg6: memref<2x10240x128xf32, #tpu.memory_space<hbm>>, %arg7: memref<10240x128xf32, #tpu.memory_space<vmem_shared>>, %arg8: memref<128xi32, #tpu.memory_space<vmem>>, %arg9: memref<128xi32, #tpu.memory_space<vmem>>, %arg10: memref<128xi32, #tpu.memory_space<vmem>>, %arg11: memref<128xi32, #tpu.memory_space<vmem>>, %arg12: memref<128x128xf32, #tpu.memory_space<vmem>>, %arg13: memref<128x128xf32, #tpu.memory_space<vmem>>, %arg14: memref<!tpu.dma_semaphore, #tpu.memory_space<semaphore_mem>>, %arg15: memref<!tpu.dma_semaphore, #tpu.memory_space<semaphore_mem>>, %arg16: memref<!tpu.dma_semaphore, #tpu.memory_space<semaphore_mem>>, %arg17: memref<!tpu.dma_semaphore, #tpu.memory_space<semaphore_mem>>, %arg18: memref<!tpu.dma_semaphore, #tpu.memory_space<semaphore_mem>>, %arg19: memref<!tpu.dma_semaphore, #tpu.memory_space<semaphore_mem>>, %arg20: memref<!tpu.dma_semaphore, #tpu.memory_space<semaphore_mem>>, %arg21: memref<!tpu.dma_semaphore, #tpu.memory_space<semaphore_mem>>) attributes {dimension_semantics = [#tpu.dimension_semantics<core_parallel>, #tpu.dimension_semantics<subcore_parallel>], iteration_bounds = array<i64: 2, 16>, scalar_prefetch = 0 : i64, scratch_operands = 15 : i64, tpu.core_type = #tpu.core_type<sc_vector_subcore>, window_params = [{transform_indices = #map}, {transform_indices = #map1}, {transform_indices = #map1}, {transform_indices = #map}, {transform_indices = #map1}]} {
    %mul3A = arith.constant 16 : i32
    %mul3A_0 = arith.muli %arg0, %mul3A : i32
    %add3A = arith.addi %mul3A_0, %arg1 : i32
    %mul3A_1 = arith.constant 640 : i32
    %mul3A_2 = arith.muli %arg1, %mul3A_1 : i32
    %mul3A_3 = arith.constant 640 : i32
    %mul3A_4 = arith.muli %arg1, %mul3A_3 : i32
    "tpu.region"() ({
      %run_scoped3A = tpu.sem_alloc : memref<!tpu.dma_semaphore, #tpu.memory_space<semaphore_mem>>
      %dma_start3A_173 = arith.constant 0 : i32
      %dma_start3A_174 = tpu.memref_slice %arg7[%mul3A_4, %dma_start3A_173] : memref<10240x128xf32, #tpu.memory_space<vmem_shared>> -> memref<640x128xf32, #tpu.memory_space<vmem_shared>>
      %dma_start3A_175 = arith.constant 0 : i32
      %dma_start3A_176 = tpu.memref_slice %arg5[%mul3A_2, %dma_start3A_175] : memref<10240x128xf32, #tpu.memory_space<hbm>> -> memref<640x128xf32, #tpu.memory_space<hbm>>
      tpu.enqueue_dma source(%dma_start3A_176 : memref<640x128xf32, #tpu.memory_space<hbm>>) target(%dma_start3A_174 : memref<640x128xf32, #tpu.memory_space<vmem_shared>>) target_semaphore(%run_scoped3A : memref<!tpu.dma_semaphore, #tpu.memory_space<semaphore_mem>>)
      %dma_wait3A_177 = arith.constant 0 : i32
      %dma_wait3A_178 = tpu.memref_slice %arg7[%mul3A_4, %dma_wait3A_177] : memref<10240x128xf32, #tpu.memory_space<vmem_shared>> -> memref<640x128xf32, #tpu.memory_space<vmem_shared>>
      %dma_wait3A_179 = arith.constant 0 : i32
      %dma_wait3A_180 = tpu.memref_slice %arg5[%mul3A_2, %dma_wait3A_179] : memref<10240x128xf32, #tpu.memory_space<hbm>> -> memref<640x128xf32, #tpu.memory_space<hbm>>
      tpu.wait_dma2 semaphore(%run_scoped3A : memref<!tpu.dma_semaphore, #tpu.memory_space<semaphore_mem>>) src(%dma_wait3A_180 : memref<640x128xf32, #tpu.memory_space<hbm>>) dst(%dma_wait3A_178 : memref<640x128xf32, #tpu.memory_space<vmem_shared>>)
      tpu.yield
    }) : () -> ()
    %barrier3A = arith.constant 0 : index
    tpu.barrier barrier_id(%barrier3A)
    %dma_start3A = arith.constant 0 : i32
    %dma_start3A_5 = arith.constant 0 : i32
    %dma_start3A_6 = tpu.memref_slice %arg3[%add3A, %dma_start3A, %dma_start3A_5] : memref<32x80x128xi32, #tpu.memory_space<hbm>> -> memref<1x1x128xi32, #tpu.memory_space<hbm>>
    %dma_start3A_7 = tpu.memref_squeeze %dma_start3A_6 : memref<1x1x128xi32, #tpu.memory_space<hbm>> -> memref<128xi32, #tpu.memory_space<hbm>>
    %dma_start3A_8 = arith.constant 0 : i32
    %dma_start3A_9 = tpu.memref_slice %arg3[%add3A, %dma_start3A, %dma_start3A_8] : memref<32x80x128xi32, #tpu.memory_space<hbm>> -> memref<1x1x128xi32, #tpu.memory_space<hbm>>
    %dma_start3A_10 = tpu.memref_squeeze %dma_start3A_9 : memref<1x1x128xi32, #tpu.memory_space<hbm>> -> memref<128xi32, #tpu.memory_space<hbm>>
    tpu.enqueue_dma source(%dma_start3A_10 : memref<128xi32, #tpu.memory_space<hbm>>) target(%arg8 : memref<128xi32, #tpu.memory_space<vmem>>) target_semaphore(%arg14 : memref<!tpu.dma_semaphore, #tpu.memory_space<semaphore_mem>>)
    %dma_wait3A = arith.constant 0 : i32
    %dma_wait3A_11 = arith.constant 0 : i32
    %dma_wait3A_12 = tpu.memref_slice %arg3[%add3A, %dma_wait3A, %dma_wait3A_11] : memref<32x80x128xi32, #tpu.memory_space<hbm>> -> memref<1x1x128xi32, #tpu.memory_space<hbm>>
    %dma_wait3A_13 = tpu.memref_squeeze %dma_wait3A_12 : memref<1x1x128xi32, #tpu.memory_space<hbm>> -> memref<128xi32, #tpu.memory_space<hbm>>
    %dma_wait3A_14 = arith.constant 0 : i32
    %dma_wait3A_15 = tpu.memref_slice %arg3[%add3A, %dma_wait3A, %dma_wait3A_14] : memref<32x80x128xi32, #tpu.memory_space<hbm>> -> memref<1x1x128xi32, #tpu.memory_space<hbm>>
    %dma_wait3A_16 = tpu.memref_squeeze %dma_wait3A_15 : memref<1x1x128xi32, #tpu.memory_space<hbm>> -> memref<128xi32, #tpu.memory_space<hbm>>
    tpu.wait_dma2 semaphore(%arg14 : memref<!tpu.dma_semaphore, #tpu.memory_space<semaphore_mem>>) src(%dma_wait3A_16 : memref<128xi32, #tpu.memory_space<hbm>>) dst(%arg8 : memref<128xi32, #tpu.memory_space<vmem>>)
    %dma_start3A_17 = arith.constant 0 : i32
    %dma_start3A_18 = arith.constant 0 : i32
    %dma_start3A_19 = tpu.memref_slice %arg2[%dma_start3A_17, %dma_start3A_18] : memref<10000x128xf32, #tpu.memory_space<hbm>> -> memref<10000x128xf32, #tpu.memory_space<hbm>>
    tpu.enqueue_indirect_dma source(%dma_start3A_19 : memref<10000x128xf32, #tpu.memory_space<hbm>>) target(%arg12 : memref<128x128xf32, #tpu.memory_space<vmem>>) offsets(%arg8 : memref<128xi32, #tpu.memory_space<vmem>>) semaphore(%arg18 : memref<!tpu.dma_semaphore, #tpu.memory_space<semaphore_mem>>)
    %dma_start3A_20 = arith.constant 1 : i32
    %dma_start3A_21 = arith.constant 0 : i32
    %dma_start3A_22 = tpu.memref_slice %arg3[%add3A, %dma_start3A_20, %dma_start3A_21] : memref<32x80x128xi32, #tpu.memory_space<hbm>> -> memref<1x1x128xi32, #tpu.memory_space<hbm>>
    %dma_start3A_23 = tpu.memref_squeeze %dma_start3A_22 : memref<1x1x128xi32, #tpu.memory_space<hbm>> -> memref<128xi32, #tpu.memory_space<hbm>>
    %dma_start3A_24 = arith.constant 0 : i32
    %dma_start3A_25 = tpu.memref_slice %arg3[%add3A, %dma_start3A_20, %dma_start3A_24] : memref<32x80x128xi32, #tpu.memory_space<hbm>> -> memref<1x1x128xi32, #tpu.memory_space<hbm>>
    %dma_start3A_26 = tpu.memref_squeeze %dma_start3A_25 : memref<1x1x128xi32, #tpu.memory_space<hbm>> -> memref<128xi32, #tpu.memory_space<hbm>>
    tpu.enqueue_dma source(%dma_start3A_26 : memref<128xi32, #tpu.memory_space<hbm>>) target(%arg9 : memref<128xi32, #tpu.memory_space<vmem>>) target_semaphore(%arg15 : memref<!tpu.dma_semaphore, #tpu.memory_space<semaphore_mem>>)
    %dma_start3A_27 = arith.constant 0 : i32
    %dma_start3A_28 = arith.constant 0 : i32
    %dma_start3A_29 = tpu.memref_slice %arg4[%add3A, %dma_start3A_27, %dma_start3A_28] : memref<32x80x128xi32, #tpu.memory_space<hbm>> -> memref<1x1x128xi32, #tpu.memory_space<hbm>>
    %dma_start3A_30 = tpu.memref_squeeze %dma_start3A_29 : memref<1x1x128xi32, #tpu.memory_space<hbm>> -> memref<128xi32, #tpu.memory_space<hbm>>
    %dma_start3A_31 = arith.constant 0 : i32
    %dma_start3A_32 = tpu.memref_slice %arg4[%add3A, %dma_start3A_27, %dma_start3A_31] : memref<32x80x128xi32, #tpu.memory_space<hbm>> -> memref<1x1x128xi32, #tpu.memory_space<hbm>>
    %dma_start3A_33 = tpu.memref_squeeze %dma_start3A_32 : memref<1x1x128xi32, #tpu.memory_space<hbm>> -> memref<128xi32, #tpu.memory_space<hbm>>
    tpu.enqueue_dma source(%dma_start3A_33 : memref<128xi32, #tpu.memory_space<hbm>>) target(%arg10 : memref<128xi32, #tpu.memory_space<vmem>>) target_semaphore(%arg16 : memref<!tpu.dma_semaphore, #tpu.memory_space<semaphore_mem>>)
    %dma_wait3A_34 = arith.constant 1 : i32
    %dma_wait3A_35 = arith.constant 0 : i32
    %dma_wait3A_36 = tpu.memref_slice %arg3[%add3A, %dma_wait3A_34, %dma_wait3A_35] : memref<32x80x128xi32, #tpu.memory_space<hbm>> -> memref<1x1x128xi32, #tpu.memory_space<hbm>>
    %dma_wait3A_37 = tpu.memref_squeeze %dma_wait3A_36 : memref<1x1x128xi32, #tpu.memory_space<hbm>> -> memref<128xi32, #tpu.memory_space<hbm>>
    %dma_wait3A_38 = arith.constant 0 : i32
    %dma_wait3A_39 = tpu.memref_slice %arg3[%add3A, %dma_wait3A_34, %dma_wait3A_38] : memref<32x80x128xi32, #tpu.memory_space<hbm>> -> memref<1x1x128xi32, #tpu.memory_space<hbm>>
    %dma_wait3A_40 = tpu.memref_squeeze %dma_wait3A_39 : memref<1x1x128xi32, #tpu.memory_space<hbm>> -> memref<128xi32, #tpu.memory_space<hbm>>
    tpu.wait_dma2 semaphore(%arg15 : memref<!tpu.dma_semaphore, #tpu.memory_space<semaphore_mem>>) src(%dma_wait3A_40 : memref<128xi32, #tpu.memory_space<hbm>>) dst(%arg9 : memref<128xi32, #tpu.memory_space<vmem>>)
    %dma_start3A_41 = arith.constant 0 : i32
    %dma_start3A_42 = arith.constant 0 : i32
    %dma_start3A_43 = tpu.memref_slice %arg2[%dma_start3A_41, %dma_start3A_42] : memref<10000x128xf32, #tpu.memory_space<hbm>> -> memref<10000x128xf32, #tpu.memory_space<hbm>>
    tpu.enqueue_indirect_dma source(%dma_start3A_43 : memref<10000x128xf32, #tpu.memory_space<hbm>>) target(%arg13 : memref<128x128xf32, #tpu.memory_space<vmem>>) offsets(%arg9 : memref<128xi32, #tpu.memory_space<vmem>>) semaphore(%arg19 : memref<!tpu.dma_semaphore, #tpu.memory_space<semaphore_mem>>)
    %dma_start3A_44 = arith.constant 1 : i32
    %dma_start3A_45 = arith.constant 0 : i32
    %dma_start3A_46 = tpu.memref_slice %arg4[%add3A, %dma_start3A_44, %dma_start3A_45] : memref<32x80x128xi32, #tpu.memory_space<hbm>> -> memref<1x1x128xi32, #tpu.memory_space<hbm>>
    %dma_start3A_47 = tpu.memref_squeeze %dma_start3A_46 : memref<1x1x128xi32, #tpu.memory_space<hbm>> -> memref<128xi32, #tpu.memory_space<hbm>>
    %dma_start3A_48 = arith.constant 0 : i32
    %dma_start3A_49 = tpu.memref_slice %arg4[%add3A, %dma_start3A_44, %dma_start3A_48] : memref<32x80x128xi32, #tpu.memory_space<hbm>> -> memref<1x1x128xi32, #tpu.memory_space<hbm>>
    %dma_start3A_50 = tpu.memref_squeeze %dma_start3A_49 : memref<1x1x128xi32, #tpu.memory_space<hbm>> -> memref<128xi32, #tpu.memory_space<hbm>>
    tpu.enqueue_dma source(%dma_start3A_50 : memref<128xi32, #tpu.memory_space<hbm>>) target(%arg11 : memref<128xi32, #tpu.memory_space<vmem>>) target_semaphore(%arg17 : memref<!tpu.dma_semaphore, #tpu.memory_space<semaphore_mem>>)
    %dma_wait3A_51 = arith.constant 0 : i32
    %dma_wait3A_52 = arith.constant 0 : i32
    %dma_wait3A_53 = tpu.memref_slice %arg2[%dma_wait3A_51, %dma_wait3A_52] : memref<10000x128xf32, #tpu.memory_space<hbm>> -> memref<10000x128xf32, #tpu.memory_space<hbm>>
    tpu.wait_indirect_dma semaphore(%arg18 : memref<!tpu.dma_semaphore, #tpu.memory_space<semaphore_mem>>) src(%dma_wait3A_53 : memref<10000x128xf32, #tpu.memory_space<hbm>>) dst(%arg12 : memref<128x128xf32, #tpu.memory_space<vmem>>)
    %dma_start3A_54 = arith.constant 2 : i32
    %dma_start3A_55 = arith.constant 0 : i32
    %dma_start3A_56 = tpu.memref_slice %arg3[%add3A, %dma_start3A_54, %dma_start3A_55] : memref<32x80x128xi32, #tpu.memory_space<hbm>> -> memref<1x1x128xi32, #tpu.memory_space<hbm>>
    %dma_start3A_57 = tpu.memref_squeeze %dma_start3A_56 : memref<1x1x128xi32, #tpu.memory_space<hbm>> -> memref<128xi32, #tpu.memory_space<hbm>>
    %dma_start3A_58 = arith.constant 0 : i32
    %dma_start3A_59 = tpu.memref_slice %arg3[%add3A, %dma_start3A_54, %dma_start3A_58] : memref<32x80x128xi32, #tpu.memory_space<hbm>> -> memref<1x1x128xi32, #tpu.memory_space<hbm>>
    %dma_start3A_60 = tpu.memref_squeeze %dma_start3A_59 : memref<1x1x128xi32, #tpu.memory_space<hbm>> -> memref<128xi32, #tpu.memory_space<hbm>>
    tpu.enqueue_dma source(%dma_start3A_60 : memref<128xi32, #tpu.memory_space<hbm>>) target(%arg8 : memref<128xi32, #tpu.memory_space<vmem>>) target_semaphore(%arg14 : memref<!tpu.dma_semaphore, #tpu.memory_space<semaphore_mem>>)
    %dma_wait3A_61 = arith.constant 0 : i32
    %dma_wait3A_62 = arith.constant 0 : i32
    %dma_wait3A_63 = tpu.memref_slice %arg4[%add3A, %dma_wait3A_61, %dma_wait3A_62] : memref<32x80x128xi32, #tpu.memory_space<hbm>> -> memref<1x1x128xi32, #tpu.memory_space<hbm>>
    %dma_wait3A_64 = tpu.memref_squeeze %dma_wait3A_63 : memref<1x1x128xi32, #tpu.memory_space<hbm>> -> memref<128xi32, #tpu.memory_space<hbm>>
    %dma_wait3A_65 = arith.constant 0 : i32
    %dma_wait3A_66 = tpu.memref_slice %arg4[%add3A, %dma_wait3A_61, %dma_wait3A_65] : memref<32x80x128xi32, #tpu.memory_space<hbm>> -> memref<1x1x128xi32, #tpu.memory_space<hbm>>
    %dma_wait3A_67 = tpu.memref_squeeze %dma_wait3A_66 : memref<1x1x128xi32, #tpu.memory_space<hbm>> -> memref<128xi32, #tpu.memory_space<hbm>>
    tpu.wait_dma2 semaphore(%arg16 : memref<!tpu.dma_semaphore, #tpu.memory_space<semaphore_mem>>) src(%dma_wait3A_67 : memref<128xi32, #tpu.memory_space<hbm>>) dst(%arg10 : memref<128xi32, #tpu.memory_space<vmem>>)
    %dma_start3A_68 = arith.constant 0 : i32
    %dma_start3A_69 = arith.constant 0 : i32
    %dma_start3A_70 = tpu.memref_slice %arg7[%dma_start3A_68, %dma_start3A_69] : memref<10240x128xf32, #tpu.memory_space<vmem_shared>> -> memref<10240x128xf32, #tpu.memory_space<vmem_shared>>
    tpu.enqueue_indirect_dma source(%arg12 : memref<128x128xf32, #tpu.memory_space<vmem>>) target(%dma_start3A_70 : memref<10240x128xf32, #tpu.memory_space<vmem_shared>>) offsets(%arg10 : memref<128xi32, #tpu.memory_space<vmem>>) semaphore(%arg20 : memref<!tpu.dma_semaphore, #tpu.memory_space<semaphore_mem>>) {add = true}
    %scan3A = arith.constant 0 : i32
    %scan3A_71 = arith.constant 0 : i32
    %scan3A_72 = arith.constant 38 : i32
    %scan3A_73 = arith.addi %scan3A_71, %scan3A_72 : i32
    %scan3A_74 = arith.constant 1 : i32
    scf.for %scan3A_173 = %scan3A_71 to %scan3A_73 step %scan3A_74  : i32 {
      %mul3A_174 = arith.constant 2 : i32
      %mul3A_175 = arith.muli %mul3A_174, %scan3A_173 : i32
      %add3A_176 = arith.constant 1 : i32
      %add3A_177 = arith.addi %mul3A_175, %add3A_176 : i32
      %add3A_178 = arith.constant 1 : i32
      %add3A_179 = arith.addi %add3A_177, %add3A_178 : i32
      %dma_wait3A_180 = arith.constant 0 : i32
      %dma_wait3A_181 = tpu.memref_slice %arg3[%add3A, %add3A_179, %dma_wait3A_180] : memref<32x80x128xi32, #tpu.memory_space<hbm>> -> memref<1x1x128xi32, #tpu.memory_space<hbm>>
      %dma_wait3A_182 = tpu.memref_squeeze %dma_wait3A_181 : memref<1x1x128xi32, #tpu.memory_space<hbm>> -> memref<128xi32, #tpu.memory_space<hbm>>
      %dma_wait3A_183 = arith.constant 0 : i32
      %dma_wait3A_184 = tpu.memref_slice %arg3[%add3A, %add3A_179, %dma_wait3A_183] : memref<32x80x128xi32, #tpu.memory_space<hbm>> -> memref<1x1x128xi32, #tpu.memory_space<hbm>>
      %dma_wait3A_185 = tpu.memref_squeeze %dma_wait3A_184 : memref<1x1x128xi32, #tpu.memory_space<hbm>> -> memref<128xi32, #tpu.memory_space<hbm>>
      tpu.wait_dma2 semaphore(%arg14 : memref<!tpu.dma_semaphore, #tpu.memory_space<semaphore_mem>>) src(%dma_wait3A_185 : memref<128xi32, #tpu.memory_space<hbm>>) dst(%arg8 : memref<128xi32, #tpu.memory_space<vmem>>)
      %dma_wait3A_186 = arith.constant 0 : i32
      %dma_wait3A_187 = arith.constant 0 : i32
      %dma_wait3A_188 = tpu.memref_slice %arg7[%dma_wait3A_186, %dma_wait3A_187] : memref<10240x128xf32, #tpu.memory_space<vmem_shared>> -> memref<10240x128xf32, #tpu.memory_space<vmem_shared>>
      tpu.wait_indirect_dma semaphore(%arg20 : memref<!tpu.dma_semaphore, #tpu.memory_space<semaphore_mem>>) src(%arg12 : memref<128x128xf32, #tpu.memory_space<vmem>>) dst(%dma_wait3A_188 : memref<10240x128xf32, #tpu.memory_space<vmem_shared>>)
      %add3A_189 = arith.constant 1 : i32
      %add3A_190 = arith.addi %add3A_177, %add3A_189 : i32
      %dma_start3A_191 = arith.constant 0 : i32
      %dma_start3A_192 = arith.constant 0 : i32
      %dma_start3A_193 = tpu.memref_slice %arg2[%dma_start3A_191, %dma_start3A_192] : memref<10000x128xf32, #tpu.memory_space<hbm>> -> memref<10000x128xf32, #tpu.memory_space<hbm>>
      tpu.enqueue_indirect_dma source(%dma_start3A_193 : memref<10000x128xf32, #tpu.memory_space<hbm>>) target(%arg12 : memref<128x128xf32, #tpu.memory_space<vmem>>) offsets(%arg8 : memref<128xi32, #tpu.memory_space<vmem>>) semaphore(%arg18 : memref<!tpu.dma_semaphore, #tpu.memory_space<semaphore_mem>>)
      %add3A_194 = arith.constant 1 : i32
      %add3A_195 = arith.addi %add3A_177, %add3A_194 : i32
      %dma_start3A_196 = arith.constant 0 : i32
      %dma_start3A_197 = tpu.memref_slice %arg4[%add3A, %add3A_195, %dma_start3A_196] : memref<32x80x128xi32, #tpu.memory_space<hbm>> -> memref<1x1x128xi32, #tpu.memory_space<hbm>>
      %dma_start3A_198 = tpu.memref_squeeze %dma_start3A_197 : memref<1x1x128xi32, #tpu.memory_space<hbm>> -> memref<128xi32, #tpu.memory_space<hbm>>
      %dma_start3A_199 = arith.constant 0 : i32
      %dma_start3A_200 = tpu.memref_slice %arg4[%add3A, %add3A_195, %dma_start3A_199] : memref<32x80x128xi32, #tpu.memory_space<hbm>> -> memref<1x1x128xi32, #tpu.memory_space<hbm>>
      %dma_start3A_201 = tpu.memref_squeeze %dma_start3A_200 : memref<1x1x128xi32, #tpu.memory_space<hbm>> -> memref<128xi32, #tpu.memory_space<hbm>>
      tpu.enqueue_dma source(%dma_start3A_201 : memref<128xi32, #tpu.memory_space<hbm>>) target(%arg10 : memref<128xi32, #tpu.memory_space<vmem>>) target_semaphore(%arg16 : memref<!tpu.dma_semaphore, #tpu.memory_space<semaphore_mem>>)
      %dma_wait3A_202 = arith.constant 0 : i32
      %dma_wait3A_203 = arith.constant 0 : i32
      %dma_wait3A_204 = tpu.memref_slice %arg2[%dma_wait3A_202, %dma_wait3A_203] : memref<10000x128xf32, #tpu.memory_space<hbm>> -> memref<10000x128xf32, #tpu.memory_space<hbm>>
      tpu.wait_indirect_dma semaphore(%arg19 : memref<!tpu.dma_semaphore, #tpu.memory_space<semaphore_mem>>) src(%dma_wait3A_204 : memref<10000x128xf32, #tpu.memory_space<hbm>>) dst(%arg13 : memref<128x128xf32, #tpu.memory_space<vmem>>)
      %add3A_205 = arith.constant 2 : i32
      %add3A_206 = arith.addi %add3A_177, %add3A_205 : i32
      %dma_start3A_207 = arith.constant 0 : i32
      %dma_start3A_208 = tpu.memref_slice %arg3[%add3A, %add3A_206, %dma_start3A_207] : memref<32x80x128xi32, #tpu.memory_space<hbm>> -> memref<1x1x128xi32, #tpu.memory_space<hbm>>
      %dma_start3A_209 = tpu.memref_squeeze %dma_start3A_208 : memref<1x1x128xi32, #tpu.memory_space<hbm>> -> memref<128xi32, #tpu.memory_space<hbm>>
      %dma_start3A_210 = arith.constant 0 : i32
      %dma_start3A_211 = tpu.memref_slice %arg3[%add3A, %add3A_206, %dma_start3A_210] : memref<32x80x128xi32, #tpu.memory_space<hbm>> -> memref<1x1x128xi32, #tpu.memory_space<hbm>>
      %dma_start3A_212 = tpu.memref_squeeze %dma_start3A_211 : memref<1x1x128xi32, #tpu.memory_space<hbm>> -> memref<128xi32, #tpu.memory_space<hbm>>
      tpu.enqueue_dma source(%dma_start3A_212 : memref<128xi32, #tpu.memory_space<hbm>>) target(%arg9 : memref<128xi32, #tpu.memory_space<vmem>>) target_semaphore(%arg15 : memref<!tpu.dma_semaphore, #tpu.memory_space<semaphore_mem>>)
      %dma_wait3A_213 = arith.constant 0 : i32
      %dma_wait3A_214 = tpu.memref_slice %arg4[%add3A, %add3A_177, %dma_wait3A_213] : memref<32x80x128xi32, #tpu.memory_space<hbm>> -> memref<1x1x128xi32, #tpu.memory_space<hbm>>
      %dma_wait3A_215 = tpu.memref_squeeze %dma_wait3A_214 : memref<1x1x128xi32, #tpu.memory_space<hbm>> -> memref<128xi32, #tpu.memory_space<hbm>>
      %dma_wait3A_216 = arith.constant 0 : i32
      %dma_wait3A_217 = tpu.memref_slice %arg4[%add3A, %add3A_177, %dma_wait3A_216] : memref<32x80x128xi32, #tpu.memory_space<hbm>> -> memref<1x1x128xi32, #tpu.memory_space<hbm>>
      %dma_wait3A_218 = tpu.memref_squeeze %dma_wait3A_217 : memref<1x1x128xi32, #tpu.memory_space<hbm>> -> memref<128xi32, #tpu.memory_space<hbm>>
      tpu.wait_dma2 semaphore(%arg17 : memref<!tpu.dma_semaphore, #tpu.memory_space<semaphore_mem>>) src(%dma_wait3A_218 : memref<128xi32, #tpu.memory_space<hbm>>) dst(%arg11 : memref<128xi32, #tpu.memory_space<vmem>>)
      %dma_start3A_219 = arith.constant 0 : i32
      %dma_start3A_220 = arith.constant 0 : i32
      %dma_start3A_221 = tpu.memref_slice %arg7[%dma_start3A_219, %dma_start3A_220] : memref<10240x128xf32, #tpu.memory_space<vmem_shared>> -> memref<10240x128xf32, #tpu.memory_space<vmem_shared>>
      tpu.enqueue_indirect_dma source(%arg13 : memref<128x128xf32, #tpu.memory_space<vmem>>) target(%dma_start3A_221 : memref<10240x128xf32, #tpu.memory_space<vmem_shared>>) offsets(%arg11 : memref<128xi32, #tpu.memory_space<vmem>>) semaphore(%arg21 : memref<!tpu.dma_semaphore, #tpu.memory_space<semaphore_mem>>) {add = true}
      %mul3A_222 = arith.constant 2 : i32
      %mul3A_223 = arith.muli %mul3A_222, %scan3A_173 : i32
      %add3A_224 = arith.constant 2 : i32
      %add3A_225 = arith.addi %mul3A_223, %add3A_224 : i32
      %add3A_226 = arith.constant 1 : i32
      %add3A_227 = arith.addi %add3A_225, %add3A_226 : i32
      %dma_wait3A_228 = arith.constant 0 : i32
      %dma_wait3A_229 = tpu.memref_slice %arg3[%add3A, %add3A_227, %dma_wait3A_228] : memref<32x80x128xi32, #tpu.memory_space<hbm>> -> memref<1x1x128xi32, #tpu.memory_space<hbm>>
      %dma_wait3A_230 = tpu.memref_squeeze %dma_wait3A_229 : memref<1x1x128xi32, #tpu.memory_space<hbm>> -> memref<128xi32, #tpu.memory_space<hbm>>
      %dma_wait3A_231 = arith.constant 0 : i32
      %dma_wait3A_232 = tpu.memref_slice %arg3[%add3A, %add3A_227, %dma_wait3A_231] : memref<32x80x128xi32, #tpu.memory_space<hbm>> -> memref<1x1x128xi32, #tpu.memory_space<hbm>>
      %dma_wait3A_233 = tpu.memref_squeeze %dma_wait3A_232 : memref<1x1x128xi32, #tpu.memory_space<hbm>> -> memref<128xi32, #tpu.memory_space<hbm>>
      tpu.wait_dma2 semaphore(%arg15 : memref<!tpu.dma_semaphore, #tpu.memory_space<semaphore_mem>>) src(%dma_wait3A_233 : memref<128xi32, #tpu.memory_space<hbm>>) dst(%arg9 : memref<128xi32, #tpu.memory_space<vmem>>)
      %dma_wait3A_234 = arith.constant 0 : i32
      %dma_wait3A_235 = arith.constant 0 : i32
      %dma_wait3A_236 = tpu.memref_slice %arg7[%dma_wait3A_234, %dma_wait3A_235] : memref<10240x128xf32, #tpu.memory_space<vmem_shared>> -> memref<10240x128xf32, #tpu.memory_space<vmem_shared>>
      tpu.wait_indirect_dma semaphore(%arg21 : memref<!tpu.dma_semaphore, #tpu.memory_space<semaphore_mem>>) src(%arg13 : memref<128x128xf32, #tpu.memory_space<vmem>>) dst(%dma_wait3A_236 : memref<10240x128xf32, #tpu.memory_space<vmem_shared>>)
      %add3A_237 = arith.constant 1 : i32
      %add3A_238 = arith.addi %add3A_225, %add3A_237 : i32
      %dma_start3A_239 = arith.constant 0 : i32
      %dma_start3A_240 = arith.constant 0 : i32
      %dma_start3A_241 = tpu.memref_slice %arg2[%dma_start3A_239, %dma_start3A_240] : memref<10000x128xf32, #tpu.memory_space<hbm>> -> memref<10000x128xf32, #tpu.memory_space<hbm>>
      tpu.enqueue_indirect_dma source(%dma_start3A_241 : memref<10000x128xf32, #tpu.memory_space<hbm>>) target(%arg13 : memref<128x128xf32, #tpu.memory_space<vmem>>) offsets(%arg9 : memref<128xi32, #tpu.memory_space<vmem>>) semaphore(%arg19 : memref<!tpu.dma_semaphore, #tpu.memory_space<semaphore_mem>>)
      %add3A_242 = arith.constant 1 : i32
      %add3A_243 = arith.addi %add3A_225, %add3A_242 : i32
      %dma_start3A_244 = arith.constant 0 : i32
      %dma_start3A_245 = tpu.memref_slice %arg4[%add3A, %add3A_243, %dma_start3A_244] : memref<32x80x128xi32, #tpu.memory_space<hbm>> -> memref<1x1x128xi32, #tpu.memory_space<hbm>>
      %dma_start3A_246 = tpu.memref_squeeze %dma_start3A_245 : memref<1x1x128xi32, #tpu.memory_space<hbm>> -> memref<128xi32, #tpu.memory_space<hbm>>
      %dma_start3A_247 = arith.constant 0 : i32
      %dma_start3A_248 = tpu.memref_slice %arg4[%add3A, %add3A_243, %dma_start3A_247] : memref<32x80x128xi32, #tpu.memory_space<hbm>> -> memref<1x1x128xi32, #tpu.memory_space<hbm>>
      %dma_start3A_249 = tpu.memref_squeeze %dma_start3A_248 : memref<1x1x128xi32, #tpu.memory_space<hbm>> -> memref<128xi32, #tpu.memory_space<hbm>>
      tpu.enqueue_dma source(%dma_start3A_249 : memref<128xi32, #tpu.memory_space<hbm>>) target(%arg11 : memref<128xi32, #tpu.memory_space<vmem>>) target_semaphore(%arg17 : memref<!tpu.dma_semaphore, #tpu.memory_space<semaphore_mem>>)
      %dma_wait3A_250 = arith.constant 0 : i32
      %dma_wait3A_251 = arith.constant 0 : i32
      %dma_wait3A_252 = tpu.memref_slice %arg2[%dma_wait3A_250, %dma_wait3A_251] : memref<10000x128xf32, #tpu.memory_space<hbm>> -> memref<10000x128xf32, #tpu.memory_space<hbm>>
      tpu.wait_indirect_dma semaphore(%arg18 : memref<!tpu.dma_semaphore, #tpu.memory_space<semaphore_mem>>) src(%dma_wait3A_252 : memref<10000x128xf32, #tpu.memory_space<hbm>>) dst(%arg12 : memref<128x128xf32, #tpu.memory_space<vmem>>)
      %add3A_253 = arith.constant 2 : i32
      %add3A_254 = arith.addi %add3A_225, %add3A_253 : i32
      %dma_start3A_255 = arith.constant 0 : i32
      %dma_start3A_256 = tpu.memref_slice %arg3[%add3A, %add3A_254, %dma_start3A_255] : memref<32x80x128xi32, #tpu.memory_space<hbm>> -> memref<1x1x128xi32, #tpu.memory_space<hbm>>
      %dma_start3A_257 = tpu.memref_squeeze %dma_start3A_256 : memref<1x1x128xi32, #tpu.memory_space<hbm>> -> memref<128xi32, #tpu.memory_space<hbm>>
      %dma_start3A_258 = arith.constant 0 : i32
      %dma_start3A_259 = tpu.memref_slice %arg3[%add3A, %add3A_254, %dma_start3A_258] : memref<32x80x128xi32, #tpu.memory_space<hbm>> -> memref<1x1x128xi32, #tpu.memory_space<hbm>>
      %dma_start3A_260 = tpu.memref_squeeze %dma_start3A_259 : memref<1x1x128xi32, #tpu.memory_space<hbm>> -> memref<128xi32, #tpu.memory_space<hbm>>
      tpu.enqueue_dma source(%dma_start3A_260 : memref<128xi32, #tpu.memory_space<hbm>>) target(%arg8 : memref<128xi32, #tpu.memory_space<vmem>>) target_semaphore(%arg14 : memref<!tpu.dma_semaphore, #tpu.memory_space<semaphore_mem>>)
      %dma_wait3A_261 = arith.constant 0 : i32
      %dma_wait3A_262 = tpu.memref_slice %arg4[%add3A, %add3A_225, %dma_wait3A_261] : memref<32x80x128xi32, #tpu.memory_space<hbm>> -> memref<1x1x128xi32, #tpu.memory_space<hbm>>
      %dma_wait3A_263 = tpu.memref_squeeze %dma_wait3A_262 : memref<1x1x128xi32, #tpu.memory_space<hbm>> -> memref<128xi32, #tpu.memory_space<hbm>>
      %dma_wait3A_264 = arith.constant 0 : i32
      %dma_wait3A_265 = tpu.memref_slice %arg4[%add3A, %add3A_225, %dma_wait3A_264] : memref<32x80x128xi32, #tpu.memory_space<hbm>> -> memref<1x1x128xi32, #tpu.memory_space<hbm>>
      %dma_wait3A_266 = tpu.memref_squeeze %dma_wait3A_265 : memref<1x1x128xi32, #tpu.memory_space<hbm>> -> memref<128xi32, #tpu.memory_space<hbm>>
      tpu.wait_dma2 semaphore(%arg16 : memref<!tpu.dma_semaphore, #tpu.memory_space<semaphore_mem>>) src(%dma_wait3A_266 : memref<128xi32, #tpu.memory_space<hbm>>) dst(%arg10 : memref<128xi32, #tpu.memory_space<vmem>>)
      %dma_start3A_267 = arith.constant 0 : i32
      %dma_start3A_268 = arith.constant 0 : i32
      %dma_start3A_269 = tpu.memref_slice %arg7[%dma_start3A_267, %dma_start3A_268] : memref<10240x128xf32, #tpu.memory_space<vmem_shared>> -> memref<10240x128xf32, #tpu.memory_space<vmem_shared>>
      tpu.enqueue_indirect_dma source(%arg12 : memref<128x128xf32, #tpu.memory_space<vmem>>) target(%dma_start3A_269 : memref<10240x128xf32, #tpu.memory_space<vmem_shared>>) offsets(%arg10 : memref<128xi32, #tpu.memory_space<vmem>>) semaphore(%arg20 : memref<!tpu.dma_semaphore, #tpu.memory_space<semaphore_mem>>) {add = true}
    }
    %scan3A_75 = arith.constant 38 : i32
    %dma_wait3A_76 = arith.constant 78 : i32
    %dma_wait3A_77 = arith.constant 0 : i32
    %dma_wait3A_78 = tpu.memref_slice %arg3[%add3A, %dma_wait3A_76, %dma_wait3A_77] : memref<32x80x128xi32, #tpu.memory_space<hbm>> -> memref<1x1x128xi32, #tpu.memory_space<hbm>>
    %dma_wait3A_79 = tpu.memref_squeeze %dma_wait3A_78 : memref<1x1x128xi32, #tpu.memory_space<hbm>> -> memref<128xi32, #tpu.memory_space<hbm>>
    %dma_wait3A_80 = arith.constant 0 : i32
    %dma_wait3A_81 = tpu.memref_slice %arg3[%add3A, %dma_wait3A_76, %dma_wait3A_80] : memref<32x80x128xi32, #tpu.memory_space<hbm>> -> memref<1x1x128xi32, #tpu.memory_space<hbm>>
    %dma_wait3A_82 = tpu.memref_squeeze %dma_wait3A_81 : memref<1x1x128xi32, #tpu.memory_space<hbm>> -> memref<128xi32, #tpu.memory_space<hbm>>
    tpu.wait_dma2 semaphore(%arg14 : memref<!tpu.dma_semaphore, #tpu.memory_space<semaphore_mem>>) src(%dma_wait3A_82 : memref<128xi32, #tpu.memory_space<hbm>>) dst(%arg8 : memref<128xi32, #tpu.memory_space<vmem>>)
    %dma_wait3A_83 = arith.constant 0 : i32
    %dma_wait3A_84 = arith.constant 0 : i32
    %dma_wait3A_85 = tpu.memref_slice %arg7[%dma_wait3A_83, %dma_wait3A_84] : memref<10240x128xf32, #tpu.memory_space<vmem_shared>> -> memref<10240x128xf32, #tpu.memory_space<vmem_shared>>
    tpu.wait_indirect_dma semaphore(%arg20 : memref<!tpu.dma_semaphore, #tpu.memory_space<semaphore_mem>>) src(%arg12 : memref<128x128xf32, #tpu.memory_space<vmem>>) dst(%dma_wait3A_85 : memref<10240x128xf32, #tpu.memory_space<vmem_shared>>)
    %dma_start3A_86 = arith.constant 0 : i32
    %dma_start3A_87 = arith.constant 0 : i32
    %dma_start3A_88 = tpu.memref_slice %arg2[%dma_start3A_86, %dma_start3A_87] : memref<10000x128xf32, #tpu.memory_space<hbm>> -> memref<10000x128xf32, #tpu.memory_space<hbm>>
    tpu.enqueue_indirect_dma source(%dma_start3A_88 : memref<10000x128xf32, #tpu.memory_space<hbm>>) target(%arg12 : memref<128x128xf32, #tpu.memory_space<vmem>>) offsets(%arg8 : memref<128xi32, #tpu.memory_space<vmem>>) semaphore(%arg18 : memref<!tpu.dma_semaphore, #tpu.memory_space<semaphore_mem>>)
    %dma_start3A_89 = arith.constant 78 : i32
    %dma_start3A_90 = arith.constant 0 : i32
    %dma_start3A_91 = tpu.memref_slice %arg4[%add3A, %dma_start3A_89, %dma_start3A_90] : memref<32x80x128xi32, #tpu.memory_space<hbm>> -> memref<1x1x128xi32, #tpu.memory_space<hbm>>
    %dma_start3A_92 = tpu.memref_squeeze %dma_start3A_91 : memref<1x1x128xi32, #tpu.memory_space<hbm>> -> memref<128xi32, #tpu.memory_space<hbm>>
    %dma_start3A_93 = arith.constant 0 : i32
    %dma_start3A_94 = tpu.memref_slice %arg4[%add3A, %dma_start3A_89, %dma_start3A_93] : memref<32x80x128xi32, #tpu.memory_space<hbm>> -> memref<1x1x128xi32, #tpu.memory_space<hbm>>
    %dma_start3A_95 = tpu.memref_squeeze %dma_start3A_94 : memref<1x1x128xi32, #tpu.memory_space<hbm>> -> memref<128xi32, #tpu.memory_space<hbm>>
    tpu.enqueue_dma source(%dma_start3A_95 : memref<128xi32, #tpu.memory_space<hbm>>) target(%arg10 : memref<128xi32, #tpu.memory_space<vmem>>) target_semaphore(%arg16 : memref<!tpu.dma_semaphore, #tpu.memory_space<semaphore_mem>>)
    %dma_wait3A_96 = arith.constant 0 : i32
    %dma_wait3A_97 = arith.constant 0 : i32
    %dma_wait3A_98 = tpu.memref_slice %arg2[%dma_wait3A_96, %dma_wait3A_97] : memref<10000x128xf32, #tpu.memory_space<hbm>> -> memref<10000x128xf32, #tpu.memory_space<hbm>>
    tpu.wait_indirect_dma semaphore(%arg19 : memref<!tpu.dma_semaphore, #tpu.memory_space<semaphore_mem>>) src(%dma_wait3A_98 : memref<10000x128xf32, #tpu.memory_space<hbm>>) dst(%arg13 : memref<128x128xf32, #tpu.memory_space<vmem>>)
    %dma_start3A_99 = arith.constant 79 : i32
    %dma_start3A_100 = arith.constant 0 : i32
    %dma_start3A_101 = tpu.memref_slice %arg3[%add3A, %dma_start3A_99, %dma_start3A_100] : memref<32x80x128xi32, #tpu.memory_space<hbm>> -> memref<1x1x128xi32, #tpu.memory_space<hbm>>
    %dma_start3A_102 = tpu.memref_squeeze %dma_start3A_101 : memref<1x1x128xi32, #tpu.memory_space<hbm>> -> memref<128xi32, #tpu.memory_space<hbm>>
    %dma_start3A_103 = arith.constant 0 : i32
    %dma_start3A_104 = tpu.memref_slice %arg3[%add3A, %dma_start3A_99, %dma_start3A_103] : memref<32x80x128xi32, #tpu.memory_space<hbm>> -> memref<1x1x128xi32, #tpu.memory_space<hbm>>
    %dma_start3A_105 = tpu.memref_squeeze %dma_start3A_104 : memref<1x1x128xi32, #tpu.memory_space<hbm>> -> memref<128xi32, #tpu.memory_space<hbm>>
    tpu.enqueue_dma source(%dma_start3A_105 : memref<128xi32, #tpu.memory_space<hbm>>) target(%arg9 : memref<128xi32, #tpu.memory_space<vmem>>) target_semaphore(%arg15 : memref<!tpu.dma_semaphore, #tpu.memory_space<semaphore_mem>>)
    %dma_wait3A_106 = arith.constant 77 : i32
    %dma_wait3A_107 = arith.constant 0 : i32
    %dma_wait3A_108 = tpu.memref_slice %arg4[%add3A, %dma_wait3A_106, %dma_wait3A_107] : memref<32x80x128xi32, #tpu.memory_space<hbm>> -> memref<1x1x128xi32, #tpu.memory_space<hbm>>
    %dma_wait3A_109 = tpu.memref_squeeze %dma_wait3A_108 : memref<1x1x128xi32, #tpu.memory_space<hbm>> -> memref<128xi32, #tpu.memory_space<hbm>>
    %dma_wait3A_110 = arith.constant 0 : i32
    %dma_wait3A_111 = tpu.memref_slice %arg4[%add3A, %dma_wait3A_106, %dma_wait3A_110] : memref<32x80x128xi32, #tpu.memory_space<hbm>> -> memref<1x1x128xi32, #tpu.memory_space<hbm>>
    %dma_wait3A_112 = tpu.memref_squeeze %dma_wait3A_111 : memref<1x1x128xi32, #tpu.memory_space<hbm>> -> memref<128xi32, #tpu.memory_space<hbm>>
    tpu.wait_dma2 semaphore(%arg17 : memref<!tpu.dma_semaphore, #tpu.memory_space<semaphore_mem>>) src(%dma_wait3A_112 : memref<128xi32, #tpu.memory_space<hbm>>) dst(%arg11 : memref<128xi32, #tpu.memory_space<vmem>>)
    %dma_start3A_113 = arith.constant 0 : i32
    %dma_start3A_114 = arith.constant 0 : i32
    %dma_start3A_115 = tpu.memref_slice %arg7[%dma_start3A_113, %dma_start3A_114] : memref<10240x128xf32, #tpu.memory_space<vmem_shared>> -> memref<10240x128xf32, #tpu.memory_space<vmem_shared>>
    tpu.enqueue_indirect_dma source(%arg13 : memref<128x128xf32, #tpu.memory_space<vmem>>) target(%dma_start3A_115 : memref<10240x128xf32, #tpu.memory_space<vmem_shared>>) offsets(%arg11 : memref<128xi32, #tpu.memory_space<vmem>>) semaphore(%arg21 : memref<!tpu.dma_semaphore, #tpu.memory_space<semaphore_mem>>) {add = true}
    %dma_wait3A_116 = arith.constant 79 : i32
    %dma_wait3A_117 = arith.constant 0 : i32
    %dma_wait3A_118 = tpu.memref_slice %arg3[%add3A, %dma_wait3A_116, %dma_wait3A_117] : memref<32x80x128xi32, #tpu.memory_space<hbm>> -> memref<1x1x128xi32, #tpu.memory_space<hbm>>
    %dma_wait3A_119 = tpu.memref_squeeze %dma_wait3A_118 : memref<1x1x128xi32, #tpu.memory_space<hbm>> -> memref<128xi32, #tpu.memory_space<hbm>>
    %dma_wait3A_120 = arith.constant 0 : i32
    %dma_wait3A_121 = tpu.memref_slice %arg3[%add3A, %dma_wait3A_116, %dma_wait3A_120] : memref<32x80x128xi32, #tpu.memory_space<hbm>> -> memref<1x1x128xi32, #tpu.memory_space<hbm>>
    %dma_wait3A_122 = tpu.memref_squeeze %dma_wait3A_121 : memref<1x1x128xi32, #tpu.memory_space<hbm>> -> memref<128xi32, #tpu.memory_space<hbm>>
    tpu.wait_dma2 semaphore(%arg15 : memref<!tpu.dma_semaphore, #tpu.memory_space<semaphore_mem>>) src(%dma_wait3A_122 : memref<128xi32, #tpu.memory_space<hbm>>) dst(%arg9 : memref<128xi32, #tpu.memory_space<vmem>>)
    %dma_wait3A_123 = arith.constant 0 : i32
    %dma_wait3A_124 = arith.constant 0 : i32
    %dma_wait3A_125 = tpu.memref_slice %arg7[%dma_wait3A_123, %dma_wait3A_124] : memref<10240x128xf32, #tpu.memory_space<vmem_shared>> -> memref<10240x128xf32, #tpu.memory_space<vmem_shared>>
    tpu.wait_indirect_dma semaphore(%arg21 : memref<!tpu.dma_semaphore, #tpu.memory_space<semaphore_mem>>) src(%arg13 : memref<128x128xf32, #tpu.memory_space<vmem>>) dst(%dma_wait3A_125 : memref<10240x128xf32, #tpu.memory_space<vmem_shared>>)
    %dma_start3A_126 = arith.constant 0 : i32
    %dma_start3A_127 = arith.constant 0 : i32
    %dma_start3A_128 = tpu.memref_slice %arg2[%dma_start3A_126, %dma_start3A_127] : memref<10000x128xf32, #tpu.memory_space<hbm>> -> memref<10000x128xf32, #tpu.memory_space<hbm>>
    tpu.enqueue_indirect_dma source(%dma_start3A_128 : memref<10000x128xf32, #tpu.memory_space<hbm>>) target(%arg13 : memref<128x128xf32, #tpu.memory_space<vmem>>) offsets(%arg9 : memref<128xi32, #tpu.memory_space<vmem>>) semaphore(%arg19 : memref<!tpu.dma_semaphore, #tpu.memory_space<semaphore_mem>>)
    %dma_start3A_129 = arith.constant 79 : i32
    %dma_start3A_130 = arith.constant 0 : i32
    %dma_start3A_131 = tpu.memref_slice %arg4[%add3A, %dma_start3A_129, %dma_start3A_130] : memref<32x80x128xi32, #tpu.memory_space<hbm>> -> memref<1x1x128xi32, #tpu.memory_space<hbm>>
    %dma_start3A_132 = tpu.memref_squeeze %dma_start3A_131 : memref<1x1x128xi32, #tpu.memory_space<hbm>> -> memref<128xi32, #tpu.memory_space<hbm>>
    %dma_start3A_133 = arith.constant 0 : i32
    %dma_start3A_134 = tpu.memref_slice %arg4[%add3A, %dma_start3A_129, %dma_start3A_133] : memref<32x80x128xi32, #tpu.memory_space<hbm>> -> memref<1x1x128xi32, #tpu.memory_space<hbm>>
    %dma_start3A_135 = tpu.memref_squeeze %dma_start3A_134 : memref<1x1x128xi32, #tpu.memory_space<hbm>> -> memref<128xi32, #tpu.memory_space<hbm>>
    tpu.enqueue_dma source(%dma_start3A_135 : memref<128xi32, #tpu.memory_space<hbm>>) target(%arg11 : memref<128xi32, #tpu.memory_space<vmem>>) target_semaphore(%arg17 : memref<!tpu.dma_semaphore, #tpu.memory_space<semaphore_mem>>)
    %dma_wait3A_136 = arith.constant 0 : i32
    %dma_wait3A_137 = arith.constant 0 : i32
    %dma_wait3A_138 = tpu.memref_slice %arg2[%dma_wait3A_136, %dma_wait3A_137] : memref<10000x128xf32, #tpu.memory_space<hbm>> -> memref<10000x128xf32, #tpu.memory_space<hbm>>
    tpu.wait_indirect_dma semaphore(%arg18 : memref<!tpu.dma_semaphore, #tpu.memory_space<semaphore_mem>>) src(%dma_wait3A_138 : memref<10000x128xf32, #tpu.memory_space<hbm>>) dst(%arg12 : memref<128x128xf32, #tpu.memory_space<vmem>>)
    %dma_wait3A_139 = arith.constant 78 : i32
    %dma_wait3A_140 = arith.constant 0 : i32
    %dma_wait3A_141 = tpu.memref_slice %arg4[%add3A, %dma_wait3A_139, %dma_wait3A_140] : memref<32x80x128xi32, #tpu.memory_space<hbm>> -> memref<1x1x128xi32, #tpu.memory_space<hbm>>
    %dma_wait3A_142 = tpu.memref_squeeze %dma_wait3A_141 : memref<1x1x128xi32, #tpu.memory_space<hbm>> -> memref<128xi32, #tpu.memory_space<hbm>>
    %dma_wait3A_143 = arith.constant 0 : i32
    %dma_wait3A_144 = tpu.memref_slice %arg4[%add3A, %dma_wait3A_139, %dma_wait3A_143] : memref<32x80x128xi32, #tpu.memory_space<hbm>> -> memref<1x1x128xi32, #tpu.memory_space<hbm>>
    %dma_wait3A_145 = tpu.memref_squeeze %dma_wait3A_144 : memref<1x1x128xi32, #tpu.memory_space<hbm>> -> memref<128xi32, #tpu.memory_space<hbm>>
    tpu.wait_dma2 semaphore(%arg16 : memref<!tpu.dma_semaphore, #tpu.memory_space<semaphore_mem>>) src(%dma_wait3A_145 : memref<128xi32, #tpu.memory_space<hbm>>) dst(%arg10 : memref<128xi32, #tpu.memory_space<vmem>>)
    %dma_start3A_146 = arith.constant 0 : i32
    %dma_start3A_147 = arith.constant 0 : i32
    %dma_start3A_148 = tpu.memref_slice %arg7[%dma_start3A_146, %dma_start3A_147] : memref<10240x128xf32, #tpu.memory_space<vmem_shared>> -> memref<10240x128xf32, #tpu.memory_space<vmem_shared>>
    tpu.enqueue_indirect_dma source(%arg12 : memref<128x128xf32, #tpu.memory_space<vmem>>) target(%dma_start3A_148 : memref<10240x128xf32, #tpu.memory_space<vmem_shared>>) offsets(%arg10 : memref<128xi32, #tpu.memory_space<vmem>>) semaphore(%arg20 : memref<!tpu.dma_semaphore, #tpu.memory_space<semaphore_mem>>) {add = true}
    %dma_wait3A_149 = arith.constant 0 : i32
    %dma_wait3A_150 = arith.constant 0 : i32
    %dma_wait3A_151 = tpu.memref_slice %arg2[%dma_wait3A_149, %dma_wait3A_150] : memref<10000x128xf32, #tpu.memory_space<hbm>> -> memref<10000x128xf32, #tpu.memory_space<hbm>>
    tpu.wait_indirect_dma semaphore(%arg19 : memref<!tpu.dma_semaphore, #tpu.memory_space<semaphore_mem>>) src(%dma_wait3A_151 : memref<10000x128xf32, #tpu.memory_space<hbm>>) dst(%arg13 : memref<128x128xf32, #tpu.memory_space<vmem>>)
    %dma_wait3A_152 = arith.constant 79 : i32
    %dma_wait3A_153 = arith.constant 0 : i32
    %dma_wait3A_154 = tpu.memref_slice %arg4[%add3A, %dma_wait3A_152, %dma_wait3A_153] : memref<32x80x128xi32, #tpu.memory_space<hbm>> -> memref<1x1x128xi32, #tpu.memory_space<hbm>>
    %dma_wait3A_155 = tpu.memref_squeeze %dma_wait3A_154 : memref<1x1x128xi32, #tpu.memory_space<hbm>> -> memref<128xi32, #tpu.memory_space<hbm>>
    %dma_wait3A_156 = arith.constant 0 : i32
    %dma_wait3A_157 = tpu.memref_slice %arg4[%add3A, %dma_wait3A_152, %dma_wait3A_156] : memref<32x80x128xi32, #tpu.memory_space<hbm>> -> memref<1x1x128xi32, #tpu.memory_space<hbm>>
    %dma_wait3A_158 = tpu.memref_squeeze %dma_wait3A_157 : memref<1x1x128xi32, #tpu.memory_space<hbm>> -> memref<128xi32, #tpu.memory_space<hbm>>
    tpu.wait_dma2 semaphore(%arg17 : memref<!tpu.dma_semaphore, #tpu.memory_space<semaphore_mem>>) src(%dma_wait3A_158 : memref<128xi32, #tpu.memory_space<hbm>>) dst(%arg11 : memref<128xi32, #tpu.memory_space<vmem>>)
    %dma_start3A_159 = arith.constant 0 : i32
    %dma_start3A_160 = arith.constant 0 : i32
    %dma_start3A_161 = tpu.memref_slice %arg7[%dma_start3A_159, %dma_start3A_160] : memref<10240x128xf32, #tpu.memory_space<vmem_shared>> -> memref<10240x128xf32, #tpu.memory_space<vmem_shared>>
    tpu.enqueue_indirect_dma source(%arg13 : memref<128x128xf32, #tpu.memory_space<vmem>>) target(%dma_start3A_161 : memref<10240x128xf32, #tpu.memory_space<vmem_shared>>) offsets(%arg11 : memref<128xi32, #tpu.memory_space<vmem>>) semaphore(%arg21 : memref<!tpu.dma_semaphore, #tpu.memory_space<semaphore_mem>>) {add = true}
    %dma_wait3A_162 = arith.constant 0 : i32
    %dma_wait3A_163 = arith.constant 0 : i32
    %dma_wait3A_164 = tpu.memref_slice %arg7[%dma_wait3A_162, %dma_wait3A_163] : memref<10240x128xf32, #tpu.memory_space<vmem_shared>> -> memref<10240x128xf32, #tpu.memory_space<vmem_shared>>
    tpu.wait_indirect_dma semaphore(%arg20 : memref<!tpu.dma_semaphore, #tpu.memory_space<semaphore_mem>>) src(%arg12 : memref<128x128xf32, #tpu.memory_space<vmem>>) dst(%dma_wait3A_164 : memref<10240x128xf32, #tpu.memory_space<vmem_shared>>)
    %dma_wait3A_165 = arith.constant 0 : i32
    %dma_wait3A_166 = arith.constant 0 : i32
    %dma_wait3A_167 = tpu.memref_slice %arg7[%dma_wait3A_165, %dma_wait3A_166] : memref<10240x128xf32, #tpu.memory_space<vmem_shared>> -> memref<10240x128xf32, #tpu.memory_space<vmem_shared>>
    tpu.wait_indirect_dma semaphore(%arg21 : memref<!tpu.dma_semaphore, #tpu.memory_space<semaphore_mem>>) src(%arg13 : memref<128x128xf32, #tpu.memory_space<vmem>>) dst(%dma_wait3A_167 : memref<10240x128xf32, #tpu.memory_space<vmem_shared>>)
    %barrier3A_168 = arith.constant 0 : index
    tpu.barrier barrier_id(%barrier3A_168)
    %mul3A_169 = arith.constant 640 : i32
    %mul3A_170 = arith.muli %arg1, %mul3A_169 : i32
    %mul3A_171 = arith.constant 640 : i32
    %mul3A_172 = arith.muli %arg1, %mul3A_171 : i32
    "tpu.region"() ({
      %run_scoped3A = tpu.sem_alloc : memref<!tpu.dma_semaphore, #tpu.memory_space<semaphore_mem>>
      %dma_start3A_173 = arith.constant 0 : i32
      %dma_start3A_174 = tpu.memref_slice %arg6[%arg0, %mul3A_172, %dma_start3A_173] : memref<2x10240x128xf32, #tpu.memory_space<hbm>> -> memref<1x640x128xf32, #tpu.memory_space<hbm>>
      %dma_start3A_175 = tpu.memref_squeeze %dma_start3A_174 : memref<1x640x128xf32, #tpu.memory_space<hbm>> -> memref<640x128xf32, #tpu.memory_space<hbm>>
      %dma_start3A_176 = arith.constant 0 : i32
      %dma_start3A_177 = tpu.memref_slice %arg7[%mul3A_170, %dma_start3A_176] : memref<10240x128xf32, #tpu.memory_space<vmem_shared>> -> memref<640x128xf32, #tpu.memory_space<vmem_shared>>
      tpu.enqueue_dma source(%dma_start3A_177 : memref<640x128xf32, #tpu.memory_space<vmem_shared>>) target(%dma_start3A_175 : memref<640x128xf32, #tpu.memory_space<hbm>>) target_semaphore(%run_scoped3A : memref<!tpu.dma_semaphore, #tpu.memory_space<semaphore_mem>>)
      %dma_wait3A_178 = arith.constant 0 : i32
      %dma_wait3A_179 = tpu.memref_slice %arg6[%arg0, %mul3A_172, %dma_wait3A_178] : memref<2x10240x128xf32, #tpu.memory_space<hbm>> -> memref<1x640x128xf32, #tpu.memory_space<hbm>>
      %dma_wait3A_180 = tpu.memref_squeeze %dma_wait3A_179 : memref<1x640x128xf32, #tpu.memory_space<hbm>> -> memref<640x128xf32, #tpu.memory_space<hbm>>
      %dma_wait3A_181 = arith.constant 0 : i32
      %dma_wait3A_182 = tpu.memref_slice %arg7[%mul3A_170, %dma_wait3A_181] : memref<10240x128xf32, #tpu.memory_space<vmem_shared>> -> memref<640x128xf32, #tpu.memory_space<vmem_shared>>
      tpu.wait_dma2 semaphore(%run_scoped3A : memref<!tpu.dma_semaphore, #tpu.memory_space<semaphore_mem>>) src(%dma_wait3A_182 : memref<640x128xf32, #tpu.memory_space<vmem_shared>>) dst(%dma_wait3A_180 : memref<640x128xf32, #tpu.memory_space<hbm>>)
      tpu.yield
    }) : () -> ()
    return
  }
}

#map = affine_map<(d0, d1) -> (0, 0)>
#map1 = affine_map<(d0, d1) -> (0, 0, 0)>
module attributes {stable_mosaic.version = 14 : i64} {
  func.func @kern(%arg0: i32, %arg1: i32, %arg2: memref<10000x128xf32, #tpu.memory_space<hbm>>, %arg3: memref<32x80x128xi32, #tpu.memory_space<hbm>>, %arg4: memref<32x80x128xi32, #tpu.memory_space<hbm>>, %arg5: memref<10240x128xf32, #tpu.memory_space<hbm>>, %arg6: memref<2x10240x128xf32, #tpu.memory_space<hbm>>, %arg7: memref<10240x128xf32, #tpu.memory_space<vmem_shared>>, %arg8: memref<128xi32, #tpu.memory_space<vmem>>, %arg9: memref<128xi32, #tpu.memory_space<vmem>>, %arg10: memref<128xi32, #tpu.memory_space<vmem>>, %arg11: memref<128xi32, #tpu.memory_space<vmem>>, %arg12: memref<128x128xf32, #tpu.memory_space<vmem>>, %arg13: memref<128x128xf32, #tpu.memory_space<vmem>>, %arg14: memref<!tpu.dma_semaphore, #tpu.memory_space<semaphore_mem>>, %arg15: memref<!tpu.dma_semaphore, #tpu.memory_space<semaphore_mem>>, %arg16: memref<!tpu.dma_semaphore, #tpu.memory_space<semaphore_mem>>, %arg17: memref<!tpu.dma_semaphore, #tpu.memory_space<semaphore_mem>>, %arg18: memref<!tpu.dma_semaphore, #tpu.memory_space<semaphore_mem>>, %arg19: memref<!tpu.dma_semaphore, #tpu.memory_space<semaphore_mem>>, %arg20: memref<!tpu.dma_semaphore, #tpu.memory_space<semaphore_mem>>, %arg21: memref<!tpu.dma_semaphore, #tpu.memory_space<semaphore_mem>>) attributes {dimension_semantics = [#tpu.dimension_semantics<core_parallel>, #tpu.dimension_semantics<subcore_parallel>], iteration_bounds = array<i64: 2, 16>, scalar_prefetch = 0 : i64, scratch_operands = 15 : i64, tpu.core_type = #tpu.core_type<sc_vector_subcore>, window_params = [{transform_indices = #map}, {transform_indices = #map1}, {transform_indices = #map1}, {transform_indices = #map}, {transform_indices = #map1}]} {
    %mul3A = arith.constant 16 : i32
    %mul3A_0 = arith.muli %arg0, %mul3A : i32
    %add3A = arith.addi %mul3A_0, %arg1 : i32
    %mul3A_1 = arith.constant 640 : i32
    %mul3A_2 = arith.muli %arg1, %mul3A_1 : i32
    %mul3A_3 = arith.constant 640 : i32
    %mul3A_4 = arith.muli %arg1, %mul3A_3 : i32
    "tpu.region"() ({
      %run_scoped3A = tpu.sem_alloc : memref<!tpu.dma_semaphore, #tpu.memory_space<semaphore_mem>>
      %dma_start3A_173 = arith.constant 0 : i32
      %dma_start3A_174 = tpu.memref_slice %arg7[%mul3A_4, %dma_start3A_173] : memref<10240x128xf32, #tpu.memory_space<vmem_shared>> -> memref<640x128xf32, #tpu.memory_space<vmem_shared>>
      %dma_start3A_175 = arith.constant 0 : i32
      %dma_start3A_176 = tpu.memref_slice %arg5[%mul3A_2, %dma_start3A_175] : memref<10240x128xf32, #tpu.memory_space<hbm>> -> memref<640x128xf32, #tpu.memory_space<hbm>>
      tpu.enqueue_dma source(%dma_start3A_176 : memref<640x128xf32, #tpu.memory_space<hbm>>) target(%dma_start3A_174 : memref<640x128xf32, #tpu.memory_space<vmem_shared>>) target_semaphore(%run_scoped3A : memref<!tpu.dma_semaphore, #tpu.memory_space<semaphore_mem>>)
      %dma_wait3A_177 = arith.constant 0 : i32
      %dma_wait3A_178 = tpu.memref_slice %arg7[%mul3A_4, %dma_wait3A_177] : memref<10240x128xf32, #tpu.memory_space<vmem_shared>> -> memref<640x128xf32, #tpu.memory_space<vmem_shared>>
      %dma_wait3A_179 = arith.constant 0 : i32
      %dma_wait3A_180 = tpu.memref_slice %arg5[%mul3A_2, %dma_wait3A_179] : memref<10240x128xf32, #tpu.memory_space<hbm>> -> memref<640x128xf32, #tpu.memory_space<hbm>>
      tpu.wait_dma2 semaphore(%run_scoped3A : memref<!tpu.dma_semaphore, #tpu.memory_space<semaphore_mem>>) src(%dma_wait3A_180 : memref<640x128xf32, #tpu.memory_space<hbm>>) dst(%dma_wait3A_178 : memref<640x128xf32, #tpu.memory_space<vmem_shared>>)
      tpu.yield
    }) : () -> ()
    %barrier3A = arith.constant 0 : index
    tpu.barrier barrier_id(%barrier3A)
    %dma_start3A = arith.constant 0 : i32
    %dma_start3A_5 = arith.constant 0 : i32
    %dma_start3A_6 = tpu.memref_slice %arg3[%add3A, %dma_start3A, %dma_start3A_5] : memref<32x80x128xi32, #tpu.memory_space<hbm>> -> memref<1x1x128xi32, #tpu.memory_space<hbm>>
    %dma_start3A_7 = tpu.memref_squeeze %dma_start3A_6 : memref<1x1x128xi32, #tpu.memory_space<hbm>> -> memref<128xi32, #tpu.memory_space<hbm>>
    %dma_start3A_8 = arith.constant 0 : i32
    %dma_start3A_9 = tpu.memref_slice %arg3[%add3A, %dma_start3A, %dma_start3A_8] : memref<32x80x128xi32, #tpu.memory_space<hbm>> -> memref<1x1x128xi32, #tpu.memory_space<hbm>>
    %dma_start3A_10 = tpu.memref_squeeze %dma_start3A_9 : memref<1x1x128xi32, #tpu.memory_space<hbm>> -> memref<128xi32, #tpu.memory_space<hbm>>
    tpu.enqueue_dma source(%dma_start3A_10 : memref<128xi32, #tpu.memory_space<hbm>>) target(%arg8 : memref<128xi32, #tpu.memory_space<vmem>>) target_semaphore(%arg14 : memref<!tpu.dma_semaphore, #tpu.memory_space<semaphore_mem>>)
    %dma_wait3A = arith.constant 0 : i32
    %dma_wait3A_11 = arith.constant 0 : i32
    %dma_wait3A_12 = tpu.memref_slice %arg3[%add3A, %dma_wait3A, %dma_wait3A_11] : memref<32x80x128xi32, #tpu.memory_space<hbm>> -> memref<1x1x128xi32, #tpu.memory_space<hbm>>
    %dma_wait3A_13 = tpu.memref_squeeze %dma_wait3A_12 : memref<1x1x128xi32, #tpu.memory_space<hbm>> -> memref<128xi32, #tpu.memory_space<hbm>>
    %dma_wait3A_14 = arith.constant 0 : i32
    %dma_wait3A_15 = tpu.memref_slice %arg3[%add3A, %dma_wait3A, %dma_wait3A_14] : memref<32x80x128xi32, #tpu.memory_space<hbm>> -> memref<1x1x128xi32, #tpu.memory_space<hbm>>
    %dma_wait3A_16 = tpu.memref_squeeze %dma_wait3A_15 : memref<1x1x128xi32, #tpu.memory_space<hbm>> -> memref<128xi32, #tpu.memory_space<hbm>>
    tpu.wait_dma2 semaphore(%arg14 : memref<!tpu.dma_semaphore, #tpu.memory_space<semaphore_mem>>) src(%dma_wait3A_16 : memref<128xi32, #tpu.memory_space<hbm>>) dst(%arg8 : memref<128xi32, #tpu.memory_space<vmem>>)
    %dma_start3A_17 = arith.constant 0 : i32
    %dma_start3A_18 = arith.constant 0 : i32
    %dma_start3A_19 = tpu.memref_slice %arg2[%dma_start3A_17, %dma_start3A_18] : memref<10000x128xf32, #tpu.memory_space<hbm>> -> memref<10000x128xf32, #tpu.memory_space<hbm>>
    tpu.enqueue_indirect_dma source(%dma_start3A_19 : memref<10000x128xf32, #tpu.memory_space<hbm>>) target(%arg12 : memref<128x128xf32, #tpu.memory_space<vmem>>) offsets(%arg8 : memref<128xi32, #tpu.memory_space<vmem>>) semaphore(%arg18 : memref<!tpu.dma_semaphore, #tpu.memory_space<semaphore_mem>>)
    %dma_start3A_20 = arith.constant 1 : i32
    %dma_start3A_21 = arith.constant 0 : i32
    %dma_start3A_22 = tpu.memref_slice %arg3[%add3A, %dma_start3A_20, %dma_start3A_21] : memref<32x80x128xi32, #tpu.memory_space<hbm>> -> memref<1x1x128xi32, #tpu.memory_space<hbm>>
    %dma_start3A_23 = tpu.memref_squeeze %dma_start3A_22 : memref<1x1x128xi32, #tpu.memory_space<hbm>> -> memref<128xi32, #tpu.memory_space<hbm>>
    %dma_start3A_24 = arith.constant 0 : i32
    %dma_start3A_25 = tpu.memref_slice %arg3[%add3A, %dma_start3A_20, %dma_start3A_24] : memref<32x80x128xi32, #tpu.memory_space<hbm>> -> memref<1x1x128xi32, #tpu.memory_space<hbm>>
    %dma_start3A_26 = tpu.memref_squeeze %dma_start3A_25 : memref<1x1x128xi32, #tpu.memory_space<hbm>> -> memref<128xi32, #tpu.memory_space<hbm>>
    tpu.enqueue_dma source(%dma_start3A_26 : memref<128xi32, #tpu.memory_space<hbm>>) target(%arg9 : memref<128xi32, #tpu.memory_space<vmem>>) target_semaphore(%arg15 : memref<!tpu.dma_semaphore, #tpu.memory_space<semaphore_mem>>)
    %dma_start3A_27 = arith.constant 0 : i32
    %dma_start3A_28 = arith.constant 0 : i32
    %dma_start3A_29 = tpu.memref_slice %arg4[%add3A, %dma_start3A_27, %dma_start3A_28] : memref<32x80x128xi32, #tpu.memory_space<hbm>> -> memref<1x1x128xi32, #tpu.memory_space<hbm>>
    %dma_start3A_30 = tpu.memref_squeeze %dma_start3A_29 : memref<1x1x128xi32, #tpu.memory_space<hbm>> -> memref<128xi32, #tpu.memory_space<hbm>>
    %dma_start3A_31 = arith.constant 0 : i32
    %dma_start3A_32 = tpu.memref_slice %arg4[%add3A, %dma_start3A_27, %dma_start3A_31] : memref<32x80x128xi32, #tpu.memory_space<hbm>> -> memref<1x1x128xi32, #tpu.memory_space<hbm>>
    %dma_start3A_33 = tpu.memref_squeeze %dma_start3A_32 : memref<1x1x128xi32, #tpu.memory_space<hbm>> -> memref<128xi32, #tpu.memory_space<hbm>>
    tpu.enqueue_dma source(%dma_start3A_33 : memref<128xi32, #tpu.memory_space<hbm>>) target(%arg10 : memref<128xi32, #tpu.memory_space<vmem>>) target_semaphore(%arg16 : memref<!tpu.dma_semaphore, #tpu.memory_space<semaphore_mem>>)
    %dma_wait3A_34 = arith.constant 1 : i32
    %dma_wait3A_35 = arith.constant 0 : i32
    %dma_wait3A_36 = tpu.memref_slice %arg3[%add3A, %dma_wait3A_34, %dma_wait3A_35] : memref<32x80x128xi32, #tpu.memory_space<hbm>> -> memref<1x1x128xi32, #tpu.memory_space<hbm>>
    %dma_wait3A_37 = tpu.memref_squeeze %dma_wait3A_36 : memref<1x1x128xi32, #tpu.memory_space<hbm>> -> memref<128xi32, #tpu.memory_space<hbm>>
    %dma_wait3A_38 = arith.constant 0 : i32
    %dma_wait3A_39 = tpu.memref_slice %arg3[%add3A, %dma_wait3A_34, %dma_wait3A_38] : memref<32x80x128xi32, #tpu.memory_space<hbm>> -> memref<1x1x128xi32, #tpu.memory_space<hbm>>
    %dma_wait3A_40 = tpu.memref_squeeze %dma_wait3A_39 : memref<1x1x128xi32, #tpu.memory_space<hbm>> -> memref<128xi32, #tpu.memory_space<hbm>>
    tpu.wait_dma2 semaphore(%arg15 : memref<!tpu.dma_semaphore, #tpu.memory_space<semaphore_mem>>) src(%dma_wait3A_40 : memref<128xi32, #tpu.memory_space<hbm>>) dst(%arg9 : memref<128xi32, #tpu.memory_space<vmem>>)
    %dma_start3A_41 = arith.constant 0 : i32
    %dma_start3A_42 = arith.constant 0 : i32
    %dma_start3A_43 = tpu.memref_slice %arg2[%dma_start3A_41, %dma_start3A_42] : memref<10000x128xf32, #tpu.memory_space<hbm>> -> memref<10000x128xf32, #tpu.memory_space<hbm>>
    tpu.enqueue_indirect_dma source(%dma_start3A_43 : memref<10000x128xf32, #tpu.memory_space<hbm>>) target(%arg13 : memref<128x128xf32, #tpu.memory_space<vmem>>) offsets(%arg9 : memref<128xi32, #tpu.memory_space<vmem>>) semaphore(%arg19 : memref<!tpu.dma_semaphore, #tpu.memory_space<semaphore_mem>>)
    %dma_start3A_44 = arith.constant 1 : i32
    %dma_start3A_45 = arith.constant 0 : i32
    %dma_start3A_46 = tpu.memref_slice %arg4[%add3A, %dma_start3A_44, %dma_start3A_45] : memref<32x80x128xi32, #tpu.memory_space<hbm>> -> memref<1x1x128xi32, #tpu.memory_space<hbm>>
    %dma_start3A_47 = tpu.memref_squeeze %dma_start3A_46 : memref<1x1x128xi32, #tpu.memory_space<hbm>> -> memref<128xi32, #tpu.memory_space<hbm>>
    %dma_start3A_48 = arith.constant 0 : i32
    %dma_start3A_49 = tpu.memref_slice %arg4[%add3A, %dma_start3A_44, %dma_start3A_48] : memref<32x80x128xi32, #tpu.memory_space<hbm>> -> memref<1x1x128xi32, #tpu.memory_space<hbm>>
    %dma_start3A_50 = tpu.memref_squeeze %dma_start3A_49 : memref<1x1x128xi32, #tpu.memory_space<hbm>> -> memref<128xi32, #tpu.memory_space<hbm>>
    tpu.enqueue_dma source(%dma_start3A_50 : memref<128xi32, #tpu.memory_space<hbm>>) target(%arg11 : memref<128xi32, #tpu.memory_space<vmem>>) target_semaphore(%arg17 : memref<!tpu.dma_semaphore, #tpu.memory_space<semaphore_mem>>)
    %dma_wait3A_51 = arith.constant 0 : i32
    %dma_wait3A_52 = arith.constant 0 : i32
    %dma_wait3A_53 = tpu.memref_slice %arg2[%dma_wait3A_51, %dma_wait3A_52] : memref<10000x128xf32, #tpu.memory_space<hbm>> -> memref<10000x128xf32, #tpu.memory_space<hbm>>
    tpu.wait_indirect_dma semaphore(%arg18 : memref<!tpu.dma_semaphore, #tpu.memory_space<semaphore_mem>>) src(%dma_wait3A_53 : memref<10000x128xf32, #tpu.memory_space<hbm>>) dst(%arg12 : memref<128x128xf32, #tpu.memory_space<vmem>>)
    %dma_start3A_54 = arith.constant 2 : i32
    %dma_start3A_55 = arith.constant 0 : i32
    %dma_start3A_56 = tpu.memref_slice %arg3[%add3A, %dma_start3A_54, %dma_start3A_55] : memref<32x80x128xi32, #tpu.memory_space<hbm>> -> memref<1x1x128xi32, #tpu.memory_space<hbm>>
    %dma_start3A_57 = tpu.memref_squeeze %dma_start3A_56 : memref<1x1x128xi32, #tpu.memory_space<hbm>> -> memref<128xi32, #tpu.memory_space<hbm>>
    %dma_start3A_58 = arith.constant 0 : i32
    %dma_start3A_59 = tpu.memref_slice %arg3[%add3A, %dma_start3A_54, %dma_start3A_58] : memref<32x80x128xi32, #tpu.memory_space<hbm>> -> memref<1x1x128xi32, #tpu.memory_space<hbm>>
    %dma_start3A_60 = tpu.memref_squeeze %dma_start3A_59 : memref<1x1x128xi32, #tpu.memory_space<hbm>> -> memref<128xi32, #tpu.memory_space<hbm>>
    tpu.enqueue_dma source(%dma_start3A_60 : memref<128xi32, #tpu.memory_space<hbm>>) target(%arg8 : memref<128xi32, #tpu.memory_space<vmem>>) target_semaphore(%arg14 : memref<!tpu.dma_semaphore, #tpu.memory_space<semaphore_mem>>)
    %dma_wait3A_61 = arith.constant 0 : i32
    %dma_wait3A_62 = arith.constant 0 : i32
    %dma_wait3A_63 = tpu.memref_slice %arg4[%add3A, %dma_wait3A_61, %dma_wait3A_62] : memref<32x80x128xi32, #tpu.memory_space<hbm>> -> memref<1x1x128xi32, #tpu.memory_space<hbm>>
    %dma_wait3A_64 = tpu.memref_squeeze %dma_wait3A_63 : memref<1x1x128xi32, #tpu.memory_space<hbm>> -> memref<128xi32, #tpu.memory_space<hbm>>
    %dma_wait3A_65 = arith.constant 0 : i32
    %dma_wait3A_66 = tpu.memref_slice %arg4[%add3A, %dma_wait3A_61, %dma_wait3A_65] : memref<32x80x128xi32, #tpu.memory_space<hbm>> -> memref<1x1x128xi32, #tpu.memory_space<hbm>>
    %dma_wait3A_67 = tpu.memref_squeeze %dma_wait3A_66 : memref<1x1x128xi32, #tpu.memory_space<hbm>> -> memref<128xi32, #tpu.memory_space<hbm>>
    tpu.wait_dma2 semaphore(%arg16 : memref<!tpu.dma_semaphore, #tpu.memory_space<semaphore_mem>>) src(%dma_wait3A_67 : memref<128xi32, #tpu.memory_space<hbm>>) dst(%arg10 : memref<128xi32, #tpu.memory_space<vmem>>)
    %dma_start3A_68 = arith.constant 0 : i32
    %dma_start3A_69 = arith.constant 0 : i32
    %dma_start3A_70 = tpu.memref_slice %arg7[%dma_start3A_68, %dma_start3A_69] : memref<10240x128xf32, #tpu.memory_space<vmem_shared>> -> memref<10240x128xf32, #tpu.memory_space<vmem_shared>>
    tpu.enqueue_indirect_dma source(%arg12 : memref<128x128xf32, #tpu.memory_space<vmem>>) target(%dma_start3A_70 : memref<10240x128xf32, #tpu.memory_space<vmem_shared>>) offsets(%arg10 : memref<128xi32, #tpu.memory_space<vmem>>) semaphore(%arg20 : memref<!tpu.dma_semaphore, #tpu.memory_space<semaphore_mem>>) {add = true}
    %scan3A = arith.constant 0 : i32
    %scan3A_71 = arith.constant 0 : i32
    %scan3A_72 = arith.constant 38 : i32
    %scan3A_73 = arith.addi %scan3A_71, %scan3A_72 : i32
    %scan3A_74 = arith.constant 1 : i32
    scf.for %scan3A_173 = %scan3A_71 to %scan3A_73 step %scan3A_74  : i32 {
      %mul3A_174 = arith.constant 2 : i32
      %mul3A_175 = arith.muli %mul3A_174, %scan3A_173 : i32
      %add3A_176 = arith.constant 1 : i32
      %add3A_177 = arith.addi %mul3A_175, %add3A_176 : i32
      %add3A_178 = arith.constant 1 : i32
      %add3A_179 = arith.addi %add3A_177, %add3A_178 : i32
      %dma_wait3A_180 = arith.constant 0 : i32
      %dma_wait3A_181 = tpu.memref_slice %arg3[%add3A, %add3A_179, %dma_wait3A_180] : memref<32x80x128xi32, #tpu.memory_space<hbm>> -> memref<1x1x128xi32, #tpu.memory_space<hbm>>
      %dma_wait3A_182 = tpu.memref_squeeze %dma_wait3A_181 : memref<1x1x128xi32, #tpu.memory_space<hbm>> -> memref<128xi32, #tpu.memory_space<hbm>>
      %dma_wait3A_183 = arith.constant 0 : i32
      %dma_wait3A_184 = tpu.memref_slice %arg3[%add3A, %add3A_179, %dma_wait3A_183] : memref<32x80x128xi32, #tpu.memory_space<hbm>> -> memref<1x1x128xi32, #tpu.memory_space<hbm>>
      %dma_wait3A_185 = tpu.memref_squeeze %dma_wait3A_184 : memref<1x1x128xi32, #tpu.memory_space<hbm>> -> memref<128xi32, #tpu.memory_space<hbm>>
      tpu.wait_dma2 semaphore(%arg14 : memref<!tpu.dma_semaphore, #tpu.memory_space<semaphore_mem>>) src(%dma_wait3A_185 : memref<128xi32, #tpu.memory_space<hbm>>) dst(%arg8 : memref<128xi32, #tpu.memory_space<vmem>>)
      %dma_wait3A_186 = arith.constant 0 : i32
      %dma_wait3A_187 = arith.constant 0 : i32
      %dma_wait3A_188 = tpu.memref_slice %arg7[%dma_wait3A_186, %dma_wait3A_187] : memref<10240x128xf32, #tpu.memory_space<vmem_shared>> -> memref<10240x128xf32, #tpu.memory_space<vmem_shared>>
      tpu.wait_indirect_dma semaphore(%arg20 : memref<!tpu.dma_semaphore, #tpu.memory_space<semaphore_mem>>) src(%arg12 : memref<128x128xf32, #tpu.memory_space<vmem>>) dst(%dma_wait3A_188 : memref<10240x128xf32, #tpu.memory_space<vmem_shared>>)
      %add3A_189 = arith.constant 1 : i32
      %add3A_190 = arith.addi %add3A_177, %add3A_189 : i32
      %dma_start3A_191 = arith.constant 0 : i32
      %dma_start3A_192 = arith.constant 0 : i32
      %dma_start3A_193 = tpu.memref_slice %arg2[%dma_start3A_191, %dma_start3A_192] : memref<10000x128xf32, #tpu.memory_space<hbm>> -> memref<10000x128xf32, #tpu.memory_space<hbm>>
      tpu.enqueue_indirect_dma source(%dma_start3A_193 : memref<10000x128xf32, #tpu.memory_space<hbm>>) target(%arg12 : memref<128x128xf32, #tpu.memory_space<vmem>>) offsets(%arg8 : memref<128xi32, #tpu.memory_space<vmem>>) semaphore(%arg18 : memref<!tpu.dma_semaphore, #tpu.memory_space<semaphore_mem>>)
      %add3A_194 = arith.constant 1 : i32
      %add3A_195 = arith.addi %add3A_177, %add3A_194 : i32
      %dma_start3A_196 = arith.constant 0 : i32
      %dma_start3A_197 = tpu.memref_slice %arg4[%add3A, %add3A_195, %dma_start3A_196] : memref<32x80x128xi32, #tpu.memory_space<hbm>> -> memref<1x1x128xi32, #tpu.memory_space<hbm>>
      %dma_start3A_198 = tpu.memref_squeeze %dma_start3A_197 : memref<1x1x128xi32, #tpu.memory_space<hbm>> -> memref<128xi32, #tpu.memory_space<hbm>>
      %dma_start3A_199 = arith.constant 0 : i32
      %dma_start3A_200 = tpu.memref_slice %arg4[%add3A, %add3A_195, %dma_start3A_199] : memref<32x80x128xi32, #tpu.memory_space<hbm>> -> memref<1x1x128xi32, #tpu.memory_space<hbm>>
      %dma_start3A_201 = tpu.memref_squeeze %dma_start3A_200 : memref<1x1x128xi32, #tpu.memory_space<hbm>> -> memref<128xi32, #tpu.memory_space<hbm>>
      tpu.enqueue_dma source(%dma_start3A_201 : memref<128xi32, #tpu.memory_space<hbm>>) target(%arg10 : memref<128xi32, #tpu.memory_space<vmem>>) target_semaphore(%arg16 : memref<!tpu.dma_semaphore, #tpu.memory_space<semaphore_mem>>)
      %dma_wait3A_202 = arith.constant 0 : i32
      %dma_wait3A_203 = arith.constant 0 : i32
      %dma_wait3A_204 = tpu.memref_slice %arg2[%dma_wait3A_202, %dma_wait3A_203] : memref<10000x128xf32, #tpu.memory_space<hbm>> -> memref<10000x128xf32, #tpu.memory_space<hbm>>
      tpu.wait_indirect_dma semaphore(%arg19 : memref<!tpu.dma_semaphore, #tpu.memory_space<semaphore_mem>>) src(%dma_wait3A_204 : memref<10000x128xf32, #tpu.memory_space<hbm>>) dst(%arg13 : memref<128x128xf32, #tpu.memory_space<vmem>>)
      %add3A_205 = arith.constant 2 : i32
      %add3A_206 = arith.addi %add3A_177, %add3A_205 : i32
      %dma_start3A_207 = arith.constant 0 : i32
      %dma_start3A_208 = tpu.memref_slice %arg3[%add3A, %add3A_206, %dma_start3A_207] : memref<32x80x128xi32, #tpu.memory_space<hbm>> -> memref<1x1x128xi32, #tpu.memory_space<hbm>>
      %dma_start3A_209 = tpu.memref_squeeze %dma_start3A_208 : memref<1x1x128xi32, #tpu.memory_space<hbm>> -> memref<128xi32, #tpu.memory_space<hbm>>
      %dma_start3A_210 = arith.constant 0 : i32
      %dma_start3A_211 = tpu.memref_slice %arg3[%add3A, %add3A_206, %dma_start3A_210] : memref<32x80x128xi32, #tpu.memory_space<hbm>> -> memref<1x1x128xi32, #tpu.memory_space<hbm>>
      %dma_start3A_212 = tpu.memref_squeeze %dma_start3A_211 : memref<1x1x128xi32, #tpu.memory_space<hbm>> -> memref<128xi32, #tpu.memory_space<hbm>>
      tpu.enqueue_dma source(%dma_start3A_212 : memref<128xi32, #tpu.memory_space<hbm>>) target(%arg9 : memref<128xi32, #tpu.memory_space<vmem>>) target_semaphore(%arg15 : memref<!tpu.dma_semaphore, #tpu.memory_space<semaphore_mem>>)
      %dma_wait3A_213 = arith.constant 0 : i32
      %dma_wait3A_214 = tpu.memref_slice %arg4[%add3A, %add3A_177, %dma_wait3A_213] : memref<32x80x128xi32, #tpu.memory_space<hbm>> -> memref<1x1x128xi32, #tpu.memory_space<hbm>>
      %dma_wait3A_215 = tpu.memref_squeeze %dma_wait3A_214 : memref<1x1x128xi32, #tpu.memory_space<hbm>> -> memref<128xi32, #tpu.memory_space<hbm>>
      %dma_wait3A_216 = arith.constant 0 : i32
      %dma_wait3A_217 = tpu.memref_slice %arg4[%add3A, %add3A_177, %dma_wait3A_216] : memref<32x80x128xi32, #tpu.memory_space<hbm>> -> memref<1x1x128xi32, #tpu.memory_space<hbm>>
      %dma_wait3A_218 = tpu.memref_squeeze %dma_wait3A_217 : memref<1x1x128xi32, #tpu.memory_space<hbm>> -> memref<128xi32, #tpu.memory_space<hbm>>
      tpu.wait_dma2 semaphore(%arg17 : memref<!tpu.dma_semaphore, #tpu.memory_space<semaphore_mem>>) src(%dma_wait3A_218 : memref<128xi32, #tpu.memory_space<hbm>>) dst(%arg11 : memref<128xi32, #tpu.memory_space<vmem>>)
      %dma_start3A_219 = arith.constant 0 : i32
      %dma_start3A_220 = arith.constant 0 : i32
      %dma_start3A_221 = tpu.memref_slice %arg7[%dma_start3A_219, %dma_start3A_220] : memref<10240x128xf32, #tpu.memory_space<vmem_shared>> -> memref<10240x128xf32, #tpu.memory_space<vmem_shared>>
      tpu.enqueue_indirect_dma source(%arg13 : memref<128x128xf32, #tpu.memory_space<vmem>>) target(%dma_start3A_221 : memref<10240x128xf32, #tpu.memory_space<vmem_shared>>) offsets(%arg11 : memref<128xi32, #tpu.memory_space<vmem>>) semaphore(%arg21 : memref<!tpu.dma_semaphore, #tpu.memory_space<semaphore_mem>>) {add = true}
      %mul3A_222 = arith.constant 2 : i32
      %mul3A_223 = arith.muli %mul3A_222, %scan3A_173 : i32
      %add3A_224 = arith.constant 2 : i32
      %add3A_225 = arith.addi %mul3A_223, %add3A_224 : i32
      %add3A_226 = arith.constant 1 : i32
      %add3A_227 = arith.addi %add3A_225, %add3A_226 : i32
      %dma_wait3A_228 = arith.constant 0 : i32
      %dma_wait3A_229 = tpu.memref_slice %arg3[%add3A, %add3A_227, %dma_wait3A_228] : memref<32x80x128xi32, #tpu.memory_space<hbm>> -> memref<1x1x128xi32, #tpu.memory_space<hbm>>
      %dma_wait3A_230 = tpu.memref_squeeze %dma_wait3A_229 : memref<1x1x128xi32, #tpu.memory_space<hbm>> -> memref<128xi32, #tpu.memory_space<hbm>>
      %dma_wait3A_231 = arith.constant 0 : i32
      %dma_wait3A_232 = tpu.memref_slice %arg3[%add3A, %add3A_227, %dma_wait3A_231] : memref<32x80x128xi32, #tpu.memory_space<hbm>> -> memref<1x1x128xi32, #tpu.memory_space<hbm>>
      %dma_wait3A_233 = tpu.memref_squeeze %dma_wait3A_232 : memref<1x1x128xi32, #tpu.memory_space<hbm>> -> memref<128xi32, #tpu.memory_space<hbm>>
      tpu.wait_dma2 semaphore(%arg15 : memref<!tpu.dma_semaphore, #tpu.memory_space<semaphore_mem>>) src(%dma_wait3A_233 : memref<128xi32, #tpu.memory_space<hbm>>) dst(%arg9 : memref<128xi32, #tpu.memory_space<vmem>>)
      %dma_wait3A_234 = arith.constant 0 : i32
      %dma_wait3A_235 = arith.constant 0 : i32
      %dma_wait3A_236 = tpu.memref_slice %arg7[%dma_wait3A_234, %dma_wait3A_235] : memref<10240x128xf32, #tpu.memory_space<vmem_shared>> -> memref<10240x128xf32, #tpu.memory_space<vmem_shared>>
      tpu.wait_indirect_dma semaphore(%arg21 : memref<!tpu.dma_semaphore, #tpu.memory_space<semaphore_mem>>) src(%arg13 : memref<128x128xf32, #tpu.memory_space<vmem>>) dst(%dma_wait3A_236 : memref<10240x128xf32, #tpu.memory_space<vmem_shared>>)
      %add3A_237 = arith.constant 1 : i32
      %add3A_238 = arith.addi %add3A_225, %add3A_237 : i32
      %dma_start3A_239 = arith.constant 0 : i32
      %dma_start3A_240 = arith.constant 0 : i32
      %dma_start3A_241 = tpu.memref_slice %arg2[%dma_start3A_239, %dma_start3A_240] : memref<10000x128xf32, #tpu.memory_space<hbm>> -> memref<10000x128xf32, #tpu.memory_space<hbm>>
      tpu.enqueue_indirect_dma source(%dma_start3A_241 : memref<10000x128xf32, #tpu.memory_space<hbm>>) target(%arg13 : memref<128x128xf32, #tpu.memory_space<vmem>>) offsets(%arg9 : memref<128xi32, #tpu.memory_space<vmem>>) semaphore(%arg19 : memref<!tpu.dma_semaphore, #tpu.memory_space<semaphore_mem>>)
      %add3A_242 = arith.constant 1 : i32
      %add3A_243 = arith.addi %add3A_225, %add3A_242 : i32
      %dma_start3A_244 = arith.constant 0 : i32
      %dma_start3A_245 = tpu.memref_slice %arg4[%add3A, %add3A_243, %dma_start3A_244] : memref<32x80x128xi32, #tpu.memory_space<hbm>> -> memref<1x1x128xi32, #tpu.memory_space<hbm>>
      %dma_start3A_246 = tpu.memref_squeeze %dma_start3A_245 : memref<1x1x128xi32, #tpu.memory_space<hbm>> -> memref<128xi32, #tpu.memory_space<hbm>>
      %dma_start3A_247 = arith.constant 0 : i32
      %dma_start3A_248 = tpu.memref_slice %arg4[%add3A, %add3A_243, %dma_start3A_247] : memref<32x80x128xi32, #tpu.memory_space<hbm>> -> memref<1x1x128xi32, #tpu.memory_space<hbm>>
      %dma_start3A_249 = tpu.memref_squeeze %dma_start3A_248 : memref<1x1x128xi32, #tpu.memory_space<hbm>> -> memref<128xi32, #tpu.memory_space<hbm>>
      tpu.enqueue_dma source(%dma_start3A_249 : memref<128xi32, #tpu.memory_space<hbm>>) target(%arg11 : memref<128xi32, #tpu.memory_space<vmem>>) target_semaphore(%arg17 : memref<!tpu.dma_semaphore, #tpu.memory_space<semaphore_mem>>)
      %dma_wait3A_250 = arith.constant 0 : i32
      %dma_wait3A_251 = arith.constant 0 : i32
      %dma_wait3A_252 = tpu.memref_slice %arg2[%dma_wait3A_250, %dma_wait3A_251] : memref<10000x128xf32, #tpu.memory_space<hbm>> -> memref<10000x128xf32, #tpu.memory_space<hbm>>
      tpu.wait_indirect_dma semaphore(%arg18 : memref<!tpu.dma_semaphore, #tpu.memory_space<semaphore_mem>>) src(%dma_wait3A_252 : memref<10000x128xf32, #tpu.memory_space<hbm>>) dst(%arg12 : memref<128x128xf32, #tpu.memory_space<vmem>>)
      %add3A_253 = arith.constant 2 : i32
      %add3A_254 = arith.addi %add3A_225, %add3A_253 : i32
      %dma_start3A_255 = arith.constant 0 : i32
      %dma_start3A_256 = tpu.memref_slice %arg3[%add3A, %add3A_254, %dma_start3A_255] : memref<32x80x128xi32, #tpu.memory_space<hbm>> -> memref<1x1x128xi32, #tpu.memory_space<hbm>>
      %dma_start3A_257 = tpu.memref_squeeze %dma_start3A_256 : memref<1x1x128xi32, #tpu.memory_space<hbm>> -> memref<128xi32, #tpu.memory_space<hbm>>
      %dma_start3A_258 = arith.constant 0 : i32
      %dma_start3A_259 = tpu.memref_slice %arg3[%add3A, %add3A_254, %dma_start3A_258] : memref<32x80x128xi32, #tpu.memory_space<hbm>> -> memref<1x1x128xi32, #tpu.memory_space<hbm>>
      %dma_start3A_260 = tpu.memref_squeeze %dma_start3A_259 : memref<1x1x128xi32, #tpu.memory_space<hbm>> -> memref<128xi32, #tpu.memory_space<hbm>>
      tpu.enqueue_dma source(%dma_start3A_260 : memref<128xi32, #tpu.memory_space<hbm>>) target(%arg8 : memref<128xi32, #tpu.memory_space<vmem>>) target_semaphore(%arg14 : memref<!tpu.dma_semaphore, #tpu.memory_space<semaphore_mem>>)
      %dma_wait3A_261 = arith.constant 0 : i32
      %dma_wait3A_262 = tpu.memref_slice %arg4[%add3A, %add3A_225, %dma_wait3A_261] : memref<32x80x128xi32, #tpu.memory_space<hbm>> -> memref<1x1x128xi32, #tpu.memory_space<hbm>>
      %dma_wait3A_263 = tpu.memref_squeeze %dma_wait3A_262 : memref<1x1x128xi32, #tpu.memory_space<hbm>> -> memref<128xi32, #tpu.memory_space<hbm>>
      %dma_wait3A_264 = arith.constant 0 : i32
      %dma_wait3A_265 = tpu.memref_slice %arg4[%add3A, %add3A_225, %dma_wait3A_264] : memref<32x80x128xi32, #tpu.memory_space<hbm>> -> memref<1x1x128xi32, #tpu.memory_space<hbm>>
      %dma_wait3A_266 = tpu.memref_squeeze %dma_wait3A_265 : memref<1x1x128xi32, #tpu.memory_space<hbm>> -> memref<128xi32, #tpu.memory_space<hbm>>
      tpu.wait_dma2 semaphore(%arg16 : memref<!tpu.dma_semaphore, #tpu.memory_space<semaphore_mem>>) src(%dma_wait3A_266 : memref<128xi32, #tpu.memory_space<hbm>>) dst(%arg10 : memref<128xi32, #tpu.memory_space<vmem>>)
      %dma_start3A_267 = arith.constant 0 : i32
      %dma_start3A_268 = arith.constant 0 : i32
      %dma_start3A_269 = tpu.memref_slice %arg7[%dma_start3A_267, %dma_start3A_268] : memref<10240x128xf32, #tpu.memory_space<vmem_shared>> -> memref<10240x128xf32, #tpu.memory_space<vmem_shared>>
      tpu.enqueue_indirect_dma source(%arg12 : memref<128x128xf32, #tpu.memory_space<vmem>>) target(%dma_start3A_269 : memref<10240x128xf32, #tpu.memory_space<vmem_shared>>) offsets(%arg10 : memref<128xi32, #tpu.memory_space<vmem>>) semaphore(%arg20 : memref<!tpu.dma_semaphore, #tpu.memory_space<semaphore_mem>>) {add = true}
    }
    %scan3A_75 = arith.constant 38 : i32
    %dma_wait3A_76 = arith.constant 78 : i32
    %dma_wait3A_77 = arith.constant 0 : i32
    %dma_wait3A_78 = tpu.memref_slice %arg3[%add3A, %dma_wait3A_76, %dma_wait3A_77] : memref<32x80x128xi32, #tpu.memory_space<hbm>> -> memref<1x1x128xi32, #tpu.memory_space<hbm>>
    %dma_wait3A_79 = tpu.memref_squeeze %dma_wait3A_78 : memref<1x1x128xi32, #tpu.memory_space<hbm>> -> memref<128xi32, #tpu.memory_space<hbm>>
    %dma_wait3A_80 = arith.constant 0 : i32
    %dma_wait3A_81 = tpu.memref_slice %arg3[%add3A, %dma_wait3A_76, %dma_wait3A_80] : memref<32x80x128xi32, #tpu.memory_space<hbm>> -> memref<1x1x128xi32, #tpu.memory_space<hbm>>
    %dma_wait3A_82 = tpu.memref_squeeze %dma_wait3A_81 : memref<1x1x128xi32, #tpu.memory_space<hbm>> -> memref<128xi32, #tpu.memory_space<hbm>>
    tpu.wait_dma2 semaphore(%arg14 : memref<!tpu.dma_semaphore, #tpu.memory_space<semaphore_mem>>) src(%dma_wait3A_82 : memref<128xi32, #tpu.memory_space<hbm>>) dst(%arg8 : memref<128xi32, #tpu.memory_space<vmem>>)
    %dma_wait3A_83 = arith.constant 0 : i32
    %dma_wait3A_84 = arith.constant 0 : i32
    %dma_wait3A_85 = tpu.memref_slice %arg7[%dma_wait3A_83, %dma_wait3A_84] : memref<10240x128xf32, #tpu.memory_space<vmem_shared>> -> memref<10240x128xf32, #tpu.memory_space<vmem_shared>>
    tpu.wait_indirect_dma semaphore(%arg20 : memref<!tpu.dma_semaphore, #tpu.memory_space<semaphore_mem>>) src(%arg12 : memref<128x128xf32, #tpu.memory_space<vmem>>) dst(%dma_wait3A_85 : memref<10240x128xf32, #tpu.memory_space<vmem_shared>>)
    %dma_start3A_86 = arith.constant 0 : i32
    %dma_start3A_87 = arith.constant 0 : i32
    %dma_start3A_88 = tpu.memref_slice %arg2[%dma_start3A_86, %dma_start3A_87] : memref<10000x128xf32, #tpu.memory_space<hbm>> -> memref<10000x128xf32, #tpu.memory_space<hbm>>
    tpu.enqueue_indirect_dma source(%dma_start3A_88 : memref<10000x128xf32, #tpu.memory_space<hbm>>) target(%arg12 : memref<128x128xf32, #tpu.memory_space<vmem>>) offsets(%arg8 : memref<128xi32, #tpu.memory_space<vmem>>) semaphore(%arg18 : memref<!tpu.dma_semaphore, #tpu.memory_space<semaphore_mem>>)
    %dma_start3A_89 = arith.constant 78 : i32
    %dma_start3A_90 = arith.constant 0 : i32
    %dma_start3A_91 = tpu.memref_slice %arg4[%add3A, %dma_start3A_89, %dma_start3A_90] : memref<32x80x128xi32, #tpu.memory_space<hbm>> -> memref<1x1x128xi32, #tpu.memory_space<hbm>>
    %dma_start3A_92 = tpu.memref_squeeze %dma_start3A_91 : memref<1x1x128xi32, #tpu.memory_space<hbm>> -> memref<128xi32, #tpu.memory_space<hbm>>
    %dma_start3A_93 = arith.constant 0 : i32
    %dma_start3A_94 = tpu.memref_slice %arg4[%add3A, %dma_start3A_89, %dma_start3A_93] : memref<32x80x128xi32, #tpu.memory_space<hbm>> -> memref<1x1x128xi32, #tpu.memory_space<hbm>>
    %dma_start3A_95 = tpu.memref_squeeze %dma_start3A_94 : memref<1x1x128xi32, #tpu.memory_space<hbm>> -> memref<128xi32, #tpu.memory_space<hbm>>
    tpu.enqueue_dma source(%dma_start3A_95 : memref<128xi32, #tpu.memory_space<hbm>>) target(%arg10 : memref<128xi32, #tpu.memory_space<vmem>>) target_semaphore(%arg16 : memref<!tpu.dma_semaphore, #tpu.memory_space<semaphore_mem>>)
    %dma_wait3A_96 = arith.constant 0 : i32
    %dma_wait3A_97 = arith.constant 0 : i32
    %dma_wait3A_98 = tpu.memref_slice %arg2[%dma_wait3A_96, %dma_wait3A_97] : memref<10000x128xf32, #tpu.memory_space<hbm>> -> memref<10000x128xf32, #tpu.memory_space<hbm>>
    tpu.wait_indirect_dma semaphore(%arg19 : memref<!tpu.dma_semaphore, #tpu.memory_space<semaphore_mem>>) src(%dma_wait3A_98 : memref<10000x128xf32, #tpu.memory_space<hbm>>) dst(%arg13 : memref<128x128xf32, #tpu.memory_space<vmem>>)
    %dma_start3A_99 = arith.constant 79 : i32
    %dma_start3A_100 = arith.constant 0 : i32
    %dma_start3A_101 = tpu.memref_slice %arg3[%add3A, %dma_start3A_99, %dma_start3A_100] : memref<32x80x128xi32, #tpu.memory_space<hbm>> -> memref<1x1x128xi32, #tpu.memory_space<hbm>>
    %dma_start3A_102 = tpu.memref_squeeze %dma_start3A_101 : memref<1x1x128xi32, #tpu.memory_space<hbm>> -> memref<128xi32, #tpu.memory_space<hbm>>
    %dma_start3A_103 = arith.constant 0 : i32
    %dma_start3A_104 = tpu.memref_slice %arg3[%add3A, %dma_start3A_99, %dma_start3A_103] : memref<32x80x128xi32, #tpu.memory_space<hbm>> -> memref<1x1x128xi32, #tpu.memory_space<hbm>>
    %dma_start3A_105 = tpu.memref_squeeze %dma_start3A_104 : memref<1x1x128xi32, #tpu.memory_space<hbm>> -> memref<128xi32, #tpu.memory_space<hbm>>
    tpu.enqueue_dma source(%dma_start3A_105 : memref<128xi32, #tpu.memory_space<hbm>>) target(%arg9 : memref<128xi32, #tpu.memory_space<vmem>>) target_semaphore(%arg15 : memref<!tpu.dma_semaphore, #tpu.memory_space<semaphore_mem>>)
    %dma_wait3A_106 = arith.constant 77 : i32
    %dma_wait3A_107 = arith.constant 0 : i32
    %dma_wait3A_108 = tpu.memref_slice %arg4[%add3A, %dma_wait3A_106, %dma_wait3A_107] : memref<32x80x128xi32, #tpu.memory_space<hbm>> -> memref<1x1x128xi32, #tpu.memory_space<hbm>>
    %dma_wait3A_109 = tpu.memref_squeeze %dma_wait3A_108 : memref<1x1x128xi32, #tpu.memory_space<hbm>> -> memref<128xi32, #tpu.memory_space<hbm>>
    %dma_wait3A_110 = arith.constant 0 : i32
    %dma_wait3A_111 = tpu.memref_slice %arg4[%add3A, %dma_wait3A_106, %dma_wait3A_110] : memref<32x80x128xi32, #tpu.memory_space<hbm>> -> memref<1x1x128xi32, #tpu.memory_space<hbm>>
    %dma_wait3A_112 = tpu.memref_squeeze %dma_wait3A_111 : memref<1x1x128xi32, #tpu.memory_space<hbm>> -> memref<128xi32, #tpu.memory_space<hbm>>
    tpu.wait_dma2 semaphore(%arg17 : memref<!tpu.dma_semaphore, #tpu.memory_space<semaphore_mem>>) src(%dma_wait3A_112 : memref<128xi32, #tpu.memory_space<hbm>>) dst(%arg11 : memref<128xi32, #tpu.memory_space<vmem>>)
    %dma_start3A_113 = arith.constant 0 : i32
    %dma_start3A_114 = arith.constant 0 : i32
    %dma_start3A_115 = tpu.memref_slice %arg7[%dma_start3A_113, %dma_start3A_114] : memref<10240x128xf32, #tpu.memory_space<vmem_shared>> -> memref<10240x128xf32, #tpu.memory_space<vmem_shared>>
    tpu.enqueue_indirect_dma source(%arg13 : memref<128x128xf32, #tpu.memory_space<vmem>>) target(%dma_start3A_115 : memref<10240x128xf32, #tpu.memory_space<vmem_shared>>) offsets(%arg11 : memref<128xi32, #tpu.memory_space<vmem>>) semaphore(%arg21 : memref<!tpu.dma_semaphore, #tpu.memory_space<semaphore_mem>>) {add = true}
    %dma_wait3A_116 = arith.constant 79 : i32
    %dma_wait3A_117 = arith.constant 0 : i32
    %dma_wait3A_118 = tpu.memref_slice %arg3[%add3A, %dma_wait3A_116, %dma_wait3A_117] : memref<32x80x128xi32, #tpu.memory_space<hbm>> -> memref<1x1x128xi32, #tpu.memory_space<hbm>>
    %dma_wait3A_119 = tpu.memref_squeeze %dma_wait3A_118 : memref<1x1x128xi32, #tpu.memory_space<hbm>> -> memref<128xi32, #tpu.memory_space<hbm>>
    %dma_wait3A_120 = arith.constant 0 : i32
    %dma_wait3A_121 = tpu.memref_slice %arg3[%add3A, %dma_wait3A_116, %dma_wait3A_120] : memref<32x80x128xi32, #tpu.memory_space<hbm>> -> memref<1x1x128xi32, #tpu.memory_space<hbm>>
    %dma_wait3A_122 = tpu.memref_squeeze %dma_wait3A_121 : memref<1x1x128xi32, #tpu.memory_space<hbm>> -> memref<128xi32, #tpu.memory_space<hbm>>
    tpu.wait_dma2 semaphore(%arg15 : memref<!tpu.dma_semaphore, #tpu.memory_space<semaphore_mem>>) src(%dma_wait3A_122 : memref<128xi32, #tpu.memory_space<hbm>>) dst(%arg9 : memref<128xi32, #tpu.memory_space<vmem>>)
    %dma_wait3A_123 = arith.constant 0 : i32
    %dma_wait3A_124 = arith.constant 0 : i32
    %dma_wait3A_125 = tpu.memref_slice %arg7[%dma_wait3A_123, %dma_wait3A_124] : memref<10240x128xf32, #tpu.memory_space<vmem_shared>> -> memref<10240x128xf32, #tpu.memory_space<vmem_shared>>
    tpu.wait_indirect_dma semaphore(%arg21 : memref<!tpu.dma_semaphore, #tpu.memory_space<semaphore_mem>>) src(%arg13 : memref<128x128xf32, #tpu.memory_space<vmem>>) dst(%dma_wait3A_125 : memref<10240x128xf32, #tpu.memory_space<vmem_shared>>)
    %dma_start3A_126 = arith.constant 0 : i32
    %dma_start3A_127 = arith.constant 0 : i32
    %dma_start3A_128 = tpu.memref_slice %arg2[%dma_start3A_126, %dma_start3A_127] : memref<10000x128xf32, #tpu.memory_space<hbm>> -> memref<10000x128xf32, #tpu.memory_space<hbm>>
    tpu.enqueue_indirect_dma source(%dma_start3A_128 : memref<10000x128xf32, #tpu.memory_space<hbm>>) target(%arg13 : memref<128x128xf32, #tpu.memory_space<vmem>>) offsets(%arg9 : memref<128xi32, #tpu.memory_space<vmem>>) semaphore(%arg19 : memref<!tpu.dma_semaphore, #tpu.memory_space<semaphore_mem>>)
    %dma_start3A_129 = arith.constant 79 : i32
    %dma_start3A_130 = arith.constant 0 : i32
    %dma_start3A_131 = tpu.memref_slice %arg4[%add3A, %dma_start3A_129, %dma_start3A_130] : memref<32x80x128xi32, #tpu.memory_space<hbm>> -> memref<1x1x128xi32, #tpu.memory_space<hbm>>
    %dma_start3A_132 = tpu.memref_squeeze %dma_start3A_131 : memref<1x1x128xi32, #tpu.memory_space<hbm>> -> memref<128xi32, #tpu.memory_space<hbm>>
    %dma_start3A_133 = arith.constant 0 : i32
    %dma_start3A_134 = tpu.memref_slice %arg4[%add3A, %dma_start3A_129, %dma_start3A_133] : memref<32x80x128xi32, #tpu.memory_space<hbm>> -> memref<1x1x128xi32, #tpu.memory_space<hbm>>
    %dma_start3A_135 = tpu.memref_squeeze %dma_start3A_134 : memref<1x1x128xi32, #tpu.memory_space<hbm>> -> memref<128xi32, #tpu.memory_space<hbm>>
    tpu.enqueue_dma source(%dma_start3A_135 : memref<128xi32, #tpu.memory_space<hbm>>) target(%arg11 : memref<128xi32, #tpu.memory_space<vmem>>) target_semaphore(%arg17 : memref<!tpu.dma_semaphore, #tpu.memory_space<semaphore_mem>>)
    %dma_wait3A_136 = arith.constant 0 : i32
    %dma_wait3A_137 = arith.constant 0 : i32
    %dma_wait3A_138 = tpu.memref_slice %arg2[%dma_wait3A_136, %dma_wait3A_137] : memref<10000x128xf32, #tpu.memory_space<hbm>> -> memref<10000x128xf32, #tpu.memory_space<hbm>>
    tpu.wait_indirect_dma semaphore(%arg18 : memref<!tpu.dma_semaphore, #tpu.memory_space<semaphore_mem>>) src(%dma_wait3A_138 : memref<10000x128xf32, #tpu.memory_space<hbm>>) dst(%arg12 : memref<128x128xf32, #tpu.memory_space<vmem>>)
    %dma_wait3A_139 = arith.constant 78 : i32
    %dma_wait3A_140 = arith.constant 0 : i32
    %dma_wait3A_141 = tpu.memref_slice %arg4[%add3A, %dma_wait3A_139, %dma_wait3A_140] : memref<32x80x128xi32, #tpu.memory_space<hbm>> -> memref<1x1x128xi32, #tpu.memory_space<hbm>>
    %dma_wait3A_142 = tpu.memref_squeeze %dma_wait3A_141 : memref<1x1x128xi32, #tpu.memory_space<hbm>> -> memref<128xi32, #tpu.memory_space<hbm>>
    %dma_wait3A_143 = arith.constant 0 : i32
    %dma_wait3A_144 = tpu.memref_slice %arg4[%add3A, %dma_wait3A_139, %dma_wait3A_143] : memref<32x80x128xi32, #tpu.memory_space<hbm>> -> memref<1x1x128xi32, #tpu.memory_space<hbm>>
    %dma_wait3A_145 = tpu.memref_squeeze %dma_wait3A_144 : memref<1x1x128xi32, #tpu.memory_space<hbm>> -> memref<128xi32, #tpu.memory_space<hbm>>
    tpu.wait_dma2 semaphore(%arg16 : memref<!tpu.dma_semaphore, #tpu.memory_space<semaphore_mem>>) src(%dma_wait3A_145 : memref<128xi32, #tpu.memory_space<hbm>>) dst(%arg10 : memref<128xi32, #tpu.memory_space<vmem>>)
    %dma_start3A_146 = arith.constant 0 : i32
    %dma_start3A_147 = arith.constant 0 : i32
    %dma_start3A_148 = tpu.memref_slice %arg7[%dma_start3A_146, %dma_start3A_147] : memref<10240x128xf32, #tpu.memory_space<vmem_shared>> -> memref<10240x128xf32, #tpu.memory_space<vmem_shared>>
    tpu.enqueue_indirect_dma source(%arg12 : memref<128x128xf32, #tpu.memory_space<vmem>>) target(%dma_start3A_148 : memref<10240x128xf32, #tpu.memory_space<vmem_shared>>) offsets(%arg10 : memref<128xi32, #tpu.memory_space<vmem>>) semaphore(%arg20 : memref<!tpu.dma_semaphore, #tpu.memory_space<semaphore_mem>>) {add = true}
    %dma_wait3A_149 = arith.constant 0 : i32
    %dma_wait3A_150 = arith.constant 0 : i32
    %dma_wait3A_151 = tpu.memref_slice %arg2[%dma_wait3A_149, %dma_wait3A_150] : memref<10000x128xf32, #tpu.memory_space<hbm>> -> memref<10000x128xf32, #tpu.memory_space<hbm>>
    tpu.wait_indirect_dma semaphore(%arg19 : memref<!tpu.dma_semaphore, #tpu.memory_space<semaphore_mem>>) src(%dma_wait3A_151 : memref<10000x128xf32, #tpu.memory_space<hbm>>) dst(%arg13 : memref<128x128xf32, #tpu.memory_space<vmem>>)
    %dma_wait3A_152 = arith.constant 79 : i32
    %dma_wait3A_153 = arith.constant 0 : i32
    %dma_wait3A_154 = tpu.memref_slice %arg4[%add3A, %dma_wait3A_152, %dma_wait3A_153] : memref<32x80x128xi32, #tpu.memory_space<hbm>> -> memref<1x1x128xi32, #tpu.memory_space<hbm>>
    %dma_wait3A_155 = tpu.memref_squeeze %dma_wait3A_154 : memref<1x1x128xi32, #tpu.memory_space<hbm>> -> memref<128xi32, #tpu.memory_space<hbm>>
    %dma_wait3A_156 = arith.constant 0 : i32
    %dma_wait3A_157 = tpu.memref_slice %arg4[%add3A, %dma_wait3A_152, %dma_wait3A_156] : memref<32x80x128xi32, #tpu.memory_space<hbm>> -> memref<1x1x128xi32, #tpu.memory_space<hbm>>
    %dma_wait3A_158 = tpu.memref_squeeze %dma_wait3A_157 : memref<1x1x128xi32, #tpu.memory_space<hbm>> -> memref<128xi32, #tpu.memory_space<hbm>>
    tpu.wait_dma2 semaphore(%arg17 : memref<!tpu.dma_semaphore, #tpu.memory_space<semaphore_mem>>) src(%dma_wait3A_158 : memref<128xi32, #tpu.memory_space<hbm>>) dst(%arg11 : memref<128xi32, #tpu.memory_space<vmem>>)
    %dma_start3A_159 = arith.constant 0 : i32
    %dma_start3A_160 = arith.constant 0 : i32
    %dma_start3A_161 = tpu.memref_slice %arg7[%dma_start3A_159, %dma_start3A_160] : memref<10240x128xf32, #tpu.memory_space<vmem_shared>> -> memref<10240x128xf32, #tpu.memory_space<vmem_shared>>
    tpu.enqueue_indirect_dma source(%arg13 : memref<128x128xf32, #tpu.memory_space<vmem>>) target(%dma_start3A_161 : memref<10240x128xf32, #tpu.memory_space<vmem_shared>>) offsets(%arg11 : memref<128xi32, #tpu.memory_space<vmem>>) semaphore(%arg21 : memref<!tpu.dma_semaphore, #tpu.memory_space<semaphore_mem>>) {add = true}
    %dma_wait3A_162 = arith.constant 0 : i32
    %dma_wait3A_163 = arith.constant 0 : i32
    %dma_wait3A_164 = tpu.memref_slice %arg7[%dma_wait3A_162, %dma_wait3A_163] : memref<10240x128xf32, #tpu.memory_space<vmem_shared>> -> memref<10240x128xf32, #tpu.memory_space<vmem_shared>>
    tpu.wait_indirect_dma semaphore(%arg20 : memref<!tpu.dma_semaphore, #tpu.memory_space<semaphore_mem>>) src(%arg12 : memref<128x128xf32, #tpu.memory_space<vmem>>) dst(%dma_wait3A_164 : memref<10240x128xf32, #tpu.memory_space<vmem_shared>>)
    %dma_wait3A_165 = arith.constant 0 : i32
    %dma_wait3A_166 = arith.constant 0 : i32
    %dma_wait3A_167 = tpu.memref_slice %arg7[%dma_wait3A_165, %dma_wait3A_166] : memref<10240x128xf32, #tpu.memory_space<vmem_shared>> -> memref<10240x128xf32, #tpu.memory_space<vmem_shared>>
    tpu.wait_indirect_dma semaphore(%arg21 : memref<!tpu.dma_semaphore, #tpu.memory_space<semaphore_mem>>) src(%arg13 : memref<128x128xf32, #tpu.memory_space<vmem>>) dst(%dma_wait3A_167 : memref<10240x128xf32, #tpu.memory_space<vmem_shared>>)
    %barrier3A_168 = arith.constant 0 : index
    tpu.barrier barrier_id(%barrier3A_168)
    %mul3A_169 = arith.constant 640 : i32
    %mul3A_170 = arith.muli %arg1, %mul3A_169 : i32
    %mul3A_171 = arith.constant 640 : i32
    %mul3A_172 = arith.muli %arg1, %mul3A_171 : i32
    "tpu.region"() ({
      %run_scoped3A = tpu.sem_alloc : memref<!tpu.dma_semaphore, #tpu.memory_space<semaphore_mem>>
      %dma_start3A_173 = arith.constant 0 : i32
      %dma_start3A_174 = tpu.memref_slice %arg6[%arg0, %mul3A_172, %dma_start3A_173] : memref<2x10240x128xf32, #tpu.memory_space<hbm>> -> memref<1x640x128xf32, #tpu.memory_space<hbm>>
      %dma_start3A_175 = tpu.memref_squeeze %dma_start3A_174 : memref<1x640x128xf32, #tpu.memory_space<hbm>> -> memref<640x128xf32, #tpu.memory_space<hbm>>
      %dma_start3A_176 = arith.constant 0 : i32
      %dma_start3A_177 = tpu.memref_slice %arg7[%mul3A_170, %dma_start3A_176] : memref<10240x128xf32, #tpu.memory_space<vmem_shared>> -> memref<640x128xf32, #tpu.memory_space<vmem_shared>>
      tpu.enqueue_dma source(%dma_start3A_177 : memref<640x128xf32, #tpu.memory_space<vmem_shared>>) target(%dma_start3A_175 : memref<640x128xf32, #tpu.memory_space<hbm>>) target_semaphore(%run_scoped3A : memref<!tpu.dma_semaphore, #tpu.memory_space<semaphore_mem>>)
      %dma_wait3A_178 = arith.constant 0 : i32
      %dma_wait3A_179 = tpu.memref_slice %arg6[%arg0, %mul3A_172, %dma_wait3A_178] : memref<2x10240x128xf32, #tpu.memory_space<hbm>> -> memref<1x640x128xf32, #tpu.memory_space<hbm>>
      %dma_wait3A_180 = tpu.memref_squeeze %dma_wait3A_179 : memref<1x640x128xf32, #tpu.memory_space<hbm>> -> memref<640x128xf32, #tpu.memory_space<hbm>>
      %dma_wait3A_181 = arith.constant 0 : i32
      %dma_wait3A_182 = tpu.memref_slice %arg7[%mul3A_170, %dma_wait3A_181] : memref<10240x128xf32, #tpu.memory_space<vmem_shared>> -> memref<640x128xf32, #tpu.memory_space<vmem_shared>>
      tpu.wait_dma2 semaphore(%run_scoped3A : memref<!tpu.dma_semaphore, #tpu.memory_space<semaphore_mem>>) src(%dma_wait3A_182 : memref<640x128xf32, #tpu.memory_space<vmem_shared>>) dst(%dma_wait3A_180 : memref<640x128xf32, #tpu.memory_space<hbm>>)
      tpu.yield
    }) : () -> ()
    return
  }
}

module attributes {stable_mosaic.version = 14 : i64} {
  func.func @_tc_ab_body(%arg0: i32, %arg1: memref<2000x128xf32, #tpu.memory_space<vmem>>, %arg2: memref<128x128xf32, #tpu.memory_space<vmem>>, %arg3: memref<1x128xf32, #tpu.memory_space<vmem>>, %arg4: memref<128x128xf32, #tpu.memory_space<vmem>>, %arg5: memref<1x128xf32, #tpu.memory_space<vmem>>, %arg6: memref<2x2000x128xf32, #tpu.memory_space<vmem>>, %arg7: memref<2000x128xf32, #tpu.memory_space<vmem>>, %arg8: memref<2000x128xf32, #tpu.memory_space<vmem>>, %arg9: memref<2000x128xf32, #tpu.memory_space<vmem>>) attributes {dimension_semantics = [#tpu.dimension_semantics<arbitrary>], iteration_bounds = array<i64: 5>, scalar_prefetch = 0 : i64, scratch_operands = 0 : i64, tpu.core_type = #tpu.core_type<tc>, window_params = [{transform_indices = @transform_0, window_bounds = array<i64: 2000, 128>}, {pipeline_mode = #tpu.pipeline_mode<synchronous>, transform_indices = @transform_1, window_bounds = array<i64: 128, 128>}, {pipeline_mode = #tpu.pipeline_mode<synchronous>, transform_indices = @transform_2, window_bounds = array<i64: 1, 128>}, {pipeline_mode = #tpu.pipeline_mode<synchronous>, transform_indices = @transform_3, window_bounds = array<i64: 128, 128>}, {pipeline_mode = #tpu.pipeline_mode<synchronous>, transform_indices = @transform_4, window_bounds = array<i64: 1, 128>}, {transform_indices = @transform_5, window_bounds = array<i64: 2, 2000, 128>}, {transform_indices = @transform_6, window_bounds = array<i64: 2000, 128>}, {transform_indices = @transform_7, window_bounds = array<i64: 2000, 128>}, {transform_indices = @transform_8, window_bounds = array<i64: 2000, 128>}]} {
    %get3A = arith.constant 0 : index
    %get3A_0 = arith.constant 0 : index
    %get3A_1 = vector.load %arg1[%get3A, %get3A_0] : memref<2000x128xf32, #tpu.memory_space<vmem>>, vector<2000x128xf32>
    %get3A_2 = arith.constant 0 : index
    %get3A_3 = arith.constant 0 : index
    %get3A_4 = vector.load %arg2[%get3A_2, %get3A_3] : memref<128x128xf32, #tpu.memory_space<vmem>>, vector<128x128xf32>
    %dot_general3A = arith.constant dense<0.000000e+00> : vector<2000x128xf32>
    %dot_general3A_5 = tpu.matmul %get3A_1, %get3A_4, %dot_general3A {dimension_numbers = #tpu.dot_dimension_numbers<[1], [0], [0], [1], [0, 0, 1, 1], [], []>, transpose_lhs_hint = false} : vector<2000x128xf32>, vector<128x128xf32>, vector<2000x128xf32> -> vector<2000x128xf32>
    %get3A_6 = arith.constant 0 : index
    %get3A_7 = arith.constant 0 : index
    %get3A_8 = vector.load %arg3[%get3A_6, %get3A_7] : memref<1x128xf32, #tpu.memory_space<vmem>>, vector<1x128xf32>
    %add3A = vector.broadcast %get3A_8 : vector<1x128xf32> to vector<2000x128xf32>
    %add3A_9 = arith.addf %dot_general3A_5, %add3A : vector<2000x128xf32>
    %max3A = arith.constant 0.000000e+00 : f32
    %max3A_10 = vector.broadcast %max3A : f32 to vector<2000x128xf32>
    %max3A_11 = arith.maximumf %add3A_9, %max3A_10 : vector<2000x128xf32>
    %get3A_12 = arith.constant 0 : index
    %get3A_13 = arith.constant 0 : index
    %get3A_14 = vector.load %arg4[%get3A_12, %get3A_13] : memref<128x128xf32, #tpu.memory_space<vmem>>, vector<128x128xf32>
    %dot_general3A_15 = arith.constant dense<0.000000e+00> : vector<2000x128xf32>
    %dot_general3A_16 = tpu.matmul %max3A_11, %get3A_14, %dot_general3A_15 {dimension_numbers = #tpu.dot_dimension_numbers<[1], [0], [0], [1], [0, 0, 1, 1], [], []>, transpose_lhs_hint = false} : vector<2000x128xf32>, vector<128x128xf32>, vector<2000x128xf32> -> vector<2000x128xf32>
    %get3A_17 = arith.constant 0 : index
    %get3A_18 = arith.constant 0 : index
    %get3A_19 = vector.load %arg5[%get3A_17, %get3A_18] : memref<1x128xf32, #tpu.memory_space<vmem>>, vector<1x128xf32>
    %add3A_20 = vector.broadcast %get3A_19 : vector<1x128xf32> to vector<2000x128xf32>
    %add3A_21 = arith.addf %dot_general3A_16, %add3A_20 : vector<2000x128xf32>
    %swap3A = arith.constant 0 : index
    %swap3A_22 = arith.constant 0 : index
    %swap3A_23 = vector.load %arg7[%swap3A, %swap3A_22] : memref<2000x128xf32, #tpu.memory_space<vmem>>, vector<2000x128xf32>
    tpu.vector_store %arg7[%swap3A, %swap3A_22], %add3A_21 {strides = array<i32>} : memref<2000x128xf32, #tpu.memory_space<vmem>>, vector<2000x128xf32>,
    %get3A_24 = arith.constant 0 : index
    %get3A_25 = arith.constant 0 : index
    %get3A_26 = arith.constant 0 : index
    %get3A_27 = vector.load %arg6[%get3A_24, %get3A_25, %get3A_26] : memref<2x2000x128xf32, #tpu.memory_space<vmem>>, vector<1x2000x128xf32>
    %get3A_28 = vector.shape_cast %get3A_27 : vector<1x2000x128xf32> to vector<2000x128xf32>
    %get3A_29 = arith.constant 1 : index
    %get3A_30 = arith.constant 0 : index
    %get3A_31 = arith.constant 0 : index
    %get3A_32 = vector.load %arg6[%get3A_29, %get3A_30, %get3A_31] : memref<2x2000x128xf32, #tpu.memory_space<vmem>>, vector<1x2000x128xf32>
    %get3A_33 = vector.shape_cast %get3A_32 : vector<1x2000x128xf32> to vector<2000x128xf32>
    %add3A_34 = arith.addf %get3A_28, %get3A_33 : vector<2000x128xf32>
    %reduce_max3A = arith.constant dense<0xFF800000> : vector<2000xf32>
    %reduce_max3A_35 = vector.multi_reduction <maximumf>, %add3A_34, %reduce_max3A [1] : vector<2000x128xf32> to vector<2000xf32>
    %broadcast_in_dim3A = vector.shape_cast %reduce_max3A_35 : vector<2000xf32> to vector<2000x1xf32>
    %add3A_36 = arith.constant 1.000000e+00 : f32
    %add3A_37 = vector.broadcast %add3A_36 : f32 to vector<2000x1xf32>
    %add3A_38 = arith.addf %broadcast_in_dim3A, %add3A_37 : vector<2000x1xf32>
    %rsqrt3A = math.rsqrt %add3A_38 : vector<2000x1xf32>
    %mul3A = vector.broadcast %rsqrt3A : vector<2000x1xf32> to vector<2000x128xf32>
    %mul3A_39 = arith.mulf %max3A_11, %mul3A : vector<2000x128xf32>
    %swap3A_40 = arith.constant 0 : index
    %swap3A_41 = arith.constant 0 : index
    %swap3A_42 = vector.load %arg8[%swap3A_40, %swap3A_41] : memref<2000x128xf32, #tpu.memory_space<vmem>>, vector<2000x128xf32>
    tpu.vector_store %arg8[%swap3A_40, %swap3A_41], %mul3A_39 {strides = array<i32>} : memref<2000x128xf32, #tpu.memory_space<vmem>>, vector<2000x128xf32>,
    %broadcast_in_dim3A_43 = vector.shape_cast %rsqrt3A : vector<2000x1xf32> to vector<2000x1xf32>
    %broadcast_in_dim3A_44 = vector.broadcast %broadcast_in_dim3A_43 : vector<2000x1xf32> to vector<2000x128xf32>
    %swap3A_45 = arith.constant 0 : index
    %swap3A_46 = arith.constant 0 : index
    %swap3A_47 = vector.load %arg9[%swap3A_45, %swap3A_46] : memref<2000x128xf32, #tpu.memory_space<vmem>>, vector<2000x128xf32>
    tpu.vector_store %arg9[%swap3A_45, %swap3A_46], %broadcast_in_dim3A_44 {strides = array<i32>} : memref<2000x128xf32, #tpu.memory_space<vmem>>, vector<2000x128xf32>,
    return
  }
  func.func @transform_0(%arg0: i32) -> (i32, i32) {
    %c0_i32 = arith.constant 0 : i32
    %c0_i32_0 = arith.constant 0 : i32
    return %arg0, %c0_i32 : i32, i32
  }
  func.func @transform_1(%arg0: i32) -> (i32, i32) {
    %c0_i32 = arith.constant 0 : i32
    %c0_i32_0 = arith.constant 0 : i32
    %c0_i32_1 = arith.constant 0 : i32
    return %c0_i32, %c0_i32_0 : i32, i32
  }
  func.func @transform_2(%arg0: i32) -> (i32, i32) {
    %c0_i32 = arith.constant 0 : i32
    %c0_i32_0 = arith.constant 0 : i32
    %c0_i32_1 = arith.constant 0 : i32
    return %c0_i32, %c0_i32_0 : i32, i32
  }
  func.func @transform_3(%arg0: i32) -> (i32, i32) {
    %c0_i32 = arith.constant 0 : i32
    %c0_i32_0 = arith.constant 0 : i32
    %c0_i32_1 = arith.constant 0 : i32
    return %c0_i32, %c0_i32_0 : i32, i32
  }
  func.func @transform_4(%arg0: i32) -> (i32, i32) {
    %c0_i32 = arith.constant 0 : i32
    %c0_i32_0 = arith.constant 0 : i32
    %c0_i32_1 = arith.constant 0 : i32
    return %c0_i32, %c0_i32_0 : i32, i32
  }
  func.func @transform_5(%arg0: i32) -> (i32, i32, i32) {
    %c0_i32 = arith.constant 0 : i32
    %c0_i32_0 = arith.constant 0 : i32
    %c0_i32_1 = arith.constant 0 : i32
    return %c0_i32, %arg0, %c0_i32_0 : i32, i32, i32
  }
  func.func @transform_6(%arg0: i32) -> (i32, i32) {
    %c0_i32 = arith.constant 0 : i32
    %c0_i32_0 = arith.constant 0 : i32
    return %arg0, %c0_i32 : i32, i32
  }
  func.func @transform_7(%arg0: i32) -> (i32, i32) {
    %c0_i32 = arith.constant 0 : i32
    %c0_i32_0 = arith.constant 0 : i32
    return %arg0, %c0_i32 : i32, i32
  }
  func.func @transform_8(%arg0: i32) -> (i32, i32) {
    %c0_i32 = arith.constant 0 : i32
    %c0_i32_0 = arith.constant 0 : i32
    return %arg0, %c0_i32 : i32, i32
  }
}

module attributes {stable_mosaic.version = 14 : i64} {
  func.func @_tc_c_body(%arg0: i32, %arg1: memref<2x2000x128xf32, #tpu.memory_space<vmem>>, %arg2: memref<2000x128xf32, #tpu.memory_space<vmem>>, %arg3: memref<2000x128xf32, #tpu.memory_space<vmem>>, %arg4: memref<128x128xf32, #tpu.memory_space<vmem>>, %arg5: memref<1x128xf32, #tpu.memory_space<vmem>>, %arg6: memref<2000x128xf32, #tpu.memory_space<vmem>>, %arg7: memref<2000x128xf32, #tpu.memory_space<vmem>>) attributes {dimension_semantics = [#tpu.dimension_semantics<arbitrary>], iteration_bounds = array<i64: 5>, scalar_prefetch = 0 : i64, scratch_operands = 0 : i64, tpu.core_type = #tpu.core_type<tc>, window_params = [{transform_indices = @transform_0, window_bounds = array<i64: 2, 2000, 128>}, {transform_indices = @transform_1, window_bounds = array<i64: 2000, 128>}, {transform_indices = @transform_2, window_bounds = array<i64: 2000, 128>}, {pipeline_mode = #tpu.pipeline_mode<synchronous>, transform_indices = @transform_3, window_bounds = array<i64: 128, 128>}, {pipeline_mode = #tpu.pipeline_mode<synchronous>, transform_indices = @transform_4, window_bounds = array<i64: 1, 128>}, {transform_indices = @transform_5, window_bounds = array<i64: 2000, 128>}, {transform_indices = @transform_6, window_bounds = array<i64: 2000, 128>}]} {
    %get3A = arith.constant 0 : index
    %get3A_0 = arith.constant 0 : index
    %get3A_1 = arith.constant 0 : index
    %get3A_2 = vector.load %arg1[%get3A, %get3A_0, %get3A_1] : memref<2x2000x128xf32, #tpu.memory_space<vmem>>, vector<1x2000x128xf32>
    %get3A_3 = vector.shape_cast %get3A_2 : vector<1x2000x128xf32> to vector<2000x128xf32>
    %get3A_4 = arith.constant 1 : index
    %get3A_5 = arith.constant 0 : index
    %get3A_6 = arith.constant 0 : index
    %get3A_7 = vector.load %arg1[%get3A_4, %get3A_5, %get3A_6] : memref<2x2000x128xf32, #tpu.memory_space<vmem>>, vector<1x2000x128xf32>
    %get3A_8 = vector.shape_cast %get3A_7 : vector<1x2000x128xf32> to vector<2000x128xf32>
    %add3A = arith.addf %get3A_3, %get3A_8 : vector<2000x128xf32>
    %get3A_9 = arith.constant 0 : index
    %get3A_10 = arith.constant 0 : index
    %get3A_11 = vector.load %arg2[%get3A_9, %get3A_10] : memref<2000x128xf32, #tpu.memory_space<vmem>>, vector<2000x128xf32>
    %add3A_12 = arith.addf %add3A, %get3A_11 : vector<2000x128xf32>
    %get3A_13 = arith.constant 0 : index
    %get3A_14 = arith.constant 0 : index
    %get3A_15 = vector.load %arg3[%get3A_13, %get3A_14] : memref<2000x128xf32, #tpu.memory_space<vmem>>, vector<2000x128xf32>
    %mul3A = arith.mulf %get3A_15, %add3A_12 : vector<2000x128xf32>
    %get3A_16 = arith.constant 0 : index
    %get3A_17 = arith.constant 0 : index
    %get3A_18 = vector.load %arg4[%get3A_16, %get3A_17] : memref<128x128xf32, #tpu.memory_space<vmem>>, vector<128x128xf32>
    %dot_general3A = arith.constant dense<0.000000e+00> : vector<2000x128xf32>
    %dot_general3A_19 = tpu.matmul %mul3A, %get3A_18, %dot_general3A {dimension_numbers = #tpu.dot_dimension_numbers<[1], [0], [0], [1], [0, 0, 1, 1], [], []>, transpose_lhs_hint = false} : vector<2000x128xf32>, vector<128x128xf32>, vector<2000x128xf32> -> vector<2000x128xf32>
    %get3A_20 = arith.constant 0 : index
    %get3A_21 = arith.constant 0 : index
    %get3A_22 = vector.load %arg5[%get3A_20, %get3A_21] : memref<1x128xf32, #tpu.memory_space<vmem>>, vector<1x128xf32>
    %add3A_23 = vector.broadcast %get3A_22 : vector<1x128xf32> to vector<2000x128xf32>
    %add3A_24 = arith.addf %dot_general3A_19, %add3A_23 : vector<2000x128xf32>
    %swap3A = arith.constant 0 : index
    %swap3A_25 = arith.constant 0 : index
    %swap3A_26 = vector.load %arg6[%swap3A, %swap3A_25] : memref<2000x128xf32, #tpu.memory_space<vmem>>, vector<2000x128xf32>
    tpu.vector_store %arg6[%swap3A, %swap3A_25], %add3A_24 {strides = array<i32>} : memref<2000x128xf32, #tpu.memory_space<vmem>>, vector<2000x128xf32>,
    %mul3A_27 = arith.mulf %get3A_15, %mul3A : vector<2000x128xf32>
    %swap3A_28 = arith.constant 0 : index
    %swap3A_29 = arith.constant 0 : index
    %swap3A_30 = vector.load %arg7[%swap3A_28, %swap3A_29] : memref<2000x128xf32, #tpu.memory_space<vmem>>, vector<2000x128xf32>
    tpu.vector_store %arg7[%swap3A_28, %swap3A_29], %mul3A_27 {strides = array<i32>} : memref<2000x128xf32, #tpu.memory_space<vmem>>, vector<2000x128xf32>,
    return
  }
  func.func @transform_0(%arg0: i32) -> (i32, i32, i32) {
    %c0_i32 = arith.constant 0 : i32
    %c0_i32_0 = arith.constant 0 : i32
    %c0_i32_1 = arith.constant 0 : i32
    return %c0_i32, %arg0, %c0_i32_0 : i32, i32, i32
  }
  func.func @transform_1(%arg0: i32) -> (i32, i32) {
    %c0_i32 = arith.constant 0 : i32
    %c0_i32_0 = arith.constant 0 : i32
    return %arg0, %c0_i32 : i32, i32
  }
  func.func @transform_2(%arg0: i32) -> (i32, i32) {
    %c0_i32 = arith.constant 0 : i32
    %c0_i32_0 = arith.constant 0 : i32
    return %arg0, %c0_i32 : i32, i32
  }
  func.func @transform_3(%arg0: i32) -> (i32, i32) {
    %c0_i32 = arith.constant 0 : i32
    %c0_i32_0 = arith.constant 0 : i32
    %c0_i32_1 = arith.constant 0 : i32
    return %c0_i32, %c0_i32_0 : i32, i32
  }
  func.func @transform_4(%arg0: i32) -> (i32, i32) {
    %c0_i32 = arith.constant 0 : i32
    %c0_i32_0 = arith.constant 0 : i32
    %c0_i32_1 = arith.constant 0 : i32
    return %c0_i32, %c0_i32_0 : i32, i32
  }
  func.func @transform_5(%arg0: i32) -> (i32, i32) {
    %c0_i32 = arith.constant 0 : i32
    %c0_i32_0 = arith.constant 0 : i32
    return %arg0, %c0_i32 : i32, i32
  }
  func.func @transform_6(%arg0: i32) -> (i32, i32) {
    %c0_i32 = arith.constant 0 : i32
    %c0_i32_0 = arith.constant 0 : i32
    return %arg0, %c0_i32 : i32, i32
  }
}

module attributes {stable_mosaic.version = 14 : i64} {
  func.func @_tc_d_body(%arg0: i32, %arg1: memref<2x2000x128xf32, #tpu.memory_space<vmem>>, %arg2: memref<2000x128xf32, #tpu.memory_space<vmem>>, %arg3: memref<2000x128xf32, #tpu.memory_space<vmem>>, %arg4: memref<128x128xf32, #tpu.memory_space<vmem>>, %arg5: memref<1x128xf32, #tpu.memory_space<vmem>>, %arg6: memref<2000x128xf32, #tpu.memory_space<vmem>>, %arg7: memref<2000x128xf32, #tpu.memory_space<vmem>>, %arg8: memref<128x40xf32, #tpu.memory_space<vmem>>, %arg9: memref<128x40xf32, #tpu.memory_space<vmem>>, %arg10: memref<128x40xf32, #tpu.memory_space<vmem>>, %arg11: memref<1x40xf32, #tpu.memory_space<vmem>>, %arg12: memref<2000x40xf32, #tpu.memory_space<vmem>>) attributes {dimension_semantics = [#tpu.dimension_semantics<arbitrary>], iteration_bounds = array<i64: 5>, scalar_prefetch = 0 : i64, scratch_operands = 0 : i64, tpu.core_type = #tpu.core_type<tc>, window_params = [{transform_indices = @transform_0, window_bounds = array<i64: 2, 2000, 128>}, {transform_indices = @transform_1, window_bounds = array<i64: 2000, 128>}, {transform_indices = @transform_2, window_bounds = array<i64: 2000, 128>}, {pipeline_mode = #tpu.pipeline_mode<synchronous>, transform_indices = @transform_3, window_bounds = array<i64: 128, 128>}, {pipeline_mode = #tpu.pipeline_mode<synchronous>, transform_indices = @transform_4, window_bounds = array<i64: 1, 128>}, {transform_indices = @transform_5, window_bounds = array<i64: 2000, 128>}, {transform_indices = @transform_6, window_bounds = array<i64: 2000, 128>}, {pipeline_mode = #tpu.pipeline_mode<synchronous>, transform_indices = @transform_7, window_bounds = array<i64: 128, 40>}, {pipeline_mode = #tpu.pipeline_mode<synchronous>, transform_indices = @transform_8, window_bounds = array<i64: 128, 40>}, {pipeline_mode = #tpu.pipeline_mode<synchronous>, transform_indices = @transform_9, window_bounds = array<i64: 128, 40>}, {pipeline_mode = #tpu.pipeline_mode<synchronous>, transform_indices = @transform_10, window_bounds = array<i64: 1, 40>}, {transform_indices = @transform_11, window_bounds = array<i64: 2000, 40>}]} {
    %get3A = arith.constant 0 : index
    %get3A_0 = arith.constant 0 : index
    %get3A_1 = vector.load %arg3[%get3A, %get3A_0] : memref<2000x128xf32, #tpu.memory_space<vmem>>, vector<2000x128xf32>
    %get3A_2 = arith.constant 0 : index
    %get3A_3 = arith.constant 0 : index
    %get3A_4 = arith.constant 0 : index
    %get3A_5 = vector.load %arg1[%get3A_2, %get3A_3, %get3A_4] : memref<2x2000x128xf32, #tpu.memory_space<vmem>>, vector<1x2000x128xf32>
    %get3A_6 = vector.shape_cast %get3A_5 : vector<1x2000x128xf32> to vector<2000x128xf32>
    %get3A_7 = arith.constant 1 : index
    %get3A_8 = arith.constant 0 : index
    %get3A_9 = arith.constant 0 : index
    %get3A_10 = vector.load %arg1[%get3A_7, %get3A_8, %get3A_9] : memref<2x2000x128xf32, #tpu.memory_space<vmem>>, vector<1x2000x128xf32>
    %get3A_11 = vector.shape_cast %get3A_10 : vector<1x2000x128xf32> to vector<2000x128xf32>
    %add3A = arith.addf %get3A_6, %get3A_11 : vector<2000x128xf32>
    %get3A_12 = arith.constant 0 : index
    %get3A_13 = arith.constant 0 : index
    %get3A_14 = vector.load %arg2[%get3A_12, %get3A_13] : memref<2000x128xf32, #tpu.memory_space<vmem>>, vector<2000x128xf32>
    %add3A_15 = arith.addf %add3A, %get3A_14 : vector<2000x128xf32>
    %mul3A = arith.mulf %get3A_1, %add3A_15 : vector<2000x128xf32>
    %get3A_16 = arith.constant 0 : index
    %get3A_17 = arith.constant 0 : index
    %get3A_18 = vector.load %arg4[%get3A_16, %get3A_17] : memref<128x128xf32, #tpu.memory_space<vmem>>, vector<128x128xf32>
    %dot_general3A = arith.constant dense<0.000000e+00> : vector<2000x128xf32>
    %dot_general3A_19 = tpu.matmul %mul3A, %get3A_18, %dot_general3A {dimension_numbers = #tpu.dot_dimension_numbers<[1], [0], [0], [1], [0, 0, 1, 1], [], []>, transpose_lhs_hint = false} : vector<2000x128xf32>, vector<128x128xf32>, vector<2000x128xf32> -> vector<2000x128xf32>
    %get3A_20 = arith.constant 0 : index
    %get3A_21 = arith.constant 0 : index
    %get3A_22 = vector.load %arg5[%get3A_20, %get3A_21] : memref<1x128xf32, #tpu.memory_space<vmem>>, vector<1x128xf32>
    %add3A_23 = vector.broadcast %get3A_22 : vector<1x128xf32> to vector<2000x128xf32>
    %add3A_24 = arith.addf %dot_general3A_19, %add3A_23 : vector<2000x128xf32>
    %get3A_25 = arith.constant 0 : index
    %get3A_26 = arith.constant 0 : index
    %get3A_27 = vector.load %arg6[%get3A_25, %get3A_26] : memref<2000x128xf32, #tpu.memory_space<vmem>>, vector<2000x128xf32>
    %max3A = arith.constant 0.000000e+00 : f32
    %max3A_28 = vector.broadcast %max3A : f32 to vector<2000x128xf32>
    %max3A_29 = arith.maximumf %get3A_27, %max3A_28 : vector<2000x128xf32>
    %get3A_30 = arith.constant 0 : index
    %get3A_31 = arith.constant 0 : index
    %get3A_32 = vector.load %arg8[%get3A_30, %get3A_31] : memref<128x40xf32, #tpu.memory_space<vmem>>, vector<128x40xf32>
    %dot_general3A_33 = arith.constant dense<0.000000e+00> : vector<2000x40xf32>
    %dot_general3A_34 = tpu.matmul %max3A_29, %get3A_32, %dot_general3A_33 {dimension_numbers = #tpu.dot_dimension_numbers<[1], [0], [0], [1], [0, 0, 1, 1], [], []>, transpose_lhs_hint = false} : vector<2000x128xf32>, vector<128x40xf32>, vector<2000x40xf32> -> vector<2000x40xf32>
    %get3A_35 = arith.constant 0 : index
    %get3A_36 = arith.constant 0 : index
    %get3A_37 = vector.load %arg7[%get3A_35, %get3A_36] : memref<2000x128xf32, #tpu.memory_space<vmem>>, vector<2000x128xf32>
    %max3A_38 = arith.constant 0.000000e+00 : f32
    %max3A_39 = vector.broadcast %max3A_38 : f32 to vector<2000x128xf32>
    %max3A_40 = arith.maximumf %get3A_37, %max3A_39 : vector<2000x128xf32>
    %get3A_41 = arith.constant 0 : index
    %get3A_42 = arith.constant 0 : index
    %get3A_43 = vector.load %arg9[%get3A_41, %get3A_42] : memref<128x40xf32, #tpu.memory_space<vmem>>, vector<128x40xf32>
    %dot_general3A_44 = arith.constant dense<0.000000e+00> : vector<2000x40xf32>
    %dot_general3A_45 = tpu.matmul %max3A_40, %get3A_43, %dot_general3A_44 {dimension_numbers = #tpu.dot_dimension_numbers<[1], [0], [0], [1], [0, 0, 1, 1], [], []>, transpose_lhs_hint = false} : vector<2000x128xf32>, vector<128x40xf32>, vector<2000x40xf32> -> vector<2000x40xf32>
    %add3A_46 = arith.addf %dot_general3A_34, %dot_general3A_45 : vector<2000x40xf32>
    %max3A_47 = arith.constant 0.000000e+00 : f32
    %max3A_48 = vector.broadcast %max3A_47 : f32 to vector<2000x128xf32>
    %max3A_49 = arith.maximumf %add3A_24, %max3A_48 : vector<2000x128xf32>
    %get3A_50 = arith.constant 0 : index
    %get3A_51 = arith.constant 0 : index
    %get3A_52 = vector.load %arg10[%get3A_50, %get3A_51] : memref<128x40xf32, #tpu.memory_space<vmem>>, vector<128x40xf32>
    %dot_general3A_53 = arith.constant dense<0.000000e+00> : vector<2000x40xf32>
    %dot_general3A_54 = tpu.matmul %max3A_49, %get3A_52, %dot_general3A_53 {dimension_numbers = #tpu.dot_dimension_numbers<[1], [0], [0], [1], [0, 0, 1, 1], [], []>, transpose_lhs_hint = false} : vector<2000x128xf32>, vector<128x40xf32>, vector<2000x40xf32> -> vector<2000x40xf32>
    %add3A_55 = arith.addf %add3A_46, %dot_general3A_54 : vector<2000x40xf32>
    %get3A_56 = arith.constant 0 : index
    %get3A_57 = arith.constant 0 : index
    %get3A_58 = vector.load %arg11[%get3A_56, %get3A_57] : memref<1x40xf32, #tpu.memory_space<vmem>>, vector<1x40xf32>
    %add3A_59 = vector.broadcast %get3A_58 : vector<1x40xf32> to vector<2000x40xf32>
    %add3A_60 = arith.addf %add3A_55, %add3A_59 : vector<2000x40xf32>
    %reduce_max3A = arith.constant dense<0xFF800000> : vector<2000xf32>
    %reduce_max3A_61 = vector.multi_reduction <maximumf>, %add3A_60, %reduce_max3A [1] : vector<2000x40xf32> to vector<2000xf32>
    %broadcast_in_dim3A = vector.shape_cast %reduce_max3A_61 : vector<2000xf32> to vector<2000x1xf32>
    %sub3A = vector.broadcast %broadcast_in_dim3A : vector<2000x1xf32> to vector<2000x40xf32>
    %sub3A_62 = arith.subf %add3A_60, %sub3A : vector<2000x40xf32>
    %exp3A = math.exp %sub3A_62 : vector<2000x40xf32>
    %reduce_sum3A = arith.constant dense<0.000000e+00> : vector<2000xf32>
    %reduce_sum3A_63 = vector.multi_reduction <add>, %exp3A, %reduce_sum3A [1] : vector<2000x40xf32> to vector<2000xf32>
    %broadcast_in_dim3A_64 = vector.shape_cast %reduce_sum3A_63 : vector<2000xf32> to vector<2000x1xf32>
    %log3A = math.log %broadcast_in_dim3A_64 : vector<2000x1xf32>
    %sub3A_65 = vector.broadcast %log3A : vector<2000x1xf32> to vector<2000x40xf32>
    %sub3A_66 = arith.subf %sub3A_62, %sub3A_65 : vector<2000x40xf32>
    %swap3A = arith.constant 0 : index
    %swap3A_67 = arith.constant 0 : index
    %swap3A_68 = vector.load %arg12[%swap3A, %swap3A_67] : memref<2000x40xf32, #tpu.memory_space<vmem>>, vector<2000x40xf32>
    tpu.vector_store %arg12[%swap3A, %swap3A_67], %sub3A_66 {strides = array<i32>} : memref<2000x40xf32, #tpu.memory_space<vmem>>, vector<2000x40xf32>,
    return
  }
  func.func @transform_0(%arg0: i32) -> (i32, i32, i32) {
    %c0_i32 = arith.constant 0 : i32
    %c0_i32_0 = arith.constant 0 : i32
    %c0_i32_1 = arith.constant 0 : i32
    return %c0_i32, %arg0, %c0_i32_0 : i32, i32, i32
  }
  func.func @transform_1(%arg0: i32) -> (i32, i32) {
    %c0_i32 = arith.constant 0 : i32
    %c0_i32_0 = arith.constant 0 : i32
    return %arg0, %c0_i32 : i32, i32
  }
  func.func @transform_2(%arg0: i32) -> (i32, i32) {
    %c0_i32 = arith.constant 0 : i32
    %c0_i32_0 = arith.constant 0 : i32
    return %arg0, %c0_i32 : i32, i32
  }
  func.func @transform_3(%arg0: i32) -> (i32, i32) {
    %c0_i32 = arith.constant 0 : i32
    %c0_i32_0 = arith.constant 0 : i32
    %c0_i32_1 = arith.constant 0 : i32
    return %c0_i32, %c0_i32_0 : i32, i32
  }
  func.func @transform_4(%arg0: i32) -> (i32, i32) {
    %c0_i32 = arith.constant 0 : i32
    %c0_i32_0 = arith.constant 0 : i32
    %c0_i32_1 = arith.constant 0 : i32
    return %c0_i32, %c0_i32_0 : i32, i32
  }
  func.func @transform_5(%arg0: i32) -> (i32, i32) {
    %c0_i32 = arith.constant 0 : i32
    %c0_i32_0 = arith.constant 0 : i32
    return %arg0, %c0_i32 : i32, i32
  }
  func.func @transform_6(%arg0: i32) -> (i32, i32) {
    %c0_i32 = arith.constant 0 : i32
    %c0_i32_0 = arith.constant 0 : i32
    return %arg0, %c0_i32 : i32, i32
  }
  func.func @transform_7(%arg0: i32) -> (i32, i32) {
    %c0_i32 = arith.constant 0 : i32
    %c0_i32_0 = arith.constant 0 : i32
    %c0_i32_1 = arith.constant 0 : i32
    return %c0_i32, %c0_i32_0 : i32, i32
  }
  func.func @transform_8(%arg0: i32) -> (i32, i32) {
    %c0_i32 = arith.constant 0 : i32
    %c0_i32_0 = arith.constant 0 : i32
    %c0_i32_1 = arith.constant 0 : i32
    return %c0_i32, %c0_i32_0 : i32, i32
  }
  func.func @transform_9(%arg0: i32) -> (i32, i32) {
    %c0_i32 = arith.constant 0 : i32
    %c0_i32_0 = arith.constant 0 : i32
    %c0_i32_1 = arith.constant 0 : i32
    return %c0_i32, %c0_i32_0 : i32, i32
  }
  func.func @transform_10(%arg0: i32) -> (i32, i32) {
    %c0_i32 = arith.constant 0 : i32
    %c0_i32_0 = arith.constant 0 : i32
    %c0_i32_1 = arith.constant 0 : i32
    return %c0_i32, %c0_i32_0 : i32, i32
  }
  func.func @transform_11(%arg0: i32) -> (i32, i32) {
    %c0_i32 = arith.constant 0 : i32
    %c0_i32_0 = arith.constant 0 : i32
    return %arg0, %c0_i32 : i32, i32
  }
}

</mosaic_0001>

<sc_bundles>
// kernel: kernel.11.cloned.1.call-start
scs
__scs_entry_jumppad:
0x0: {  	(pc) =	sbr.rel $0x88, $3  }
0x1: {  	(tag) =	ssettag $0x0;
	lr =	simm.s32 $0x1  }
0x2: {  	[smem:$0x3F95] =	sst lr;
	_ =	strace $0xD0000000  }
0x3: {  	_ = 	snop  }
0x4: {  	_ = 	snop  }
0x5: {  	_ = 	snop  }
0x6: {  	_ = 	snop  }
0x7: {  	_ = 	snop  }
__scs_overlays_trampoline_lowered:
0x8: {  	[smem:$0x3FA4] =	sst s0  }
0x9: {  	[smem:$0x3FA5] =	sst s1  }
0xa: {  	[smem:$0x3FA6] =	sst s2  }
0xb: {  	[smem:$0x3FA7] =	sst s3  }
0xc: {  	[smem:$0x3FA8] =	sst s4  }
0xd: {  	[smem:$0x3FA9] =	sst s5  }
0xe: {  	[smem:$0x3FAA] =	sst s6  }
0xf: {  	[smem:$0x3FAB] =	sst s7  }
0x10: {  	[smem:$0x3FAC] =	sst s8  }
0x11: {  	[smem:$0x3FAD] =	sst s9;
	s0 =	simm.s32 @!p0 $0x0  }
0x12: {  	s1 =	sld [smem:$0x3F93];
	s0 =	simm.s32 @p0 $0x1  }
0x13: {  	[smem:$0x3FAE] =	sst s0;
	s0 =	simm.s32 @!p1 $0x0  }
0x14: {  	s2 =	sld [smem:$0x3F92];
	s0 =	simm.s32 @p1 $0x1  }
0x15: {  	[smem:$0x3FAF] =	sst s0;
	s0 =	simm.s32 @!p2 $0x0  }
0x16: {  	s3 =	sld [smem:$0x3FDB];
	s0 =	simm.s32 @p2 $0x1  }
0x17: {  	s4 =	simm.s32 $0x1BF5;
	[smem:$0x3FB1] =	sst s0  }
0x18: {  	s0 =	sld [smem:$0x3F94];
	_ =	swait.ge [sflag:s4], $0x0  }
0x19: {  	s7 =	sld [smem:$0x3F95]  }
0x1a: {  	s8 =	sadd.s32 $0xFFFFE003, lr  }
0x1b: {  	s9 =	sadd.s32 $0xFFFFFEF7, lr;
	s5 =	simm.s32 $0xFFFFFFFF;
	p2 =	slt.u32 s8, $0xFFFFF086  }
0x1c: {  	p1 =	slt.u32 s9, $0xF7A;
	s5 =	simm.s32 @!p2 $0x0  }
0x1d: {  	s5 =	simm.s32 @p1 $0x1;
	p0 =	seq.s32 s7, s2  }
0x1e: {  	s7 =	smul.u32 @!p0 $0xF7A, s2;
	p2 =	seq.s32 @!p0 s5, $0x0  }
0x1f: {  	s9 =	smul.u32 $0xF7A, s1;
	s8 =	simm.s32 @!p0 $0x1BF5;
	p2 =	por !p2, p0  }
0x20: {  	[sflag:s8] =	ssyncset.s32 @!p0 $0xFFFFF086;
	s6 =	sadd.s32 @!p0 s3, s7;
	s7 =	simm.s32 @!p0 $0x108  }
0x21: {  	s3 =	sadd.s32 s3, s9;
	s6 =	sadd.s32 @!p0 $0x88, s6;
	s7 =	simm.s32 @p2 $0x1082  }
0x22: {  	[simem:s7], [sflag:s8] =	dma.local @!p0 [hbm:s6], $0xF7A  }
0x23: {  	s9 =	sor.u32 $0xD0000000, s2;
	s6 =	simm.s32 $0x108;
	_ =	swait.ge @!p0 [sflag:s8], $0x0  }
0x24: {  	s3 =	sadd.s32 $0x88, s3;
	s6 =	simm.s32 @!p1 $0x1082;
	[sflag:s4] =	ssyncset.s32 $0xFFFFF086  }
0x25: {  	[simem:s6], [sflag:s4] =	dma.local [hbm:s3], $0xF7A  }
0x26: {  	[smem:$0x3F95] =	sst s1;
	(tag) =	ssettag s2;
	_ =	strace s9  }
0x27: {  	s1 =	sld [smem:$0x3FA5]  }
0x28: {  	s2 =	sld [smem:$0x3FA6]  }
0x29: {  	s4 =	sld [smem:$0x3FA8]  }
0x2a: {  	p0 =	seq.s32 s5, $0x0;
	s5 =	sld [smem:$0x3FA9]  }
0x2b: {  	s6 =	sld [smem:$0x3FAA]  }
0x2c: {  	s7 =	sld [smem:$0x3FAB]  }
0x2d: {  	s3 =	simm.s32 $0x108;
	s8 =	sld [smem:$0x3FAC]  }
0x2e: {  	s3 =	simm.s32 @!p0 $0x1082;
	s9 =	sld [smem:$0x3FAD]  }
0x2f: {  	lr =	sadd.s32 s0, s3;
	s0 =	sld [smem:$0x3FA4]  }
0x30: {  	s3 =	sld [smem:$0x3FA7]  }
0x31: {  	[smem:$0x3FB0] =	sst s10  }
0x32: {  	s10 =	sld [smem:$0x3FAE];
	_ =	sdelay $0x3  }
0x33: {  	p0 =	seq.s32 s10, $0x1;
	s10 =	sld [smem:$0x3FB0];
	_ =	sdelay $0x3  }
0x34: {  	[smem:$0x3FB0] =	sst s10  }
0x35: {  	s10 =	sld [smem:$0x3FAF];
	_ =	sdelay $0x3  }
0x36: {  	p1 =	seq.s32 s10, $0x1;
	s10 =	sld [smem:$0x3FB0];
	_ =	sdelay $0x3  }
0x37: {  	[smem:$0x3FB0] =	sst s10  }
0x38: {  	s10 =	sld [smem:$0x3FB1]  }
0x39: {  	_ = 	snop;
	(pc) =	sbr.ind lr, $3  }
0x3a: {  	_ = 	snop  }
0x3b: {  	_ = 	snop  }
0x3c: {  	p2 =	seq.s32 s10, $0x1;
	s10 =	sld [smem:$0x3FB0]  }
0x3d: {  	_ =	shalt  }
0x3e: {  	_ =	shalt  }
0x3f: {  	_ =	shalt  }
0x40: {  	_ =	shalt  }
0x41: {  	_ =	shalt  }
0x42: {  	_ =	shalt  }
0x43: {  	_ =	shalt  }
0x44: {  	_ =	shalt  }
0x45: {  	_ =	shalt  }
0x46: {  	_ =	shalt  }
0x47: {  	_ =	shalt  }
0x48: {  	_ =	shalt  }
0x49: {  	_ =	shalt  }
0x4a: {  	_ =	shalt  }
0x4b: {  	_ =	shalt  }
0x4c: {  	_ =	shalt  }
0x4d: {  	_ =	shalt  }
0x4e: {  	_ =	shalt  }
0x4f: {  	_ =	shalt  }
0x50: {  	_ =	shalt  }
0x51: {  	_ =	shalt  }
0x52: {  	_ =	shalt  }
0x53: {  	_ =	shalt  }
0x54: {  	_ =	shalt  }
0x55: {  	_ =	shalt  }
0x56: {  	_ =	shalt  }
0x57: {  	_ =	shalt  }
0x58: {  	_ =	shalt  }
0x59: {  	_ =	shalt  }
0x5a: {  	_ =	shalt  }
0x5b: {  	_ =	shalt  }
0x5c: {  	_ =	shalt  }
0x5d: {  	_ =	shalt  }
0x5e: {  	_ =	shalt  }
0x5f: {  	_ =	shalt  }
0x60: {  	_ =	shalt  }
0x61: {  	_ =	shalt  }
0x62: {  	_ =	shalt  }
0x63: {  	_ =	shalt  }
0x64: {  	_ =	shalt  }
0x65: {  	_ =	shalt  }
0x66: {  	_ =	shalt  }
0x67: {  	_ =	shalt  }
0x68: {  	_ =	shalt  }
0x69: {  	_ =	shalt  }
0x6a: {  	_ =	shalt  }
0x6b: {  	_ =	shalt  }
0x6c: {  	_ =	shalt  }
0x6d: {  	_ =	shalt  }
0x6e: {  	_ =	shalt  }
0x6f: {  	_ =	shalt  }
0x70: {  	_ =	shalt  }
0x71: {  	_ =	shalt  }
0x72: {  	_ =	shalt  }
0x73: {  	_ =	shalt  }
0x74: {  	_ =	shalt  }
0x75: {  	_ =	shalt  }
0x76: {  	_ =	shalt  }
0x77: {  	_ =	shalt  }
0x78: {  	_ =	shalt  }
0x79: {  	_ =	shalt  }
0x7a: {  	_ =	shalt  }
0x7b: {  	_ =	shalt  }
0x7c: {  	_ =	shalt  }
0x7d: {  	_ =	shalt  }
0x7e: {  	_ =	shalt  }
0x7f: {  	_ =	shalt  }
0x80: {  	_ =	shalt  }
0x81: {  	_ =	shalt  }
0x82: {  	_ =	shalt  }
0x83: {  	_ =	shalt  }
0x84: {  	_ =	shalt  }
0x85: {  	_ =	shalt  }
0x86: {  	_ =	shalt  }
0x87: {  	_ =	shalt  }
.Lfunc_end0:
.L_simem_size_0:
called_computation.1_lowered:
.L_overlay_start_0:
0x88: {  	s2 =	sld [smem:$0x3FD9]  }
0x89: {  	s3 =	sld [smem:$0x3FFE];
	_ =	sdelay $0x1  }
0x8a: {  	s1 =	srdreg.scid  }
0x8b: {  	s0 =	sand.u32 $0x1, s1  }
0x8c: {  	s17 =	sshll.u32 s0, $0xA;
	s2 =	sadd.s32 s3, s2  }
0x8d: {  	s2 =	sadd.s32 s2, s17  }
0x8e: {  	[smem:$0x3FBC] =	sst s2  }
0x8f: {  	_ = 	snop  }
0x90: {  	s2 =	sld [smem:$0x3FD0];
	(tm) =	ssettm $0x1  }
0x91: {  	s18 =	sld [smem:$0x3FFB];
	_ =	sdelay $0x3  }
0x92: {  	_ =	strace s18  }
0x93: {  	s3 =	sld [smem:$0x3FFC];
	_ =	sdelay $0x3  }
0x94: {  	_ =	strace s3  }
0x95: {  	s3 =	sld [smem:$0x3FFD];
	_ =	sdelay $0x3  }
0x96: {  	_ =	strace s3  }
0x97: {  	_ =	strace $0x8FFFFFFF  }
0x98: {  	s19 =	sld [smem:$0x3FDB];
	_ =	sdelay $0x1  }
0x99: {  	s4 =	simm.s32 $_scs_section_size  }
0x9a: {  	s5 =	simm.s32 $_size__tile_overlayer_lowered;
	s6 =	simm.s32 $_tile_overlayer_lowered  }
0x9b: {  	s22 =	simm.s32 $0x1BFF;
	s21 =	sshll.u32 s6, $0x1;
	s3 =	sadd.s32 s4, s19  }
0x9c: {  	s7 =	simm.s32 $0x0;
	s20 =	sshll.u32 s5, $0x1;
	s5 =	sadd.s32 s21, s3  }
0x9d: {  	[timem:s7], [sflag:s22] =	dma.local [hbm:s5], s20  }
0x9e: {  	_ =	swait.ge [sflag:s22], s20  }
0x9f: {  	s4 =	ssub.s32 $0x0, s20;
	[sflag:s22] =	ssyncset.done $0x0  }
0xa0: {  	[sflag:s22] =	ssyncadd.s32 s4;
	_ =	sdelay $0x1  }
0xa1: {  	s23 =	simm.s32 $0x1B8B  }
0xa2: {  	_ =	swait.ge [sflag:s23], $0x1  }
0xa3: {  	[sflag:s23] =	ssyncset.done $0x0  }
0xa4: {  	s25 =	simm.s32 $0x1B8E;
	s24 =	sld [smem:$0x3FFE];
	[sflag:s23] =	ssyncadd.s32 $0xFFFFFFFF  }
0xa5: {  	s26 =	simm.s32 $execute0_lowered;
	[smem:$0x3FD2] =	sst s25  }
0xa6: {  	s5 =	sshll.u32 s26, $0x1;
	_ =	strace $0x80000049;
	[dreg:$0x1] =	wrdreg $0xFFFFFFFF  }
0xa7: {  	s28 =	simm.s32 $_size_execute0_lowered;
	s3 =	sadd.s32 s3, s5;
	[dreg:$0x0] =	wrdreg $0x0  }
0xa8: {  	s5 =	sshll.u32 s28, $0x1;
	[dreg:$0x2] =	wrdreg s3  }
0xa9: {  	[dreg:$0x3] =	wrdreg s5  }
0xaa: {  	[dreg:$0x4] =	wrdreg $0xC0  }
0xab: {  	_ =	task [dreg:s7], $0x5FFFF  }
0xac: {  	[dreg:$0x1] =	wrdreg $0xFFFFFFFF  }
0xad: {  	[dreg:$0x0] =	wrdreg $0x60  }
0xae: {  	[dreg:$0x2] =	wrdreg s24  }
0xaf: {  	[dreg:$0x3] =	wrdreg s2  }
0xb0: {  	[dreg:$0x4] =	wrdreg $0x0  }
0xb1: {  	[dreg:$0x5] =	wrdreg $0x9  }
0xb2: {  	_ =	task.clear_ibuf [dreg:s7], $0x6FFFF;
	_ =	strace $0x90000049  }
0xb3: {  	s29 =	simm.s32 $0x9;
	_ =	strace $0x8000004B  }
0xb4: {  	_ =	swait.ge [sflag:s29], $0x1  }
0xb5: {  	[sflag:s29] =	ssyncadd.s32 $0xFFFFFFFF  }
0xb6: {  	_ =	strace $0x9000004B  }
0xb7: {  	_ =	sfence  }
0xb8: {  	s30 =	sld [smem:$0x0];
	_ =	sdelay $0x2  }
0xb9: {  	s31 =	sshll.u32 s1, $0xD;
	s1 =	sshrl.u32 s1, $0x2  }
0xba: {  	s3 =	sand.u32 $0x4000, s31;
	s1 =	sadd.s32 s1, s30  }
0xbb: {  	s0 =	sor.u32 s3, s0;
	s1 =	sshll.u32 s1, $0x11  }
0xbc: {  	s0 =	sor.u32 s1, s0  }
0xbd: {  	s0 =	sadd.s32 $0x8F2B, s0  }
0xbe: {  	[sflag:s0] =	ssyncadd.remote.s32 $0x1  }
0xbf: {  	_ =	sfence.sel $0xFFFF  }
0xc0: {  	[dreg:$0x0] =	wrdreg $0xFFFFFFFF;
	(pc) =	sbr.abs _section_cstart, $3  }
0xc1: {  	[dreg:$0x1] =	wrdreg $0xFFFFFFFF  }
0xc2: {  	_ =	task.clear_ibuf [dreg:s7], $0x2FFFF;
	_ =	strace $0x9FFFFFFF  }
0xc3: {  	(tm) =	ssettm $0x7FFFFFFF  }
tec
execute0_lowered:
.L_overlay_start_1:
0x0: {  	(tag) =	ssettag $0x1  }
0x1: {  	s0 =	rddreg [dreg:$0x0]  }
0x2: {  	s1 =	rddreg [dreg:$0x1]  }
0x3: {  	s3 =	rddreg [dreg:$0x2];
	s4 =	simm.s32 $0x0;
	s12 =	stileid.u32  }
0x4: {  	s5 =	srdreg.scid;
	s28 =	simm.s32 $0x14100;
	s29 =	simm.s32 $0x2  }
0x5: {  	s30 =	simm.s32 $0x18200;
	s31 =	simm.s32 $0x14180;
	s15 =	simm.s32 $0x0  }
0x6: {  	[smem:$0x7FF] =	sst s4;
	s2 =	smul.u32 $0x14000, s12;
	s7 =	sand.u32 $0x1, s5  }
0x7: {  	s5 =	sadd.s32 $0x2BC00, s0;
	s6 =	sadd.s32 $0x7C400, s0;
	s16 =	smul.u32 $0x50000, s12  }
0x8: {  	s19 =	sshll.u32 s12, $0x6;
	_ =	strace $0x8000004A;
	s9 =	smul.u32 $0x140000, s7  }
0x9: {  	s10 =	sshll.u32 s7, $0x4;
	s11 =	ssub.s32 $0x2, s7;
	s8 =	sshrl.u32 s2, $0x3  }
0xa: {  	s10 =	sor.u32 s12, s10;
	s17 =	sshrl.u32 s11, $0x1;
	s8 =	sadd.s32 s8, s0  }
0xb: {  	s2 =	sadd.s32 s2, s9;
	s7 =	smul.u32 $0x2800, s10;
	s9 =	sshrl.u32 s16, $0x2  }
0xc: {  	s2 =	sshrl.u32 s2, $0x3;
	s18 =	sadd.s32 s9, s3;
	s8 =	sadd.s32 $0x3C00, s8  }
0xd: {  	s9 =	sor.u32 $0x1C09, s19;
	s0 =	sadd.s32 s2, s0;
	s2 =	ssub.s32 s11, s17  }
0xe: {  	s13 =	sshrl.u32 s7, $0x3;
	[dreg:$0x4] =	wrdreg s8;
	s11 =	simm.s32 $0x6  }
0xf: {  	s14 =	sor.u32 $0x10, s13;
	s20 =	sadd.s32 s6, s13;
	s12 =	sadd.s32 s1, s13  }
0x10: {  	s23 =	sadd.s32 $0x4F0, s13;
	s0 =	sadd.s32 $0x86400, s0;
	[dreg:$0x5] =	wrdreg s20  }
0x11: {  	s26 =	smax.u32 s2, $0x1;
	s2 =	simm.s32 $0x3;
	[dreg:$0xc] =	wrdreg s0  }
0x12: {  	s13 =	simm.s32 $0x4;
	s21 =	sadd.s32 s6, s14;
	[dreg:$0xd] =	wrdreg s26  }
0x13: {  	s22 =	sadd.s32 s1, s14;
	s10 =	sadd.s32 $0x20, s20;
	[dreg:$0x6] =	wrdreg s21  }
0x14: {  	s24 =	sadd.s32 $0x4E0, s12;
	s25 =	sadd.s32 s6, s23;
	[dreg:$0x7] =	wrdreg s22  }
0x15: {  	s8 =	sadd.s32 s1, s23;
	s20 =	sshrl.u32 s18, $0x3;
	[dreg:$0x8] =	wrdreg s10  }
0x16: {  	s23 =	simm.s32 $0x1;
	s26 =	simm.s32 $0x14080;
	[dreg:$0x9] =	wrdreg s24  }
0x17: {  	s0 =	simm.s32 $0x5;
	s14 =	simm.s32 $0x8;
	[dreg:$0xa] =	wrdreg s25  }
0x18: {  	[dreg:$0xb] =	wrdreg s8;
	s21 =	simm.s32 $0x9;
	s22 =	simm.s32 $0x14000  }
0x19: {  	s24 =	simm.s32 $0x80;
	s25 =	simm.s32 $0x14200;
	s8 =	simm.s32 $0x7  }
.LBB2_1:
0x1a: {  	s10 =	rddreg [dreg:$0x4]  }
0x1b: {  	[spmem:s20], [sflag:s9] =	dma.local [hbm:s10], $0x2800  }
0x1c: {  	_ =	swait.ge [sflag:s21], $0x2800  }
0x1d: {  	[sflag:s21] =	ssyncset.done $0x0  }
0x1e: {  	[sflag:s21] =	ssyncadd.s32 $0xFFFFD800  }
0x1f: {  	[bflag:$0x0] =	sbarrier.arrive $0xFFFF  }
0x20: {  	s18 =	rddreg [dreg:$0x5]  }
0x21: {  	[tilespmem:s22], [sflag:$0x1] =	stream.linear.gather [hbm4b:s18+s4], $0x80, $0x38;
	[tilespmem:$0x1C200] =	vst v63  }
0x22: {  	_ =	swait.ge [sflag:s23], $0x80  }
0x23: {  	[sflag:s23] =	ssyncset.done $0x0  }
0x24: {  	[sflag:s23] =	ssyncadd.s32 $0xFFFFFF80  }
0x25: {  	[tilespmem:s25], [sflag:$0x5] =	stream.indirect.gather [hbm4b:s5+s24], $0x80, s22, s24, $0xb8;
	[tilespmem:$0x1C200] =	vst v63  }
0x26: {  	s19 =	rddreg [dreg:$0x6]  }
0x27: {  	[tilespmem:s26], [sflag:$0x2] =	stream.linear.gather [hbm4b:s19+s4], $0x80, $0x38;
	[tilespmem:$0x1C200] =	vst v63  }
0x28: {  	_ = 	snop  }
0x29: {  	[tilespmem:s28], [sflag:$0x3] =	stream.linear.gather [hbm4b:s12+s4], $0x80, $0x38;
	[tilespmem:$0x1C200] =	vst v63  }
0x2a: {  	_ =	swait.ge [sflag:s29], $0x80  }
0x2b: {  	[sflag:s29] =	ssyncset.done $0x0  }
0x2c: {  	[sflag:s29] =	ssyncadd.s32 $0xFFFFFF80  }
0x2d: {  	[tilespmem:s30], [sflag:$0x6] =	stream.indirect.gather [hbm4b:s5+s24], $0x80, s26, s24, $0xb8;
	[tilespmem:$0x1C200] =	vst v63  }
0x2e: {  	s16 =	rddreg [dreg:$0x7]  }
0x2f: {  	[tilespmem:s31], [sflag:$0x4] =	stream.linear.gather [hbm4b:s16+s4], $0x80, $0x38;
	[tilespmem:$0x1C200] =	vst v63  }
0x30: {  	_ =	swait.ge [sflag:s0], $0x4000  }
0x31: {  	[sflag:s0] =	ssyncset.done $0x0  }
0x32: {  	s17 =	rddreg [dreg:$0x8];
	[sflag:s0] =	ssyncadd.s32 $0xFFFFC000  }
0x33: {  	[tilespmem:s22], [sflag:$0x1] =	stream.linear.gather [hbm4b:s17+s4], $0x80, $0x38;
	[tilespmem:$0x1C200] =	vst v63  }
0x34: {  	_ =	swait.ge [sflag:s2], $0x80  }
0x35: {  	[sflag:s2] =	ssyncset.done $0x0  }
0x36: {  	[sflag:s2] =	ssyncadd.s32 $0xFFFFFF80  }
0x37: {  	[spmem:s3] =	stream.indirect.scatter.add.f32 [tilespmem:s25], [sflag:$0x7], $0x80, s28, s24, $0xb8;
	[tilespmem:$0x1C200] =	vst v63  }
0x38: {  	_ =	swait.ge [sflag:s23], $0x80  }
0x39: {  	s16 =	simm.s32 $0x100;
	[sflag:s23] =	ssyncset.done $0x0  }
0x3a: {  	s17 =	sand.u32 $0x7C00, s16;
	[sflag:s23] =	ssyncadd.s32 $0xFFFFFF80  }
0x3b: {  	s16 =	sand.u32 $0x300, s16;
	s17 =	sadd.s32 s7, s17;
	_ =	swait.ge [sflag:s8], $0x4000  }
0x3c: {  	s16 =	sor.u32 s16, s17;
	[sflag:s8] =	ssyncset.done $0x0  }
0x3d: {  	s18 =	simm.s32 $0x180;
	s16 =	sshrl.u32 s16, $0x3;
	[sflag:s8] =	ssyncadd.s32 $0xFFFFC000  }
0x3e: {  	[tilespmem:s25], [sflag:$0x5] =	stream.indirect.gather [hbm4b:s5+s24], $0x80, s22, s24, $0xb8;
	[tilespmem:$0x1C200] =	vst v63  }
0x3f: {  	s19 =	sand.u32 $0x7C00, s18;
	s16 =	sadd.s32 s1, s16  }
0x40: {  	[tilespmem:s28], [sflag:$0x3] =	stream.linear.gather [hbm4b:s16+s4], $0x80, $0x38;
	[tilespmem:$0x1C200] =	vst v63  }
0x41: {  	s17 =	sand.u32 $0x380, s18;
	s16 =	sadd.s32 s7, s19  }
0x42: {  	_ =	swait.ge [sflag:s11], $0x4000;
	s16 =	sor.u32 s17, s16  }
0x43: {  	[sflag:s11] =	ssyncset.done $0x0;
	s16 =	sshrl.u32 s16, $0x3  }
0x44: {  	[sflag:s11] =	ssyncadd.s32 $0xFFFFC000;
	s10 =	sadd.s32 s6, s16  }
0x45: {  	[tilespmem:s26], [sflag:$0x2] =	stream.linear.gather [hbm4b:s10+s4], $0x80, $0x38;
	[tilespmem:$0x1C200] =	vst v63  }
0x46: {  	_ =	swait.ge [sflag:s13], $0x80  }
0x47: {  	[sflag:s13] =	ssyncset.done $0x0  }
0x48: {  	[sflag:s13] =	ssyncadd.s32 $0xFFFFFF80  }
0x49: {  	[spmem:s3] =	stream.indirect.scatter.add.f32 [tilespmem:s30], [sflag:$0x8], $0x80, s31, s24, $0xb8;
	[tilespmem:$0x1C200] =	vst v63  }
0x4a: {  	_ =	swait.ge [sflag:s29], $0x80  }
0x4b: {  	[sflag:s29] =	ssyncset.done $0x0  }
0x4c: {  	[sflag:s29] =	ssyncadd.s32 $0xFFFFFF80  }
0x4d: {  	_ =	swait.ge [sflag:s14], $0x4000  }
0x4e: {  	[sflag:s14] =	ssyncset.done $0x0  }
0x4f: {  	s18 =	simm.s32 $0x200;
	[sflag:s14] =	ssyncadd.s32 $0xFFFFC000  }
0x50: {  	[tilespmem:s30], [sflag:$0x6] =	stream.indirect.gather [hbm4b:s5+s24], $0x80, s26, s24, $0xb8;
	[tilespmem:$0x1C200] =	vst v63  }
0x51: {  	s19 =	sand.u32 $0x7C00, s18;
	s16 =	sadd.s32 s1, s16  }
0x52: {  	[tilespmem:s31], [sflag:$0x4] =	stream.linear.gather [hbm4b:s16+s4], $0x80, $0x38;
	[tilespmem:$0x1C200] =	vst v63  }
0x53: {  	s17 =	sand.u32 $0x300, s18;
	s16 =	sadd.s32 s7, s19  }
0x54: {  	s16 =	sor.u32 s17, s16;
	_ =	swait.ge [sflag:s0], $0x4000  }
0x55: {  	[sflag:s0] =	ssyncset.done $0x0;
	s16 =	sshrl.u32 s16, $0x3  }
0x56: {  	[sflag:s0] =	ssyncadd.s32 $0xFFFFC000;
	s16 =	sadd.s32 s6, s16  }
0x57: {  	[tilespmem:s22], [sflag:$0x1] =	stream.linear.gather [hbm4b:s16+s4], $0x80, $0x38;
	[tilespmem:$0x1C200] =	vst v63  }
0x58: {  	s16 =	simm.s32 $0x300;
	_ =	swait.ge [sflag:s2], $0x80  }
.LBB2_2:
0x59: {  	p0 =	sne.s32 s16, $0x2700  }
0x5a: {  	[sflag:s2] =	ssyncset.done $0x0;
	s17 =	smov.u32 s16;
	s16 =	sadd.s32 $0x100, s16  }
0x5b: {  	[sflag:s2] =	ssyncadd.s32 $0xFFFFFF80  }
0x5c: {  	[spmem:s3] =	stream.indirect.scatter.add.f32 [tilespmem:s25], [sflag:$0x7], $0x80, s28, s24, $0xb8;
	[tilespmem:$0x1C200] =	vst v63  }
0x5d: {  	s10 =	sadd.s32 $0xFFFFFF00, s17;
	_ =	swait.ge [sflag:s23], $0x80  }
0x5e: {  	s18 =	sand.u32 $0x7C00, s10;
	s10 =	sand.u32 $0x300, s10;
	[sflag:s23] =	ssyncset.done $0x0  }
0x5f: {  	s18 =	sadd.s32 s7, s18;
	[sflag:s23] =	ssyncadd.s32 $0xFFFFFF80  }
0x60: {  	s10 =	sor.u32 s10, s18;
	_ =	swait.ge [sflag:s8], $0x4000  }
0x61: {  	s18 =	sadd.s32 $0xFFFFFF80, s17;
	s10 =	sshrl.u32 s10, $0x3;
	[sflag:s8] =	ssyncset.done $0x0  }
0x62: {  	s19 =	sand.u32 $0x7C00, s18;
	s10 =	sadd.s32 s1, s10;
	[sflag:s8] =	ssyncadd.s32 $0xFFFFC000  }
0x63: {  	[tilespmem:s25], [sflag:$0x5] =	stream.indirect.gather [hbm4b:s5+s24], $0x80, s22, s24, $0xb8;
	[tilespmem:$0x1C200] =	vst v63  }
0x64: {  	s18 =	sand.u32 $0x380, s18;
	s19 =	sadd.s32 s7, s19  }
0x65: {  	[tilespmem:s28], [sflag:$0x3] =	stream.linear.gather [hbm4b:s10+s4], $0x80, $0x38;
	[tilespmem:$0x1C200] =	vst v63  }
0x66: {  	s10 =	sor.u32 s18, s19;
	_ =	swait.ge [sflag:s11], $0x4000  }
0x67: {  	s10 =	sshrl.u32 s10, $0x3;
	[sflag:s11] =	ssyncset.done $0x0  }
0x68: {  	s18 =	sadd.s32 s6, s10;
	[sflag:s11] =	ssyncadd.s32 $0xFFFFC000  }
0x69: {  	[tilespmem:s26], [sflag:$0x2] =	stream.linear.gather [hbm4b:s18+s4], $0x80, $0x38;
	[tilespmem:$0x1C200] =	vst v63  }
0x6a: {  	_ =	swait.ge [sflag:s13], $0x80  }
0x6b: {  	[sflag:s13] =	ssyncset.done $0x0  }
0x6c: {  	[sflag:s13] =	ssyncadd.s32 $0xFFFFFF80  }
0x6d: {  	[spmem:s3] =	stream.indirect.scatter.add.f32 [tilespmem:s30], [sflag:$0x8], $0x80, s31, s24, $0xb8;
	[tilespmem:$0x1C200] =	vst v63  }
0x6e: {  	_ =	swait.ge [sflag:s29], $0x80  }
0x6f: {  	[sflag:s29] =	ssyncset.done $0x0  }
0x70: {  	[sflag:s29] =	ssyncadd.s32 $0xFFFFFF80  }
0x71: {  	_ =	swait.ge [sflag:s14], $0x4000  }
0x72: {  	[sflag:s14] =	ssyncset.done $0x0  }
0x73: {  	s10 =	sadd.s32 s1, s10;
	s18 =	sand.u32 $0x7C00, s17;
	[sflag:s14] =	ssyncadd.s32 $0xFFFFC000  }
0x74: {  	[tilespmem:s30], [sflag:$0x6] =	stream.indirect.gather [hbm4b:s5+s24], $0x80, s26, s24, $0xb8;
	[tilespmem:$0x1C200] =	vst v63  }
0x75: {  	s17 =	sand.u32 $0x300, s17;
	s18 =	sadd.s32 s7, s18  }
0x76: {  	[tilespmem:s31], [sflag:$0x4] =	stream.linear.gather [hbm4b:s10+s4], $0x80, $0x38;
	[tilespmem:$0x1C200] =	vst v63  }
.Ltmp0:
0x77: {  	s10 =	sor.u32 s17, s18;
	_ =	swait.ge [sflag:s0], $0x4000;
	(pc) =	sbr.rel @p0 .LBB2_2-.Ltmp0, $4  }
0x78: {  	s10 =	sshrl.u32 s10, $0x3;
	[sflag:s0] =	ssyncset.done $0x0  }
0x79: {  	s10 =	sadd.s32 s6, s10;
	[sflag:s0] =	ssyncadd.s32 $0xFFFFC000  }
0x7a: {  	[tilespmem:s22], [sflag:$0x1] =	stream.linear.gather [hbm4b:s10+s4], $0x80, $0x38;
	[tilespmem:$0x1C200] =	vst v63  }
0x7b: {  	_ =	swait.ge [sflag:s2], $0x80  }
0x7c: {  	[sflag:s2] =	ssyncset.done $0x0  }
0x7d: {  	[sflag:s2] =	ssyncadd.s32 $0xFFFFFF80  }
0x7e: {  	[spmem:s3] =	stream.indirect.scatter.add.f32 [tilespmem:s25], [sflag:$0x7], $0x80, s28, s24, $0xb8;
	[tilespmem:$0x1C200] =	vst v63  }
0x7f: {  	_ =	swait.ge [sflag:s23], $0x80  }
0x80: {  	[sflag:s23] =	ssyncset.done $0x0  }
0x81: {  	[sflag:s23] =	ssyncadd.s32 $0xFFFFFF80  }
0x82: {  	_ =	swait.ge [sflag:s8], $0x4000  }
0x83: {  	[sflag:s8] =	ssyncset.done $0x0  }
0x84: {  	[sflag:s8] =	ssyncadd.s32 $0xFFFFC000  }
0x85: {  	[tilespmem:s25], [sflag:$0x5] =	stream.indirect.gather [hbm4b:s5+s24], $0x80, s22, s24, $0xb8;
	[tilespmem:$0x1C200] =	vst v63  }
0x86: {  	s10 =	rddreg [dreg:$0x9]  }
0x87: {  	[tilespmem:s28], [sflag:$0x3] =	stream.linear.gather [hbm4b:s10+s4], $0x80, $0x38;
	[tilespmem:$0x1C200] =	vst v63  }
0x88: {  	_ =	swait.ge [sflag:s11], $0x4000  }
0x89: {  	[sflag:s11] =	ssyncset.done $0x0  }
0x8a: {  	s16 =	rddreg [dreg:$0xa];
	[sflag:s11] =	ssyncadd.s32 $0xFFFFC000  }
0x8b: {  	[tilespmem:s26], [sflag:$0x2] =	stream.linear.gather [hbm4b:s16+s4], $0x80, $0x38;
	[tilespmem:$0x1C200] =	vst v63  }
0x8c: {  	_ =	swait.ge [sflag:s13], $0x80  }
0x8d: {  	[sflag:s13] =	ssyncset.done $0x0  }
0x8e: {  	[sflag:s13] =	ssyncadd.s32 $0xFFFFFF80  }
0x8f: {  	[spmem:s3] =	stream.indirect.scatter.add.f32 [tilespmem:s30], [sflag:$0x8], $0x80, s31, s24, $0xb8;
	[tilespmem:$0x1C200] =	vst v63  }
0x90: {  	_ =	swait.ge [sflag:s29], $0x80  }
0x91: {  	[sflag:s29] =	ssyncset.done $0x0  }
0x92: {  	[sflag:s29] =	ssyncadd.s32 $0xFFFFFF80  }
0x93: {  	_ =	swait.ge [sflag:s14], $0x4000  }
0x94: {  	[sflag:s14] =	ssyncset.done $0x0  }
0x95: {  	[sflag:s14] =	ssyncadd.s32 $0xFFFFC000  }
0x96: {  	[tilespmem:s30], [sflag:$0x6] =	stream.indirect.gather [hbm4b:s5+s24], $0x80, s26, s24, $0xb8;
	[tilespmem:$0x1C200] =	vst v63  }
0x97: {  	s17 =	rddreg [dreg:$0xb]  }
0x98: {  	[tilespmem:s31], [sflag:$0x4] =	stream.linear.gather [hbm4b:s17+s4], $0x80, $0x38;
	[tilespmem:$0x1C200] =	vst v63  }
0x99: {  	_ =	swait.ge [sflag:s0], $0x4000  }
0x9a: {  	[sflag:s0] =	ssyncset.done $0x0  }
0x9b: {  	[sflag:s0] =	ssyncadd.s32 $0xFFFFC000  }
0x9c: {  	_ =	swait.ge [sflag:s2], $0x80  }
0x9d: {  	[sflag:s2] =	ssyncset.done $0x0  }
0x9e: {  	[sflag:s2] =	ssyncadd.s32 $0xFFFFFF80  }
0x9f: {  	[spmem:s3] =	stream.indirect.scatter.add.f32 [tilespmem:s25], [sflag:$0x7], $0x80, s28, s24, $0xb8;
	[tilespmem:$0x1C200] =	vst v63  }
0xa0: {  	_ =	swait.ge [sflag:s11], $0x4000  }
0xa1: {  	[sflag:s11] =	ssyncset.done $0x0  }
0xa2: {  	[sflag:s11] =	ssyncadd.s32 $0xFFFFC000  }
0xa3: {  	_ =	swait.ge [sflag:s13], $0x80  }
0xa4: {  	[sflag:s13] =	ssyncset.done $0x0  }
0xa5: {  	[sflag:s13] =	ssyncadd.s32 $0xFFFFFF80  }
0xa6: {  	[spmem:s3] =	stream.indirect.scatter.add.f32 [tilespmem:s30], [sflag:$0x8], $0x80, s31, s24, $0xb8;
	[tilespmem:$0x1C200] =	vst v63  }
0xa7: {  	_ =	swait.ge [sflag:s8], $0x4000  }
0xa8: {  	[sflag:s8] =	ssyncset.done $0x0  }
0xa9: {  	[sflag:s8] =	ssyncadd.s32 $0xFFFFC000  }
0xaa: {  	_ =	swait.ge [sflag:s14], $0x4000  }
0xab: {  	[sflag:s14] =	ssyncset.done $0x0  }
0xac: {  	[sflag:s14] =	ssyncadd.s32 $0xFFFFC000  }
0xad: {  	[bflag:$0x0] =	sbarrier.arrive $0xFFFF  }
0xae: {  	s18 =	rddreg [dreg:$0xc]  }
0xaf: {  	[hbm:s18], [sflag:s9] =	dma.local [spmem:s20], $0x2800  }
0xb0: {  	_ =	swait.ge [sflag:s21], $0x2800  }
0xb1: {  	s15 =	sadd.s32 $0x1, s15;
	s19 =	rddreg [dreg:$0xd]  }
0xb2: {  	p0 =	sne.s32 s15, s19  }
.Ltmp1:
0xb3: {  	_ = 	snop;
	(pc) =	sbr.rel @p0 .LBB2_1-.Ltmp1, $3  }
0xb4: {  	_ =	sdelay $0x1  }
0xb5: {  	[sflag:s21] =	ssyncset.done $0x0  }
0xb6: {  	[sflag:s21] =	ssyncadd.s32 $0xFFFFD800  }
0xb7: {  	_ =	sfence.sel $0x180000  }
0xb8: {  	[bflag:$0x0] =	sbarrier.arrive $0xFFFF  }
0xb9: {  	_ =	strace $0x9000004A  }
0xba: {  	s0 =	stileid.u32;
	[bflag:$0x2] =	sbarrier.arrive $0xFFFF  }
0xbb: {  	p0 =	sne.s32 s0, $0x0;
	s0 =	rddreg [dreg:$0x3]  }
0xbc: {  	s0 =	sadd.s32 @!p0 $0x100000, s0  }
0xbd: {  	[sflag:s0] =	ssyncadd.tile.s32 @!p0 $0x1;
	_ =	shalt  }
.Lfunc_end2:
_tile_overlayer_lowered:
.L_overlay_start_2:
0xbe: {  	(tag) =	ssettag $0x2  }
0xbf: {  	s0 =	rddreg [dreg:$0x0];
	s2 =	stileid.u32  }
0xc0: {  	s1 =	rddreg [dreg:$0x1];
	p0 =	sne.s32 s2, $0x0  }
0xc1: {  	s3 =	rddreg [dreg:$0x2];
	[bflag:$0x3] =	sbarrier.arrive $0xFFFF;
	s2 =	simm.s32 @!p0 $0x1C09  }
0xc2: {  	[timem:s3], [sflag:s2] =	dma.local @!p0 [hbm:s0], s1  }
0xc3: {  	s0 =	simm.s32 @!p0 $0x9  }
0xc4: {  	_ =	swait.ge @!p0 [sflag:s0], s1  }
0xc5: {  	s1 =	ssub.s32 @!p0 $0x0, s1;
	[sflag:s0] =	ssyncset.done @!p0 $0x0  }
0xc6: {  	[sflag:s0] =	ssyncadd.s32 @!p0 s1  }
0xc7: {  	[bflag:$0x3] =	sbarrier.arrive $0xFFFF  }
0xc8: {  	_ =	shalt  }

// kernel: kernel.14.cloned.1.call-start
scs
__scs_entry_jumppad:
0x0: {  	(pc) =	sbr.rel $0x88, $3  }
0x1: {  	(tag) =	ssettag $0x0;
	lr =	simm.s32 $0x1  }
0x2: {  	[smem:$0x3F95] =	sst lr;
	_ =	strace $0xD0000000  }
0x3: {  	_ = 	snop  }
0x4: {  	_ = 	snop  }
0x5: {  	_ = 	snop  }
0x6: {  	_ = 	snop  }
0x7: {  	_ = 	snop  }
__scs_overlays_trampoline_lowered:
0x8: {  	[smem:$0x3FA4] =	sst s0  }
0x9: {  	[smem:$0x3FA5] =	sst s1  }
0xa: {  	[smem:$0x3FA6] =	sst s2  }
0xb: {  	[smem:$0x3FA7] =	sst s3  }
0xc: {  	[smem:$0x3FA8] =	sst s4  }
0xd: {  	[smem:$0x3FA9] =	sst s5  }
0xe: {  	[smem:$0x3FAA] =	sst s6  }
0xf: {  	[smem:$0x3FAB] =	sst s7  }
0x10: {  	[smem:$0x3FAC] =	sst s8  }
0x11: {  	[smem:$0x3FAD] =	sst s9;
	s0 =	simm.s32 @!p0 $0x0  }
0x12: {  	s1 =	sld [smem:$0x3F93];
	s0 =	simm.s32 @p0 $0x1  }
0x13: {  	[smem:$0x3FAE] =	sst s0;
	s0 =	simm.s32 @!p1 $0x0  }
0x14: {  	s2 =	sld [smem:$0x3F92];
	s0 =	simm.s32 @p1 $0x1  }
0x15: {  	[smem:$0x3FAF] =	sst s0;
	s0 =	simm.s32 @!p2 $0x0  }
0x16: {  	s3 =	sld [smem:$0x3FDB];
	s0 =	simm.s32 @p2 $0x1  }
0x17: {  	s4 =	simm.s32 $0x1BF5;
	[smem:$0x3FB1] =	sst s0  }
0x18: {  	s0 =	sld [smem:$0x3F94];
	_ =	swait.ge [sflag:s4], $0x0  }
0x19: {  	s7 =	sld [smem:$0x3F95]  }
0x1a: {  	s8 =	sadd.s32 $0xFFFFE003, lr  }
0x1b: {  	s9 =	sadd.s32 $0xFFFFFEF7, lr;
	s5 =	simm.s32 $0xFFFFFFFF;
	p2 =	slt.u32 s8, $0xFFFFF086  }
0x1c: {  	p1 =	slt.u32 s9, $0xF7A;
	s5 =	simm.s32 @!p2 $0x0  }
0x1d: {  	s5 =	simm.s32 @p1 $0x1;
	p0 =	seq.s32 s7, s2  }
0x1e: {  	s7 =	smul.u32 @!p0 $0xF7A, s2;
	p2 =	seq.s32 @!p0 s5, $0x0  }
0x1f: {  	s9 =	smul.u32 $0xF7A, s1;
	s8 =	simm.s32 @!p0 $0x1BF5;
	p2 =	por !p2, p0  }
0x20: {  	[sflag:s8] =	ssyncset.s32 @!p0 $0xFFFFF086;
	s6 =	sadd.s32 @!p0 s3, s7;
	s7 =	simm.s32 @!p0 $0x108  }
0x21: {  	s3 =	sadd.s32 s3, s9;
	s6 =	sadd.s32 @!p0 $0x88, s6;
	s7 =	simm.s32 @p2 $0x1082  }
0x22: {  	[simem:s7], [sflag:s8] =	dma.local @!p0 [hbm:s6], $0xF7A  }
0x23: {  	s9 =	sor.u32 $0xD0000000, s2;
	s6 =	simm.s32 $0x108;
	_ =	swait.ge @!p0 [sflag:s8], $0x0  }
0x24: {  	s3 =	sadd.s32 $0x88, s3;
	s6 =	simm.s32 @!p1 $0x1082;
	[sflag:s4] =	ssyncset.s32 $0xFFFFF086  }
0x25: {  	[simem:s6], [sflag:s4] =	dma.local [hbm:s3], $0xF7A  }
0x26: {  	[smem:$0x3F95] =	sst s1;
	(tag) =	ssettag s2;
	_ =	strace s9  }
0x27: {  	s1 =	sld [smem:$0x3FA5]  }
0x28: {  	s2 =	sld [smem:$0x3FA6]  }
0x29: {  	s4 =	sld [smem:$0x3FA8]  }
0x2a: {  	p0 =	seq.s32 s5, $0x0;
	s5 =	sld [smem:$0x3FA9]  }
0x2b: {  	s6 =	sld [smem:$0x3FAA]  }
0x2c: {  	s7 =	sld [smem:$0x3FAB]  }
0x2d: {  	s3 =	simm.s32 $0x108;
	s8 =	sld [smem:$0x3FAC]  }
0x2e: {  	s3 =	simm.s32 @!p0 $0x1082;
	s9 =	sld [smem:$0x3FAD]  }
0x2f: {  	lr =	sadd.s32 s0, s3;
	s0 =	sld [smem:$0x3FA4]  }
0x30: {  	s3 =	sld [smem:$0x3FA7]  }
0x31: {  	[smem:$0x3FB0] =	sst s10  }
0x32: {  	s10 =	sld [smem:$0x3FAE];
	_ =	sdelay $0x3  }
0x33: {  	p0 =	seq.s32 s10, $0x1;
	s10 =	sld [smem:$0x3FB0];
	_ =	sdelay $0x3  }
0x34: {  	[smem:$0x3FB0] =	sst s10  }
0x35: {  	s10 =	sld [smem:$0x3FAF];
	_ =	sdelay $0x3  }
0x36: {  	p1 =	seq.s32 s10, $0x1;
	s10 =	sld [smem:$0x3FB0];
	_ =	sdelay $0x3  }
0x37: {  	[smem:$0x3FB0] =	sst s10  }
0x38: {  	s10 =	sld [smem:$0x3FB1]  }
0x39: {  	_ = 	snop;
	(pc) =	sbr.ind lr, $3  }
0x3a: {  	_ = 	snop  }
0x3b: {  	_ = 	snop  }
0x3c: {  	p2 =	seq.s32 s10, $0x1;
	s10 =	sld [smem:$0x3FB0]  }
0x3d: {  	_ =	shalt  }
0x3e: {  	_ =	shalt  }
0x3f: {  	_ =	shalt  }
0x40: {  	_ =	shalt  }
0x41: {  	_ =	shalt  }
0x42: {  	_ =	shalt  }
0x43: {  	_ =	shalt  }
0x44: {  	_ =	shalt  }
0x45: {  	_ =	shalt  }
0x46: {  	_ =	shalt  }
0x47: {  	_ =	shalt  }
0x48: {  	_ =	shalt  }
0x49: {  	_ =	shalt  }
0x4a: {  	_ =	shalt  }
0x4b: {  	_ =	shalt  }
0x4c: {  	_ =	shalt  }
0x4d: {  	_ =	shalt  }
0x4e: {  	_ =	shalt  }
0x4f: {  	_ =	shalt  }
0x50: {  	_ =	shalt  }
0x51: {  	_ =	shalt  }
0x52: {  	_ =	shalt  }
0x53: {  	_ =	shalt  }
0x54: {  	_ =	shalt  }
0x55: {  	_ =	shalt  }
0x56: {  	_ =	shalt  }
0x57: {  	_ =	shalt  }
0x58: {  	_ =	shalt  }
0x59: {  	_ =	shalt  }
0x5a: {  	_ =	shalt  }
0x5b: {  	_ =	shalt  }
0x5c: {  	_ =	shalt  }
0x5d: {  	_ =	shalt  }
0x5e: {  	_ =	shalt  }
0x5f: {  	_ =	shalt  }
0x60: {  	_ =	shalt  }
0x61: {  	_ =	shalt  }
0x62: {  	_ =	shalt  }
0x63: {  	_ =	shalt  }
0x64: {  	_ =	shalt  }
0x65: {  	_ =	shalt  }
0x66: {  	_ =	shalt  }
0x67: {  	_ =	shalt  }
0x68: {  	_ =	shalt  }
0x69: {  	_ =	shalt  }
0x6a: {  	_ =	shalt  }
0x6b: {  	_ =	shalt  }
0x6c: {  	_ =	shalt  }
0x6d: {  	_ =	shalt  }
0x6e: {  	_ =	shalt  }
0x6f: {  	_ =	shalt  }
0x70: {  	_ =	shalt  }
0x71: {  	_ =	shalt  }
0x72: {  	_ =	shalt  }
0x73: {  	_ =	shalt  }
0x74: {  	_ =	shalt  }
0x75: {  	_ =	shalt  }
0x76: {  	_ =	shalt  }
0x77: {  	_ =	shalt  }
0x78: {  	_ =	shalt  }
0x79: {  	_ =	shalt  }
0x7a: {  	_ =	shalt  }
0x7b: {  	_ =	shalt  }
0x7c: {  	_ =	shalt  }
0x7d: {  	_ =	shalt  }
0x7e: {  	_ =	shalt  }
0x7f: {  	_ =	shalt  }
0x80: {  	_ =	shalt  }
0x81: {  	_ =	shalt  }
0x82: {  	_ =	shalt  }
0x83: {  	_ =	shalt  }
0x84: {  	_ =	shalt  }
0x85: {  	_ =	shalt  }
0x86: {  	_ =	shalt  }
0x87: {  	_ =	shalt  }
.Lfunc_end0:
.L_simem_size_0:
called_computation.2_lowered:
.L_overlay_start_0:
0x88: {  	s2 =	sld [smem:$0x3FD9]  }
0x89: {  	s3 =	sld [smem:$0x3FFE];
	_ =	sdelay $0x1  }
0x8a: {  	s1 =	srdreg.scid  }
0x8b: {  	s0 =	sand.u32 $0x1, s1  }
0x8c: {  	s17 =	sshll.u32 s0, $0xA;
	s2 =	sadd.s32 s3, s2  }
0x8d: {  	s2 =	sadd.s32 s2, s17  }
0x8e: {  	[smem:$0x3FBC] =	sst s2  }
0x8f: {  	_ = 	snop  }
0x90: {  	s2 =	sld [smem:$0x3FD0];
	(tm) =	ssettm $0x1  }
0x91: {  	s18 =	sld [smem:$0x3FFB];
	_ =	sdelay $0x3  }
0x92: {  	_ =	strace s18  }
0x93: {  	s3 =	sld [smem:$0x3FFC];
	_ =	sdelay $0x3  }
0x94: {  	_ =	strace s3  }
0x95: {  	s3 =	sld [smem:$0x3FFD];
	_ =	sdelay $0x3  }
0x96: {  	_ =	strace s3  }
0x97: {  	_ =	strace $0x8FFFFFFF  }
0x98: {  	s19 =	sld [smem:$0x3FDB];
	_ =	sdelay $0x1  }
0x99: {  	s4 =	simm.s32 $_scs_section_size  }
0x9a: {  	s5 =	simm.s32 $_size__tile_overlayer_lowered;
	s6 =	simm.s32 $_tile_overlayer_lowered  }
0x9b: {  	s22 =	simm.s32 $0x1BFF;
	s21 =	sshll.u32 s6, $0x1;
	s3 =	sadd.s32 s4, s19  }
0x9c: {  	s7 =	simm.s32 $0x0;
	s20 =	sshll.u32 s5, $0x1;
	s5 =	sadd.s32 s21, s3  }
0x9d: {  	[timem:s7], [sflag:s22] =	dma.local [hbm:s5], s20  }
0x9e: {  	_ =	swait.ge [sflag:s22], s20  }
0x9f: {  	s4 =	ssub.s32 $0x0, s20;
	[sflag:s22] =	ssyncset.done $0x0  }
0xa0: {  	[sflag:s22] =	ssyncadd.s32 s4;
	_ =	sdelay $0x1  }
0xa1: {  	s23 =	simm.s32 $0x1B8B  }
0xa2: {  	_ =	swait.ge [sflag:s23], $0x1  }
0xa3: {  	[sflag:s23] =	ssyncset.done $0x0  }
0xa4: {  	s25 =	simm.s32 $0x1B8E;
	s24 =	sld [smem:$0x3FFE];
	[sflag:s23] =	ssyncadd.s32 $0xFFFFFFFF  }
0xa5: {  	s26 =	simm.s32 $execute0_lowered;
	[smem:$0x3FD2] =	sst s25  }
0xa6: {  	s5 =	sshll.u32 s26, $0x1;
	_ =	strace $0x8000004C;
	[dreg:$0x1] =	wrdreg $0xFFFFFFFF  }
0xa7: {  	s28 =	simm.s32 $_size_execute0_lowered;
	s3 =	sadd.s32 s3, s5;
	[dreg:$0x0] =	wrdreg $0x0  }
0xa8: {  	s5 =	sshll.u32 s28, $0x1;
	[dreg:$0x2] =	wrdreg s3  }
0xa9: {  	[dreg:$0x3] =	wrdreg s5  }
0xaa: {  	[dreg:$0x4] =	wrdreg $0xC0  }
0xab: {  	_ =	task [dreg:s7], $0x5FFFF  }
0xac: {  	[dreg:$0x1] =	wrdreg $0xFFFFFFFF  }
0xad: {  	[dreg:$0x0] =	wrdreg $0x60  }
0xae: {  	[dreg:$0x2] =	wrdreg s24  }
0xaf: {  	[dreg:$0x3] =	wrdreg s2  }
0xb0: {  	[dreg:$0x4] =	wrdreg $0x0  }
0xb1: {  	[dreg:$0x5] =	wrdreg $0x9  }
0xb2: {  	_ =	task.clear_ibuf [dreg:s7], $0x6FFFF;
	_ =	strace $0x9000004C  }
0xb3: {  	s29 =	simm.s32 $0x9;
	_ =	strace $0x8000004E  }
0xb4: {  	_ =	swait.ge [sflag:s29], $0x1  }
0xb5: {  	[sflag:s29] =	ssyncadd.s32 $0xFFFFFFFF  }
0xb6: {  	_ =	strace $0x9000004E  }
0xb7: {  	_ =	sfence  }
0xb8: {  	s30 =	sld [smem:$0x0];
	_ =	sdelay $0x2  }
0xb9: {  	s31 =	sshll.u32 s1, $0xD;
	s1 =	sshrl.u32 s1, $0x2  }
0xba: {  	s3 =	sand.u32 $0x4000, s31;
	s1 =	sadd.s32 s1, s30  }
0xbb: {  	s0 =	sor.u32 s3, s0;
	s1 =	sshll.u32 s1, $0x11  }
0xbc: {  	s0 =	sor.u32 s1, s0  }
0xbd: {  	s0 =	sadd.s32 $0x8F2B, s0  }
0xbe: {  	[sflag:s0] =	ssyncadd.remote.s32 $0x1  }
0xbf: {  	_ =	sfence.sel $0xFFFF  }
0xc0: {  	[dreg:$0x0] =	wrdreg $0xFFFFFFFF;
	(pc) =	sbr.abs _section_cstart, $3  }
0xc1: {  	[dreg:$0x1] =	wrdreg $0xFFFFFFFF  }
0xc2: {  	_ =	task.clear_ibuf [dreg:s7], $0x2FFFF;
	_ =	strace $0x9FFFFFFF  }
0xc3: {  	(tm) =	ssettm $0x7FFFFFFF  }
tec
execute0_lowered:
.L_overlay_start_1:
0x0: {  	(tag) =	ssettag $0x1  }
0x1: {  	s0 =	rddreg [dreg:$0x0]  }
0x2: {  	s1 =	rddreg [dreg:$0x1]  }
0x3: {  	s3 =	rddreg [dreg:$0x2];
	s4 =	simm.s32 $0x0;
	s12 =	stileid.u32  }
0x4: {  	s5 =	srdreg.scid;
	s28 =	simm.s32 $0x14100;
	s29 =	simm.s32 $0x2  }
0x5: {  	s30 =	simm.s32 $0x18200;
	s31 =	simm.s32 $0x14180;
	s15 =	simm.s32 $0x0  }
0x6: {  	[smem:$0x7FF] =	sst s4;
	s2 =	smul.u32 $0x14000, s12;
	s7 =	sand.u32 $0x1, s5  }
0x7: {  	s5 =	sadd.s32 $0x2BC00, s0;
	s6 =	sadd.s32 $0x7C400, s0;
	s16 =	smul.u32 $0x50000, s12  }
0x8: {  	s19 =	sshll.u32 s12, $0x6;
	_ =	strace $0x8000004D;
	s9 =	smul.u32 $0x140000, s7  }
0x9: {  	s10 =	sshll.u32 s7, $0x4;
	s11 =	ssub.s32 $0x2, s7;
	s8 =	sshrl.u32 s2, $0x3  }
0xa: {  	s10 =	sor.u32 s12, s10;
	s17 =	sshrl.u32 s11, $0x1;
	s8 =	sadd.s32 s8, s0  }
0xb: {  	s2 =	sadd.s32 s2, s9;
	s7 =	smul.u32 $0x2800, s10;
	s9 =	sshrl.u32 s16, $0x2  }
0xc: {  	s2 =	sshrl.u32 s2, $0x3;
	s18 =	sadd.s32 s9, s3;
	s8 =	sadd.s32 $0x3C00, s8  }
0xd: {  	s9 =	sor.u32 $0x1C09, s19;
	s0 =	sadd.s32 s2, s0;
	s2 =	ssub.s32 s11, s17  }
0xe: {  	s13 =	sshrl.u32 s7, $0x3;
	[dreg:$0x4] =	wrdreg s8;
	s11 =	simm.s32 $0x6  }
0xf: {  	s14 =	sor.u32 $0x10, s13;
	s20 =	sadd.s32 s6, s13;
	s12 =	sadd.s32 s1, s13  }
0x10: {  	s23 =	sadd.s32 $0x4F0, s13;
	s0 =	sadd.s32 $0x86400, s0;
	[dreg:$0x5] =	wrdreg s20  }
0x11: {  	s26 =	smax.u32 s2, $0x1;
	s2 =	simm.s32 $0x3;
	[dreg:$0xc] =	wrdreg s0  }
0x12: {  	s13 =	simm.s32 $0x4;
	s21 =	sadd.s32 s6, s14;
	[dreg:$0xd] =	wrdreg s26  }
0x13: {  	s22 =	sadd.s32 s1, s14;
	s10 =	sadd.s32 $0x20, s20;
	[dreg:$0x6] =	wrdreg s21  }
0x14: {  	s24 =	sadd.s32 $0x4E0, s12;
	s25 =	sadd.s32 s6, s23;
	[dreg:$0x7] =	wrdreg s22  }
0x15: {  	s8 =	sadd.s32 s1, s23;
	s20 =	sshrl.u32 s18, $0x3;
	[dreg:$0x8] =	wrdreg s10  }
0x16: {  	s23 =	simm.s32 $0x1;
	s26 =	simm.s32 $0x14080;
	[dreg:$0x9] =	wrdreg s24  }
0x17: {  	s0 =	simm.s32 $0x5;
	s14 =	simm.s32 $0x8;
	[dreg:$0xa] =	wrdreg s25  }
0x18: {  	[dreg:$0xb] =	wrdreg s8;
	s21 =	simm.s32 $0x9;
	s22 =	simm.s32 $0x14000  }
0x19: {  	s24 =	simm.s32 $0x80;
	s25 =	simm.s32 $0x14200;
	s8 =	simm.s32 $0x7  }
.LBB2_1:
0x1a: {  	s10 =	rddreg [dreg:$0x4]  }
0x1b: {  	[spmem:s20], [sflag:s9] =	dma.local [hbm:s10], $0x2800  }
0x1c: {  	_ =	swait.ge [sflag:s21], $0x2800  }
0x1d: {  	[sflag:s21] =	ssyncset.done $0x0  }
0x1e: {  	[sflag:s21] =	ssyncadd.s32 $0xFFFFD800  }
0x1f: {  	[bflag:$0x0] =	sbarrier.arrive $0xFFFF  }
0x20: {  	s18 =	rddreg [dreg:$0x5]  }
0x21: {  	[tilespmem:s22], [sflag:$0x1] =	stream.linear.gather [hbm4b:s18+s4], $0x80, $0x38;
	[tilespmem:$0x1C200] =	vst v63  }
0x22: {  	_ =	swait.ge [sflag:s23], $0x80  }
0x23: {  	[sflag:s23] =	ssyncset.done $0x0  }
0x24: {  	[sflag:s23] =	ssyncadd.s32 $0xFFFFFF80  }
0x25: {  	[tilespmem:s25], [sflag:$0x5] =	stream.indirect.gather [hbm4b:s5+s24], $0x80, s22, s24, $0xb8;
	[tilespmem:$0x1C200] =	vst v63  }
0x26: {  	s19 =	rddreg [dreg:$0x6]  }
0x27: {  	[tilespmem:s26], [sflag:$0x2] =	stream.linear.gather [hbm4b:s19+s4], $0x80, $0x38;
	[tilespmem:$0x1C200] =	vst v63  }
0x28: {  	_ = 	snop  }
0x29: {  	[tilespmem:s28], [sflag:$0x3] =	stream.linear.gather [hbm4b:s12+s4], $0x80, $0x38;
	[tilespmem:$0x1C200] =	vst v63  }
0x2a: {  	_ =	swait.ge [sflag:s29], $0x80  }
0x2b: {  	[sflag:s29] =	ssyncset.done $0x0  }
0x2c: {  	[sflag:s29] =	ssyncadd.s32 $0xFFFFFF80  }
0x2d: {  	[tilespmem:s30], [sflag:$0x6] =	stream.indirect.gather [hbm4b:s5+s24], $0x80, s26, s24, $0xb8;
	[tilespmem:$0x1C200] =	vst v63  }
0x2e: {  	s16 =	rddreg [dreg:$0x7]  }
0x2f: {  	[tilespmem:s31], [sflag:$0x4] =	stream.linear.gather [hbm4b:s16+s4], $0x80, $0x38;
	[tilespmem:$0x1C200] =	vst v63  }
0x30: {  	_ =	swait.ge [sflag:s0], $0x4000  }
0x31: {  	[sflag:s0] =	ssyncset.done $0x0  }
0x32: {  	s17 =	rddreg [dreg:$0x8];
	[sflag:s0] =	ssyncadd.s32 $0xFFFFC000  }
0x33: {  	[tilespmem:s22], [sflag:$0x1] =	stream.linear.gather [hbm4b:s17+s4], $0x80, $0x38;
	[tilespmem:$0x1C200] =	vst v63  }
0x34: {  	_ =	swait.ge [sflag:s2], $0x80  }
0x35: {  	[sflag:s2] =	ssyncset.done $0x0  }
0x36: {  	[sflag:s2] =	ssyncadd.s32 $0xFFFFFF80  }
0x37: {  	[spmem:s3] =	stream.indirect.scatter.add.f32 [tilespmem:s25], [sflag:$0x7], $0x80, s28, s24, $0xb8;
	[tilespmem:$0x1C200] =	vst v63  }
0x38: {  	_ =	swait.ge [sflag:s23], $0x80  }
0x39: {  	s16 =	simm.s32 $0x100;
	[sflag:s23] =	ssyncset.done $0x0  }
0x3a: {  	s17 =	sand.u32 $0x7C00, s16;
	[sflag:s23] =	ssyncadd.s32 $0xFFFFFF80  }
0x3b: {  	s16 =	sand.u32 $0x300, s16;
	s17 =	sadd.s32 s7, s17;
	_ =	swait.ge [sflag:s8], $0x4000  }
0x3c: {  	s16 =	sor.u32 s16, s17;
	[sflag:s8] =	ssyncset.done $0x0  }
0x3d: {  	s18 =	simm.s32 $0x180;
	s16 =	sshrl.u32 s16, $0x3;
	[sflag:s8] =	ssyncadd.s32 $0xFFFFC000  }
0x3e: {  	[tilespmem:s25], [sflag:$0x5] =	stream.indirect.gather [hbm4b:s5+s24], $0x80, s22, s24, $0xb8;
	[tilespmem:$0x1C200] =	vst v63  }
0x3f: {  	s19 =	sand.u32 $0x7C00, s18;
	s16 =	sadd.s32 s1, s16  }
0x40: {  	[tilespmem:s28], [sflag:$0x3] =	stream.linear.gather [hbm4b:s16+s4], $0x80, $0x38;
	[tilespmem:$0x1C200] =	vst v63  }
0x41: {  	s17 =	sand.u32 $0x380, s18;
	s16 =	sadd.s32 s7, s19  }
0x42: {  	_ =	swait.ge [sflag:s11], $0x4000;
	s16 =	sor.u32 s17, s16  }
0x43: {  	[sflag:s11] =	ssyncset.done $0x0;
	s16 =	sshrl.u32 s16, $0x3  }
0x44: {  	[sflag:s11] =	ssyncadd.s32 $0xFFFFC000;
	s10 =	sadd.s32 s6, s16  }
0x45: {  	[tilespmem:s26], [sflag:$0x2] =	stream.linear.gather [hbm4b:s10+s4], $0x80, $0x38;
	[tilespmem:$0x1C200] =	vst v63  }
0x46: {  	_ =	swait.ge [sflag:s13], $0x80  }
0x47: {  	[sflag:s13] =	ssyncset.done $0x0  }
0x48: {  	[sflag:s13] =	ssyncadd.s32 $0xFFFFFF80  }
0x49: {  	[spmem:s3] =	stream.indirect.scatter.add.f32 [tilespmem:s30], [sflag:$0x8], $0x80, s31, s24, $0xb8;
	[tilespmem:$0x1C200] =	vst v63  }
0x4a: {  	_ =	swait.ge [sflag:s29], $0x80  }
0x4b: {  	[sflag:s29] =	ssyncset.done $0x0  }
0x4c: {  	[sflag:s29] =	ssyncadd.s32 $0xFFFFFF80  }
0x4d: {  	_ =	swait.ge [sflag:s14], $0x4000  }
0x4e: {  	[sflag:s14] =	ssyncset.done $0x0  }
0x4f: {  	s18 =	simm.s32 $0x200;
	[sflag:s14] =	ssyncadd.s32 $0xFFFFC000  }
0x50: {  	[tilespmem:s30], [sflag:$0x6] =	stream.indirect.gather [hbm4b:s5+s24], $0x80, s26, s24, $0xb8;
	[tilespmem:$0x1C200] =	vst v63  }
0x51: {  	s19 =	sand.u32 $0x7C00, s18;
	s16 =	sadd.s32 s1, s16  }
0x52: {  	[tilespmem:s31], [sflag:$0x4] =	stream.linear.gather [hbm4b:s16+s4], $0x80, $0x38;
	[tilespmem:$0x1C200] =	vst v63  }
0x53: {  	s17 =	sand.u32 $0x300, s18;
	s16 =	sadd.s32 s7, s19  }
0x54: {  	s16 =	sor.u32 s17, s16;
	_ =	swait.ge [sflag:s0], $0x4000  }
0x55: {  	[sflag:s0] =	ssyncset.done $0x0;
	s16 =	sshrl.u32 s16, $0x3  }
0x56: {  	[sflag:s0] =	ssyncadd.s32 $0xFFFFC000;
	s16 =	sadd.s32 s6, s16  }
0x57: {  	[tilespmem:s22], [sflag:$0x1] =	stream.linear.gather [hbm4b:s16+s4], $0x80, $0x38;
	[tilespmem:$0x1C200] =	vst v63  }
0x58: {  	s16 =	simm.s32 $0x300;
	_ =	swait.ge [sflag:s2], $0x80  }
.LBB2_2:
0x59: {  	p0 =	sne.s32 s16, $0x2700  }
0x5a: {  	[sflag:s2] =	ssyncset.done $0x0;
	s17 =	smov.u32 s16;
	s16 =	sadd.s32 $0x100, s16  }
0x5b: {  	[sflag:s2] =	ssyncadd.s32 $0xFFFFFF80  }
0x5c: {  	[spmem:s3] =	stream.indirect.scatter.add.f32 [tilespmem:s25], [sflag:$0x7], $0x80, s28, s24, $0xb8;
	[tilespmem:$0x1C200] =	vst v63  }
0x5d: {  	s10 =	sadd.s32 $0xFFFFFF00, s17;
	_ =	swait.ge [sflag:s23], $0x80  }
0x5e: {  	s18 =	sand.u32 $0x7C00, s10;
	s10 =	sand.u32 $0x300, s10;
	[sflag:s23] =	ssyncset.done $0x0  }
0x5f: {  	s18 =	sadd.s32 s7, s18;
	[sflag:s23] =	ssyncadd.s32 $0xFFFFFF80  }
0x60: {  	s10 =	sor.u32 s10, s18;
	_ =	swait.ge [sflag:s8], $0x4000  }
0x61: {  	s18 =	sadd.s32 $0xFFFFFF80, s17;
	s10 =	sshrl.u32 s10, $0x3;
	[sflag:s8] =	ssyncset.done $0x0  }
0x62: {  	s19 =	sand.u32 $0x7C00, s18;
	s10 =	sadd.s32 s1, s10;
	[sflag:s8] =	ssyncadd.s32 $0xFFFFC000  }
0x63: {  	[tilespmem:s25], [sflag:$0x5] =	stream.indirect.gather [hbm4b:s5+s24], $0x80, s22, s24, $0xb8;
	[tilespmem:$0x1C200] =	vst v63  }
0x64: {  	s18 =	sand.u32 $0x380, s18;
	s19 =	sadd.s32 s7, s19  }
0x65: {  	[tilespmem:s28], [sflag:$0x3] =	stream.linear.gather [hbm4b:s10+s4], $0x80, $0x38;
	[tilespmem:$0x1C200] =	vst v63  }
0x66: {  	s10 =	sor.u32 s18, s19;
	_ =	swait.ge [sflag:s11], $0x4000  }
0x67: {  	s10 =	sshrl.u32 s10, $0x3;
	[sflag:s11] =	ssyncset.done $0x0  }
0x68: {  	s18 =	sadd.s32 s6, s10;
	[sflag:s11] =	ssyncadd.s32 $0xFFFFC000  }
0x69: {  	[tilespmem:s26], [sflag:$0x2] =	stream.linear.gather [hbm4b:s18+s4], $0x80, $0x38;
	[tilespmem:$0x1C200] =	vst v63  }
0x6a: {  	_ =	swait.ge [sflag:s13], $0x80  }
0x6b: {  	[sflag:s13] =	ssyncset.done $0x0  }
0x6c: {  	[sflag:s13] =	ssyncadd.s32 $0xFFFFFF80  }
0x6d: {  	[spmem:s3] =	stream.indirect.scatter.add.f32 [tilespmem:s30], [sflag:$0x8], $0x80, s31, s24, $0xb8;
	[tilespmem:$0x1C200] =	vst v63  }
0x6e: {  	_ =	swait.ge [sflag:s29], $0x80  }
0x6f: {  	[sflag:s29] =	ssyncset.done $0x0  }
0x70: {  	[sflag:s29] =	ssyncadd.s32 $0xFFFFFF80  }
0x71: {  	_ =	swait.ge [sflag:s14], $0x4000  }
0x72: {  	[sflag:s14] =	ssyncset.done $0x0  }
0x73: {  	s10 =	sadd.s32 s1, s10;
	s18 =	sand.u32 $0x7C00, s17;
	[sflag:s14] =	ssyncadd.s32 $0xFFFFC000  }
0x74: {  	[tilespmem:s30], [sflag:$0x6] =	stream.indirect.gather [hbm4b:s5+s24], $0x80, s26, s24, $0xb8;
	[tilespmem:$0x1C200] =	vst v63  }
0x75: {  	s17 =	sand.u32 $0x300, s17;
	s18 =	sadd.s32 s7, s18  }
0x76: {  	[tilespmem:s31], [sflag:$0x4] =	stream.linear.gather [hbm4b:s10+s4], $0x80, $0x38;
	[tilespmem:$0x1C200] =	vst v63  }
.Ltmp0:
0x77: {  	s10 =	sor.u32 s17, s18;
	_ =	swait.ge [sflag:s0], $0x4000;
	(pc) =	sbr.rel @p0 .LBB2_2-.Ltmp0, $4  }
0x78: {  	s10 =	sshrl.u32 s10, $0x3;
	[sflag:s0] =	ssyncset.done $0x0  }
0x79: {  	s10 =	sadd.s32 s6, s10;
	[sflag:s0] =	ssyncadd.s32 $0xFFFFC000  }
0x7a: {  	[tilespmem:s22], [sflag:$0x1] =	stream.linear.gather [hbm4b:s10+s4], $0x80, $0x38;
	[tilespmem:$0x1C200] =	vst v63  }
0x7b: {  	_ =	swait.ge [sflag:s2], $0x80  }
0x7c: {  	[sflag:s2] =	ssyncset.done $0x0  }
0x7d: {  	[sflag:s2] =	ssyncadd.s32 $0xFFFFFF80  }
0x7e: {  	[spmem:s3] =	stream.indirect.scatter.add.f32 [tilespmem:s25], [sflag:$0x7], $0x80, s28, s24, $0xb8;
	[tilespmem:$0x1C200] =	vst v63  }
0x7f: {  	_ =	swait.ge [sflag:s23], $0x80  }
0x80: {  	[sflag:s23] =	ssyncset.done $0x0  }
0x81: {  	[sflag:s23] =	ssyncadd.s32 $0xFFFFFF80  }
0x82: {  	_ =	swait.ge [sflag:s8], $0x4000  }
0x83: {  	[sflag:s8] =	ssyncset.done $0x0  }
0x84: {  	[sflag:s8] =	ssyncadd.s32 $0xFFFFC000  }
0x85: {  	[tilespmem:s25], [sflag:$0x5] =	stream.indirect.gather [hbm4b:s5+s24], $0x80, s22, s24, $0xb8;
	[tilespmem:$0x1C200] =	vst v63  }
0x86: {  	s10 =	rddreg [dreg:$0x9]  }
0x87: {  	[tilespmem:s28], [sflag:$0x3] =	stream.linear.gather [hbm4b:s10+s4], $0x80, $0x38;
	[tilespmem:$0x1C200] =	vst v63  }
0x88: {  	_ =	swait.ge [sflag:s11], $0x4000  }
0x89: {  	[sflag:s11] =	ssyncset.done $0x0  }
0x8a: {  	s16 =	rddreg [dreg:$0xa];
	[sflag:s11] =	ssyncadd.s32 $0xFFFFC000  }
0x8b: {  	[tilespmem:s26], [sflag:$0x2] =	stream.linear.gather [hbm4b:s16+s4], $0x80, $0x38;
	[tilespmem:$0x1C200] =	vst v63  }
0x8c: {  	_ =	swait.ge [sflag:s13], $0x80  }
0x8d: {  	[sflag:s13] =	ssyncset.done $0x0  }
0x8e: {  	[sflag:s13] =	ssyncadd.s32 $0xFFFFFF80  }
0x8f: {  	[spmem:s3] =	stream.indirect.scatter.add.f32 [tilespmem:s30], [sflag:$0x8], $0x80, s31, s24, $0xb8;
	[tilespmem:$0x1C200] =	vst v63  }
0x90: {  	_ =	swait.ge [sflag:s29], $0x80  }
0x91: {  	[sflag:s29] =	ssyncset.done $0x0  }
0x92: {  	[sflag:s29] =	ssyncadd.s32 $0xFFFFFF80  }
0x93: {  	_ =	swait.ge [sflag:s14], $0x4000  }
0x94: {  	[sflag:s14] =	ssyncset.done $0x0  }
0x95: {  	[sflag:s14] =	ssyncadd.s32 $0xFFFFC000  }
0x96: {  	[tilespmem:s30], [sflag:$0x6] =	stream.indirect.gather [hbm4b:s5+s24], $0x80, s26, s24, $0xb8;
	[tilespmem:$0x1C200] =	vst v63  }
0x97: {  	s17 =	rddreg [dreg:$0xb]  }
0x98: {  	[tilespmem:s31], [sflag:$0x4] =	stream.linear.gather [hbm4b:s17+s4], $0x80, $0x38;
	[tilespmem:$0x1C200] =	vst v63  }
0x99: {  	_ =	swait.ge [sflag:s0], $0x4000  }
0x9a: {  	[sflag:s0] =	ssyncset.done $0x0  }
0x9b: {  	[sflag:s0] =	ssyncadd.s32 $0xFFFFC000  }
0x9c: {  	_ =	swait.ge [sflag:s2], $0x80  }
0x9d: {  	[sflag:s2] =	ssyncset.done $0x0  }
0x9e: {  	[sflag:s2] =	ssyncadd.s32 $0xFFFFFF80  }
0x9f: {  	[spmem:s3] =	stream.indirect.scatter.add.f32 [tilespmem:s25], [sflag:$0x7], $0x80, s28, s24, $0xb8;
	[tilespmem:$0x1C200] =	vst v63  }
0xa0: {  	_ =	swait.ge [sflag:s11], $0x4000  }
0xa1: {  	[sflag:s11] =	ssyncset.done $0x0  }
0xa2: {  	[sflag:s11] =	ssyncadd.s32 $0xFFFFC000  }
0xa3: {  	_ =	swait.ge [sflag:s13], $0x80  }
0xa4: {  	[sflag:s13] =	ssyncset.done $0x0  }
0xa5: {  	[sflag:s13] =	ssyncadd.s32 $0xFFFFFF80  }
0xa6: {  	[spmem:s3] =	stream.indirect.scatter.add.f32 [tilespmem:s30], [sflag:$0x8], $0x80, s31, s24, $0xb8;
	[tilespmem:$0x1C200] =	vst v63  }
0xa7: {  	_ =	swait.ge [sflag:s8], $0x4000  }
0xa8: {  	[sflag:s8] =	ssyncset.done $0x0  }
0xa9: {  	[sflag:s8] =	ssyncadd.s32 $0xFFFFC000  }
0xaa: {  	_ =	swait.ge [sflag:s14], $0x4000  }
0xab: {  	[sflag:s14] =	ssyncset.done $0x0  }
0xac: {  	[sflag:s14] =	ssyncadd.s32 $0xFFFFC000  }
0xad: {  	[bflag:$0x0] =	sbarrier.arrive $0xFFFF  }
0xae: {  	s18 =	rddreg [dreg:$0xc]  }
0xaf: {  	[hbm:s18], [sflag:s9] =	dma.local [spmem:s20], $0x2800  }
0xb0: {  	_ =	swait.ge [sflag:s21], $0x2800  }
0xb1: {  	s15 =	sadd.s32 $0x1, s15;
	s19 =	rddreg [dreg:$0xd]  }
0xb2: {  	p0 =	sne.s32 s15, s19  }
.Ltmp1:
0xb3: {  	_ = 	snop;
	(pc) =	sbr.rel @p0 .LBB2_1-.Ltmp1, $3  }
0xb4: {  	_ =	sdelay $0x1  }
0xb5: {  	[sflag:s21] =	ssyncset.done $0x0  }
0xb6: {  	[sflag:s21] =	ssyncadd.s32 $0xFFFFD800  }
0xb7: {  	_ =	sfence.sel $0x180000  }
0xb8: {  	[bflag:$0x0] =	sbarrier.arrive $0xFFFF  }
0xb9: {  	_ =	strace $0x9000004D  }
0xba: {  	s0 =	stileid.u32;
	[bflag:$0x2] =	sbarrier.arrive $0xFFFF  }
0xbb: {  	p0 =	sne.s32 s0, $0x0;
	s0 =	rddreg [dreg:$0x3]  }
0xbc: {  	s0 =	sadd.s32 @!p0 $0x100000, s0  }
0xbd: {  	[sflag:s0] =	ssyncadd.tile.s32 @!p0 $0x1;
	_ =	shalt  }
.Lfunc_end2:
_tile_overlayer_lowered:
.L_overlay_start_2:
0xbe: {  	(tag) =	ssettag $0x2  }
0xbf: {  	s0 =	rddreg [dreg:$0x0];
	s2 =	stileid.u32  }
0xc0: {  	s1 =	rddreg [dreg:$0x1];
	p0 =	sne.s32 s2, $0x0  }
0xc1: {  	s3 =	rddreg [dreg:$0x2];
	[bflag:$0x3] =	sbarrier.arrive $0xFFFF;
	s2 =	simm.s32 @!p0 $0x1C09  }
0xc2: {  	[timem:s3], [sflag:s2] =	dma.local @!p0 [hbm:s0], s1  }
0xc3: {  	s0 =	simm.s32 @!p0 $0x9  }
0xc4: {  	_ =	swait.ge @!p0 [sflag:s0], s1  }
0xc5: {  	s1 =	ssub.s32 @!p0 $0x0, s1;
	[sflag:s0] =	ssyncset.done @!p0 $0x0  }
0xc6: {  	[sflag:s0] =	ssyncadd.s32 @!p0 s1  }
0xc7: {  	[bflag:$0x3] =	sbarrier.arrive $0xFFFF  }
0xc8: {  	_ =	shalt  }

// kernel: kernel.8.cloned.1.call-start
scs
__scs_entry_jumppad:
0x0: {  	(pc) =	sbr.rel $0x88, $3  }
0x1: {  	(tag) =	ssettag $0x0;
	lr =	simm.s32 $0x1  }
0x2: {  	[smem:$0x3F95] =	sst lr;
	_ =	strace $0xD0000000  }
0x3: {  	_ = 	snop  }
0x4: {  	_ = 	snop  }
0x5: {  	_ = 	snop  }
0x6: {  	_ = 	snop  }
0x7: {  	_ = 	snop  }
__scs_overlays_trampoline_lowered:
0x8: {  	[smem:$0x3FA4] =	sst s0  }
0x9: {  	[smem:$0x3FA5] =	sst s1  }
0xa: {  	[smem:$0x3FA6] =	sst s2  }
0xb: {  	[smem:$0x3FA7] =	sst s3  }
0xc: {  	[smem:$0x3FA8] =	sst s4  }
0xd: {  	[smem:$0x3FA9] =	sst s5  }
0xe: {  	[smem:$0x3FAA] =	sst s6  }
0xf: {  	[smem:$0x3FAB] =	sst s7  }
0x10: {  	[smem:$0x3FAC] =	sst s8  }
0x11: {  	[smem:$0x3FAD] =	sst s9;
	s0 =	simm.s32 @!p0 $0x0  }
0x12: {  	s1 =	sld [smem:$0x3F93];
	s0 =	simm.s32 @p0 $0x1  }
0x13: {  	[smem:$0x3FAE] =	sst s0;
	s0 =	simm.s32 @!p1 $0x0  }
0x14: {  	s2 =	sld [smem:$0x3F92];
	s0 =	simm.s32 @p1 $0x1  }
0x15: {  	[smem:$0x3FAF] =	sst s0;
	s0 =	simm.s32 @!p2 $0x0  }
0x16: {  	s3 =	sld [smem:$0x3FDB];
	s0 =	simm.s32 @p2 $0x1  }
0x17: {  	s4 =	simm.s32 $0x1BF5;
	[smem:$0x3FB1] =	sst s0  }
0x18: {  	s0 =	sld [smem:$0x3F94];
	_ =	swait.ge [sflag:s4], $0x0  }
0x19: {  	s7 =	sld [smem:$0x3F95]  }
0x1a: {  	s8 =	sadd.s32 $0xFFFFE003, lr  }
0x1b: {  	s9 =	sadd.s32 $0xFFFFFEF7, lr;
	s5 =	simm.s32 $0xFFFFFFFF;
	p2 =	slt.u32 s8, $0xFFFFF086  }
0x1c: {  	p1 =	slt.u32 s9, $0xF7A;
	s5 =	simm.s32 @!p2 $0x0  }
0x1d: {  	s5 =	simm.s32 @p1 $0x1;
	p0 =	seq.s32 s7, s2  }
0x1e: {  	s7 =	smul.u32 @!p0 $0xF7A, s2;
	p2 =	seq.s32 @!p0 s5, $0x0  }
0x1f: {  	s9 =	smul.u32 $0xF7A, s1;
	s8 =	simm.s32 @!p0 $0x1BF5;
	p2 =	por !p2, p0  }
0x20: {  	[sflag:s8] =	ssyncset.s32 @!p0 $0xFFFFF086;
	s6 =	sadd.s32 @!p0 s3, s7;
	s7 =	simm.s32 @!p0 $0x108  }
0x21: {  	s3 =	sadd.s32 s3, s9;
	s6 =	sadd.s32 @!p0 $0x88, s6;
	s7 =	simm.s32 @p2 $0x1082  }
0x22: {  	[simem:s7], [sflag:s8] =	dma.local @!p0 [hbm:s6], $0xF7A  }
0x23: {  	s9 =	sor.u32 $0xD0000000, s2;
	s6 =	simm.s32 $0x108;
	_ =	swait.ge @!p0 [sflag:s8], $0x0  }
0x24: {  	s3 =	sadd.s32 $0x88, s3;
	s6 =	simm.s32 @!p1 $0x1082;
	[sflag:s4] =	ssyncset.s32 $0xFFFFF086  }
0x25: {  	[simem:s6], [sflag:s4] =	dma.local [hbm:s3], $0xF7A  }
0x26: {  	[smem:$0x3F95] =	sst s1;
	(tag) =	ssettag s2;
	_ =	strace s9  }
0x27: {  	s1 =	sld [smem:$0x3FA5]  }
0x28: {  	s2 =	sld [smem:$0x3FA6]  }
0x29: {  	s4 =	sld [smem:$0x3FA8]  }
0x2a: {  	p0 =	seq.s32 s5, $0x0;
	s5 =	sld [smem:$0x3FA9]  }
0x2b: {  	s6 =	sld [smem:$0x3FAA]  }
0x2c: {  	s7 =	sld [smem:$0x3FAB]  }
0x2d: {  	s3 =	simm.s32 $0x108;
	s8 =	sld [smem:$0x3FAC]  }
0x2e: {  	s3 =	simm.s32 @!p0 $0x1082;
	s9 =	sld [smem:$0x3FAD]  }
0x2f: {  	lr =	sadd.s32 s0, s3;
	s0 =	sld [smem:$0x3FA4]  }
0x30: {  	s3 =	sld [smem:$0x3FA7]  }
0x31: {  	[smem:$0x3FB0] =	sst s10  }
0x32: {  	s10 =	sld [smem:$0x3FAE];
	_ =	sdelay $0x3  }
0x33: {  	p0 =	seq.s32 s10, $0x1;
	s10 =	sld [smem:$0x3FB0];
	_ =	sdelay $0x3  }
0x34: {  	[smem:$0x3FB0] =	sst s10  }
0x35: {  	s10 =	sld [smem:$0x3FAF];
	_ =	sdelay $0x3  }
0x36: {  	p1 =	seq.s32 s10, $0x1;
	s10 =	sld [smem:$0x3FB0];
	_ =	sdelay $0x3  }
0x37: {  	[smem:$0x3FB0] =	sst s10  }
0x38: {  	s10 =	sld [smem:$0x3FB1]  }
0x39: {  	_ = 	snop;
	(pc) =	sbr.ind lr, $3  }
0x3a: {  	_ = 	snop  }
0x3b: {  	_ = 	snop  }
0x3c: {  	p2 =	seq.s32 s10, $0x1;
	s10 =	sld [smem:$0x3FB0]  }
0x3d: {  	_ =	shalt  }
0x3e: {  	_ =	shalt  }
0x3f: {  	_ =	shalt  }
0x40: {  	_ =	shalt  }
0x41: {  	_ =	shalt  }
0x42: {  	_ =	shalt  }
0x43: {  	_ =	shalt  }
0x44: {  	_ =	shalt  }
0x45: {  	_ =	shalt  }
0x46: {  	_ =	shalt  }
0x47: {  	_ =	shalt  }
0x48: {  	_ =	shalt  }
0x49: {  	_ =	shalt  }
0x4a: {  	_ =	shalt  }
0x4b: {  	_ =	shalt  }
0x4c: {  	_ =	shalt  }
0x4d: {  	_ =	shalt  }
0x4e: {  	_ =	shalt  }
0x4f: {  	_ =	shalt  }
0x50: {  	_ =	shalt  }
0x51: {  	_ =	shalt  }
0x52: {  	_ =	shalt  }
0x53: {  	_ =	shalt  }
0x54: {  	_ =	shalt  }
0x55: {  	_ =	shalt  }
0x56: {  	_ =	shalt  }
0x57: {  	_ =	shalt  }
0x58: {  	_ =	shalt  }
0x59: {  	_ =	shalt  }
0x5a: {  	_ =	shalt  }
0x5b: {  	_ =	shalt  }
0x5c: {  	_ =	shalt  }
0x5d: {  	_ =	shalt  }
0x5e: {  	_ =	shalt  }
0x5f: {  	_ =	shalt  }
0x60: {  	_ =	shalt  }
0x61: {  	_ =	shalt  }
0x62: {  	_ =	shalt  }
0x63: {  	_ =	shalt  }
0x64: {  	_ =	shalt  }
0x65: {  	_ =	shalt  }
0x66: {  	_ =	shalt  }
0x67: {  	_ =	shalt  }
0x68: {  	_ =	shalt  }
0x69: {  	_ =	shalt  }
0x6a: {  	_ =	shalt  }
0x6b: {  	_ =	shalt  }
0x6c: {  	_ =	shalt  }
0x6d: {  	_ =	shalt  }
0x6e: {  	_ =	shalt  }
0x6f: {  	_ =	shalt  }
0x70: {  	_ =	shalt  }
0x71: {  	_ =	shalt  }
0x72: {  	_ =	shalt  }
0x73: {  	_ =	shalt  }
0x74: {  	_ =	shalt  }
0x75: {  	_ =	shalt  }
0x76: {  	_ =	shalt  }
0x77: {  	_ =	shalt  }
0x78: {  	_ =	shalt  }
0x79: {  	_ =	shalt  }
0x7a: {  	_ =	shalt  }
0x7b: {  	_ =	shalt  }
0x7c: {  	_ =	shalt  }
0x7d: {  	_ =	shalt  }
0x7e: {  	_ =	shalt  }
0x7f: {  	_ =	shalt  }
0x80: {  	_ =	shalt  }
0x81: {  	_ =	shalt  }
0x82: {  	_ =	shalt  }
0x83: {  	_ =	shalt  }
0x84: {  	_ =	shalt  }
0x85: {  	_ =	shalt  }
0x86: {  	_ =	shalt  }
0x87: {  	_ =	shalt  }
.Lfunc_end0:
.L_simem_size_0:
called_computation_lowered:
.L_overlay_start_0:
0x88: {  	s2 =	sld [smem:$0x3FD9]  }
0x89: {  	s3 =	sld [smem:$0x3FFE];
	_ =	sdelay $0x1  }
0x8a: {  	s1 =	srdreg.scid  }
0x8b: {  	s0 =	sand.u32 $0x1, s1  }
0x8c: {  	s17 =	sshll.u32 s0, $0xA;
	s2 =	sadd.s32 s3, s2  }
0x8d: {  	s2 =	sadd.s32 s2, s17  }
0x8e: {  	[smem:$0x3FBC] =	sst s2  }
0x8f: {  	_ = 	snop  }
0x90: {  	s2 =	sld [smem:$0x3FD0];
	(tm) =	ssettm $0x1  }
0x91: {  	s18 =	sld [smem:$0x3FFB];
	_ =	sdelay $0x3  }
0x92: {  	_ =	strace s18  }
0x93: {  	s3 =	sld [smem:$0x3FFC];
	_ =	sdelay $0x3  }
0x94: {  	_ =	strace s3  }
0x95: {  	s3 =	sld [smem:$0x3FFD];
	_ =	sdelay $0x3  }
0x96: {  	_ =	strace s3  }
0x97: {  	_ =	strace $0x8FFFFFFF  }
0x98: {  	s19 =	sld [smem:$0x3FDB];
	_ =	sdelay $0x1  }
0x99: {  	s4 =	simm.s32 $_scs_section_size  }
0x9a: {  	s5 =	simm.s32 $_size__tile_overlayer_lowered;
	s6 =	simm.s32 $_tile_overlayer_lowered  }
0x9b: {  	s22 =	simm.s32 $0x1BFF;
	s21 =	sshll.u32 s6, $0x1;
	s3 =	sadd.s32 s4, s19  }
0x9c: {  	s7 =	simm.s32 $0x0;
	s20 =	sshll.u32 s5, $0x1;
	s5 =	sadd.s32 s21, s3  }
0x9d: {  	[timem:s7], [sflag:s22] =	dma.local [hbm:s5], s20  }
0x9e: {  	_ =	swait.ge [sflag:s22], s20  }
0x9f: {  	s4 =	ssub.s32 $0x0, s20;
	[sflag:s22] =	ssyncset.done $0x0  }
0xa0: {  	[sflag:s22] =	ssyncadd.s32 s4;
	_ =	sdelay $0x1  }
0xa1: {  	s23 =	simm.s32 $0x1B8B  }
0xa2: {  	_ =	swait.ge [sflag:s23], $0x1  }
0xa3: {  	[sflag:s23] =	ssyncset.done $0x0  }
0xa4: {  	s25 =	simm.s32 $0x1B8E;
	s24 =	sld [smem:$0x3FFE];
	[sflag:s23] =	ssyncadd.s32 $0xFFFFFFFF  }
0xa5: {  	s26 =	simm.s32 $execute0_lowered;
	[smem:$0x3FD2] =	sst s25  }
0xa6: {  	s5 =	sshll.u32 s26, $0x1;
	_ =	strace $0x80000046;
	[dreg:$0x1] =	wrdreg $0xFFFFFFFF  }
0xa7: {  	s28 =	simm.s32 $_size_execute0_lowered;
	s3 =	sadd.s32 s3, s5;
	[dreg:$0x0] =	wrdreg $0x0  }
0xa8: {  	s5 =	sshll.u32 s28, $0x1;
	[dreg:$0x2] =	wrdreg s3  }
0xa9: {  	[dreg:$0x3] =	wrdreg s5  }
0xaa: {  	[dreg:$0x4] =	wrdreg $0xC0  }
0xab: {  	_ =	task [dreg:s7], $0x5FFFF  }
0xac: {  	[dreg:$0x1] =	wrdreg $0xFFFFFFFF  }
0xad: {  	[dreg:$0x0] =	wrdreg $0x60  }
0xae: {  	[dreg:$0x2] =	wrdreg s2  }
0xaf: {  	[dreg:$0x3] =	wrdreg s24  }
0xb0: {  	[dreg:$0x4] =	wrdreg $0x0  }
0xb1: {  	[dreg:$0x5] =	wrdreg $0x9  }
0xb2: {  	_ =	task.clear_ibuf [dreg:s7], $0x6FFFF;
	_ =	strace $0x90000046  }
0xb3: {  	s29 =	simm.s32 $0x9;
	_ =	strace $0x80000048  }
0xb4: {  	_ =	swait.ge [sflag:s29], $0x1  }
0xb5: {  	[sflag:s29] =	ssyncadd.s32 $0xFFFFFFFF  }
0xb6: {  	_ =	strace $0x90000048  }
0xb7: {  	_ =	sfence  }
0xb8: {  	s30 =	sld [smem:$0x0];
	_ =	sdelay $0x2  }
0xb9: {  	s31 =	sshll.u32 s1, $0xD;
	s1 =	sshrl.u32 s1, $0x2  }
0xba: {  	s3 =	sand.u32 $0x4000, s31;
	s1 =	sadd.s32 s1, s30  }
0xbb: {  	s0 =	sor.u32 s3, s0;
	s1 =	sshll.u32 s1, $0x11  }
0xbc: {  	s0 =	sor.u32 s1, s0  }
0xbd: {  	s0 =	sadd.s32 $0x8F2B, s0  }
0xbe: {  	[sflag:s0] =	ssyncadd.remote.s32 $0x1  }
0xbf: {  	_ =	sfence.sel $0xFFFF  }
0xc0: {  	[dreg:$0x0] =	wrdreg $0xFFFFFFFF;
	(pc) =	sbr.abs _section_cstart, $3  }
0xc1: {  	[dreg:$0x1] =	wrdreg $0xFFFFFFFF  }
0xc2: {  	_ =	task.clear_ibuf [dreg:s7], $0x2FFFF;
	_ =	strace $0x9FFFFFFF  }
0xc3: {  	(tm) =	ssettm $0x7FFFFFFF  }
tec
execute0_lowered:
.L_overlay_start_1:
0x0: {  	(tag) =	ssettag $0x1  }
0x1: {  	s2 =	rddreg [dreg:$0x0]  }
0x2: {  	s7 =	rddreg [dreg:$0x1]  }
0x3: {  	s3 =	rddreg [dreg:$0x2]  }
0x4: {  	s0 =	rddreg [dreg:$0x3]  }
0x5: {  	s1 =	stileid.u32;
	s4 =	simm.s32 $0x0;
	s5 =	srdreg.scid  }
0x6: {  	s14 =	simm.s32 $0x5;
	s15 =	simm.s32 $0x14100;
	s16 =	simm.s32 $0x14000  }
0x7: {  	s17 =	simm.s32 $0x14080;
	s18 =	simm.s32 $0x1;
	s19 =	simm.s32 $0x80  }
0x8: {  	s20 =	simm.s32 $0x3;
	s21 =	simm.s32 $0x2;
	s22 =	simm.s32 $0x4  }
0x9: {  	s23 =	simm.s32 $0x0;
	s6 =	smul.u32 $0x14000, s1;
	[smem:$0x7FF] =	sst s4  }
0xa: {  	s8 =	sand.u32 $0x1, s5;
	s5 =	sadd.s32 $0x2BC00, s7;
	s25 =	smul.u32 $0x50000, s1  }
0xb: {  	s31 =	sshll.u32 s1, $0x6;
	_ =	strace $0x80000047;
	s9 =	smul.u32 $0x140000, s8  }
0xc: {  	s11 =	sshll.u32 s8, $0x4;
	s8 =	ssub.s32 $0x2, s8;
	s24 =	sshrl.u32 s6, $0x3  }
0xd: {  	s11 =	sor.u32 s1, s11;
	s28 =	sshrl.u32 s8, $0x1;
	s6 =	sadd.s32 s6, s9  }
0xe: {  	s9 =	sshrl.u32 s25, $0x2;
	s12 =	sshrl.u32 s6, $0x3;
	s6 =	smul.u32 $0x2800, s11  }
0xf: {  	s10 =	sadd.s32 s24, s7;
	s29 =	ssub.s32 s8, s28;
	s13 =	sadd.s32 s9, s3  }
0x10: {  	s9 =	sor.u32 $0x1C05, s31;
	s26 =	sadd.s32 s12, s7;
	s30 =	sshrl.u32 s6, $0x3  }
0x11: {  	s7 =	sadd.s32 $0x3C00, s10;
	s12 =	smax.u32 s29, $0x1;
	s8 =	sadd.s32 s2, s30  }
0x12: {  	s13 =	sshrl.u32 s13, $0x3;
	s11 =	sadd.s32 $0x2C400, s26;
	s10 =	sadd.s32 $0x10, s8  }
.LBB2_1:
0x13: {  	[spmem:s13], [sflag:s9] =	dma.local [hbm:s7], $0x2800  }
0x14: {  	_ =	swait.ge [sflag:s14], $0x2800  }
0x15: {  	[sflag:s14] =	ssyncset.done $0x0  }
0x16: {  	[sflag:s14] =	ssyncadd.s32 $0xFFFFD800  }
0x17: {  	[tilespmem:s15], [sflag:$0x5] =	stream.linear.gather [hbm4b:s5+s4], $0x4000, $0x38;
	[tilespmem:$0x18100] =	vst v63  }
0x18: {  	_ =	swait.ge [sflag:s14], $0x4000  }
0x19: {  	[sflag:s14] =	ssyncset.done $0x0  }
0x1a: {  	[sflag:s14] =	ssyncadd.s32 $0xFFFFC000  }
0x1b: {  	[bflag:$0x0] =	sbarrier.arrive $0xFFFF  }
0x1c: {  	[tilespmem:s16], [sflag:$0x1] =	stream.linear.gather [hbm4b:s8+s4], $0x80, $0x38;
	[tilespmem:$0x18100] =	vst v63  }
0x1d: {  	_ = 	snop  }
0x1e: {  	[tilespmem:s17], [sflag:$0x2] =	stream.linear.gather [hbm4b:s10+s4], $0x80, $0x38;
	[tilespmem:$0x18100] =	vst v63  }
0x1f: {  	s24 =	simm.s32 $0x100;
	_ =	swait.ge [sflag:s18], $0x80  }
0x20: {  	s25 =	sand.u32 $0x7C00, s24;
	[sflag:s18] =	ssyncset.done $0x0  }
0x21: {  	s24 =	sand.u32 $0x300, s24;
	s25 =	sadd.s32 s6, s25;
	[sflag:s18] =	ssyncadd.s32 $0xFFFFFF80  }
0x22: {  	[spmem:s3] =	stream.indirect.scatter.add.f32 [tilespmem:s15], [sflag:$0x3], $0x80, s16, s19, $0xb8;
	[tilespmem:$0x18100] =	vst v63  }
0x23: {  	s24 =	sor.u32 s24, s25;
	_ =	swait.ge [sflag:s20], $0x4000  }
0x24: {  	s24 =	sshrl.u32 s24, $0x3;
	[sflag:s20] =	ssyncset.done $0x0  }
0x25: {  	s31 =	simm.s32 $0x180;
	s24 =	sadd.s32 s2, s24;
	[sflag:s20] =	ssyncadd.s32 $0xFFFFC000  }
0x26: {  	[tilespmem:s16], [sflag:$0x1] =	stream.linear.gather [hbm4b:s24+s4], $0x80, $0x38;
	[tilespmem:$0x18100] =	vst v63  }
0x27: {  	s26 =	sand.u32 $0x7C00, s31;
	_ =	swait.ge [sflag:s21], $0x80  }
0x28: {  	s28 =	sadd.s32 s6, s26;
	[sflag:s21] =	ssyncset.done $0x0  }
0x29: {  	s26 =	simm.s32 $0x380;
	s25 =	sand.u32 $0x380, s31;
	[sflag:s21] =	ssyncadd.s32 $0xFFFFFF80  }
0x2a: {  	[spmem:s3] =	stream.indirect.scatter.add.f32 [tilespmem:s15], [sflag:$0x4], $0x80, s17, s19, $0xb8;
	[tilespmem:$0x18100] =	vst v63  }
0x2b: {  	s28 =	sor.u32 s25, s28;
	s25 =	simm.s32 $0x200;
	_ =	swait.ge [sflag:s22], $0x4000  }
0x2c: {  	s29 =	sshrl.u32 s28, $0x3;
	s28 =	sand.u32 $0x7C00, s25;
	[sflag:s22] =	ssyncset.done $0x0  }
0x2d: {  	s29 =	sadd.s32 s2, s29;
	s24 =	simm.s32 $0x280;
	[sflag:s22] =	ssyncadd.s32 $0xFFFFC000  }
.LBB2_2:
0x2e: {  	[tilespmem:s17], [sflag:$0x2] =	stream.linear.gather [hbm4b:s29+s4], $0x80, $0x38;
	[tilespmem:$0x18100] =	vst v63  }
0x2f: {  	s29 =	smov.u32 s26  }
0x30: {  	s28 =	sadd.s32 s6, s28;
	s25 =	sand.u32 $0x300, s25;
	_ =	swait.ge [sflag:s18], $0x80  }
0x31: {  	s30 =	sadd.s32 $0x100, s26;
	s25 =	sor.u32 s25, s28;
	[sflag:s18] =	ssyncset.done $0x0  }
0x32: {  	p0 =	sne.s32 s26, $0x2780;
	s25 =	sshrl.u32 s25, $0x3;
	[sflag:s18] =	ssyncadd.s32 $0xFFFFFF80  }
0x33: {  	[spmem:s3] =	stream.indirect.scatter.add.f32 [tilespmem:s15], [sflag:$0x3], $0x80, s16, s19, $0xb8;
	[tilespmem:$0x18100] =	vst v63  }
0x34: {  	_ =	swait.ge [sflag:s20], $0x4000  }
0x35: {  	[sflag:s20] =	ssyncset.done $0x0  }
0x36: {  	s25 =	sadd.s32 s2, s25;
	[sflag:s20] =	ssyncadd.s32 $0xFFFFC000  }
0x37: {  	[tilespmem:s16], [sflag:$0x1] =	stream.linear.gather [hbm4b:s25+s4], $0x80, $0x38;
	[tilespmem:$0x18100] =	vst v63  }
0x38: {  	_ =	swait.ge [sflag:s21], $0x80  }
0x39: {  	[sflag:s21] =	ssyncset.done $0x0  }
0x3a: {  	s25 =	sand.u32 $0x7C00, s24;
	[sflag:s21] =	ssyncadd.s32 $0xFFFFFF80  }
0x3b: {  	[spmem:s3] =	stream.indirect.scatter.add.f32 [tilespmem:s15], [sflag:$0x4], $0x80, s17, s19, $0xb8;
	[tilespmem:$0x18100] =	vst v63  }
.Ltmp0:
0x3c: {  	_ = 	snop;
	(pc) =	sbr.rel @p0 .LBB2_2-.Ltmp0, $4  }
0x3d: {  	s24 =	sand.u32 $0x380, s24;
	s25 =	sadd.s32 s6, s25;
	_ =	swait.ge [sflag:s22], $0x4000  }
0x3e: {  	s26 =	sor.u32 s24, s25;
	s24 =	smov.u32 s29;
	[sflag:s22] =	ssyncset.done $0x0  }
0x3f: {  	s25 =	sadd.s32 $0xFFFFFF80, s24;
	s26 =	sshrl.u32 s26, $0x3;
	[sflag:s22] =	ssyncadd.s32 $0xFFFFC000  }
0x40: {  	s28 =	sand.u32 $0x7C00, s25;
	s29 =	sadd.s32 s2, s26;
	s26 =	smov.u32 s30  }
0x41: {  	[tilespmem:s17], [sflag:$0x2] =	stream.linear.gather [hbm4b:s29+s4], $0x80, $0x38;
	[tilespmem:$0x18100] =	vst v63  }
0x42: {  	_ =	swait.ge [sflag:s18], $0x80  }
0x43: {  	[sflag:s18] =	ssyncset.done $0x0  }
0x44: {  	s26 =	sadd.s32 s6, s28;
	s25 =	sand.u32 $0x300, s25;
	[sflag:s18] =	ssyncadd.s32 $0xFFFFFF80  }
0x45: {  	[spmem:s3] =	stream.indirect.scatter.add.f32 [tilespmem:s15], [sflag:$0x3], $0x80, s16, s19, $0xb8;
	[tilespmem:$0x18100] =	vst v63  }
0x46: {  	s25 =	sor.u32 s25, s26;
	_ =	swait.ge [sflag:s20], $0x4000  }
0x47: {  	s25 =	sshrl.u32 s25, $0x3;
	[sflag:s20] =	ssyncset.done $0x0  }
0x48: {  	s25 =	sadd.s32 s2, s25;
	[sflag:s20] =	ssyncadd.s32 $0xFFFFC000  }
0x49: {  	[tilespmem:s16], [sflag:$0x1] =	stream.linear.gather [hbm4b:s25+s4], $0x80, $0x38;
	[tilespmem:$0x18100] =	vst v63  }
0x4a: {  	_ =	swait.ge [sflag:s21], $0x80  }
0x4b: {  	s30 =	sand.u32 $0x7C00, s24;
	[sflag:s21] =	ssyncset.done $0x0  }
0x4c: {  	s31 =	sand.u32 $0x380, s24;
	s25 =	sadd.s32 s6, s30;
	[sflag:s21] =	ssyncadd.s32 $0xFFFFFF80  }
0x4d: {  	[spmem:s3] =	stream.indirect.scatter.add.f32 [tilespmem:s15], [sflag:$0x4], $0x80, s17, s19, $0xb8;
	[tilespmem:$0x18100] =	vst v63  }
0x4e: {  	s24 =	sor.u32 s31, s25;
	_ =	swait.ge [sflag:s22], $0x4000  }
0x4f: {  	s24 =	sshrl.u32 s24, $0x3;
	[sflag:s22] =	ssyncset.done $0x0  }
0x50: {  	s24 =	sadd.s32 s2, s24;
	[sflag:s22] =	ssyncadd.s32 $0xFFFFC000  }
0x51: {  	[tilespmem:s17], [sflag:$0x2] =	stream.linear.gather [hbm4b:s24+s4], $0x80, $0x38;
	[tilespmem:$0x18100] =	vst v63  }
0x52: {  	_ =	swait.ge [sflag:s18], $0x80  }
0x53: {  	[sflag:s18] =	ssyncset.done $0x0  }
0x54: {  	[sflag:s18] =	ssyncadd.s32 $0xFFFFFF80  }
0x55: {  	[spmem:s3] =	stream.indirect.scatter.add.f32 [tilespmem:s15], [sflag:$0x3], $0x80, s16, s19, $0xb8;
	[tilespmem:$0x18100] =	vst v63  }
0x56: {  	_ =	swait.ge [sflag:s21], $0x80  }
0x57: {  	[sflag:s21] =	ssyncset.done $0x0  }
0x58: {  	[sflag:s21] =	ssyncadd.s32 $0xFFFFFF80  }
0x59: {  	[spmem:s3] =	stream.indirect.scatter.add.f32 [tilespmem:s15], [sflag:$0x4], $0x80, s17, s19, $0xb8;
	[tilespmem:$0x18100] =	vst v63  }
0x5a: {  	_ =	swait.ge [sflag:s20], $0x4000  }
0x5b: {  	[sflag:s20] =	ssyncset.done $0x0  }
0x5c: {  	[sflag:s20] =	ssyncadd.s32 $0xFFFFC000  }
0x5d: {  	_ =	swait.ge [sflag:s22], $0x4000  }
0x5e: {  	s23 =	sadd.s32 $0x1, s23;
	[sflag:s22] =	ssyncset.done $0x0  }
0x5f: {  	p0 =	sne.s32 s23, s12;
	[sflag:s22] =	ssyncadd.s32 $0xFFFFC000  }
.Ltmp1:
0x60: {  	[bflag:$0x0] =	sbarrier.arrive $0xFFFF;
	(pc) =	sbr.rel @p0 .LBB2_1-.Ltmp1, $4  }
0x61: {  	[hbm:s11], [sflag:s9] =	dma.local [spmem:s13], $0x2800  }
0x62: {  	_ =	swait.ge [sflag:s14], $0x2800  }
0x63: {  	[sflag:s14] =	ssyncset.done $0x0  }
0x64: {  	[sflag:s14] =	ssyncadd.s32 $0xFFFFD800  }
0x65: {  	_ =	sfence.sel $0x180000  }
0x66: {  	[bflag:$0x0] =	sbarrier.arrive $0xFFFF  }
0x67: {  	p0 =	sne.s32 s1, $0x0;
	_ =	strace $0x90000047  }
0x68: {  	s0 =	sadd.s32 @!p0 $0x100000, s0;
	[bflag:$0x2] =	sbarrier.arrive $0xFFFF  }
0x69: {  	[sflag:s0] =	ssyncadd.tile.s32 @!p0 $0x1;
	_ =	shalt  }
.Lfunc_end2:
_tile_overlayer_lowered:
.L_overlay_start_2:
0x6a: {  	(tag) =	ssettag $0x2  }
0x6b: {  	s0 =	rddreg [dreg:$0x0];
	s2 =	stileid.u32  }
0x6c: {  	s1 =	rddreg [dreg:$0x1];
	p0 =	sne.s32 s2, $0x0  }
0x6d: {  	s3 =	rddreg [dreg:$0x2];
	[bflag:$0x3] =	sbarrier.arrive $0xFFFF;
	s2 =	simm.s32 @!p0 $0x1C05  }
0x6e: {  	[timem:s3], [sflag:s2] =	dma.local @!p0 [hbm:s0], s1  }
0x6f: {  	s0 =	simm.s32 @!p0 $0x5  }
0x70: {  	_ =	swait.ge @!p0 [sflag:s0], s1  }
0x71: {  	s1 =	ssub.s32 @!p0 $0x0, s1;
	[sflag:s0] =	ssyncset.done @!p0 $0x0  }
0x72: {  	[sflag:s0] =	ssyncadd.s32 @!p0 s1  }
0x73: {  	[bflag:$0x3] =	sbarrier.arrive $0xFFFF  }
0x74: {  	_ =	shalt  }

</sc_bundles>
